<compile_context>
chip_gen: v7x
topology: tpu7x:2x2x1
jax: 0.10.2.dev20260603
libtpu: 0.0.44.dev20260713+nightly
codegen_flags: <defaults>
</compile_context>

<pallas_src>
import functools

import jax
import jax.numpy as jnp
from jax import lax
from jax.experimental import pallas as pl
from jax.experimental.pallas import tpu as pltpu
from jax.experimental.pallas import tpu_sc as plsc

LATENT = 64
SLAB = 128
CHUNK = 2
NBUF = 3


@functools.cache
def _build(B: int):
    info = plsc.get_sparse_core_info()
    NC, NS, L = info.num_cores, info.num_subcores, info.num_lanes
    NW = NC * NS
    bpw = B // NW
    nchunks = bpw // CHUNK

    mesh = plsc.VectorSubcoreMesh(core_axis_name="c", subcore_axis_name="s")

    @functools.partial(
        pl.kernel,
        mesh=mesh,
        out_type=jax.ShapeDtypeStruct((B,), jnp.float32),
        scratch_types=[
            pltpu.VMEM((bpw + 16,), jnp.int32),
            pltpu.VMEM((bpw + 16,), jnp.int32),
            pltpu.VMEM((NBUF, 2, CHUNK, LATENT, SLAB), jnp.float32),
            pltpu.VMEM((LATENT,), jnp.float32),
            pltpu.VMEM((bpw,), jnp.float32),
            pltpu.SemaphoreType.DMA,
            pltpu.SemaphoreType.DMA,
            pltpu.SemaphoreType.DMA,
        ],
        compiler_params=pltpu.CompilerParams(needs_layout_passes=False),
    )
    def gmf(uidx_hbm, iidx_hbm, utab_hbm, itab_hbm, w_hbm, dummy_hbm, out_hbm,
            uidx_v, iidx_v, slab_v, w_v, out_v, sem0, sem1, sem2):
        wid = lax.axis_index("s") * NC + lax.axis_index("c")
        base = wid * bpw

        pltpu.sync_copy(uidx_hbm.at[pl.ds(base, bpw)], uidx_v.at[pl.ds(0, bpw)])
        pltpu.sync_copy(iidx_hbm.at[pl.ds(base, bpw)], iidx_v.at[pl.ds(0, bpw)])
        pltpu.sync_copy(w_hbm, w_v)

        lanes = lax.iota(jnp.int32, L)
        sems = (sem0, sem1, sem2)
        dvecs = [lanes + k * L for k in range(LATENT // L)]
        w_chunks = [w_v[pl.ds(k * L, L)] for k in range(LATENT // L)]

        def fire(c, slot):
            ruv = uidx_v[pl.ds(c * CHUNK, L)]
            riv = iidx_v[pl.ds(c * CHUNK, L)]
            for j in range(CHUNK):
                r = ruv[j]
                c0 = pl.multiple_of((r >> 7) << 7, SLAB)
                pltpu.async_copy(
                    utab_hbm.at[:, pl.ds(c0, SLAB)],
                    slab_v.at[slot, 0, j],
                    sems[slot],
                )
                s = riv[j]
                c1 = pl.multiple_of((s >> 7) << 7, SLAB)
                pltpu.async_copy(
                    itab_hbm.at[:, pl.ds(c1, SLAB)],
                    slab_v.at[slot, 1, j],
                    sems[slot],
                )

        def fire_if(c, slot):
            @pl.when(c < nchunks)
            def _():
                fire(c, slot)

        def step(c, slot):
            pltpu.make_async_copy(dummy_hbm, slab_v.at[slot], sems[slot]).wait()
            ruv = uidx_v[pl.ds(c * CHUNK, L)]
            riv = iidx_v[pl.ds(c * CHUNK, L)]
            for j in range(CHUNK):
                ucol = jnp.full((L,), ruv[j] & (SLAB - 1), jnp.int32)
                icol = jnp.full((L,), riv[j] & (SLAB - 1), jnp.int32)
                sl = jnp.full((L,), slot, jnp.int32)
                ej = jnp.full((L,), j, jnp.int32)
                zero = jnp.zeros((L,), jnp.int32)
                one = jnp.full((L,), 1, jnp.int32)
                acc = jnp.zeros((L,), jnp.float32)
                for k in range(LATENT // L):
                    u = plsc.load_gather(slab_v, [sl, zero, ej, dvecs[k], ucol])
                    v = plsc.load_gather(slab_v, [sl, one, ej, dvecs[k], icol])
                    acc = acc + (u * v) * w_chunks[k]
                logit = jnp.sum(acc)
                epos = jnp.full((L,), c * CHUNK + j, jnp.int32)
                plsc.store_scatter(
                    out_v, [epos], jnp.broadcast_to(logit, (L,)),
                    mask=lanes == 0,
                )

        fire(0, 0)
        fire(1, 1)
        fire(2, 2)

        def body(k, _):
            c = 3 * k
            step(c, 0)
            fire_if(c + 3, 0)
            step(c + 1, 1)
            fire_if(c + 4, 1)
            step(c + 2, 2)
            fire_if(c + 5, 2)
            return _

        lax.fori_loop(0, nchunks // 3, body, None)
        step(nchunks - 1, 0)

        for t in range(bpw // L):
            x = out_v[pl.ds(t * L, L)]
            out_v[pl.ds(t * L, L)] = 1.0 / (1.0 + jnp.exp(-x))

        pltpu.sync_copy(out_v, out_hbm.at[pl.ds(base, bpw)])

    return gmf


def kernel(user_indices, item_indices, user_weight, item_weight, linear_weight):
    B = user_indices.shape[0]
    gmf = _build(B)
    uidx = user_indices.astype(jnp.int32)
    iidx = item_indices.astype(jnp.int32)
    w = linear_weight.reshape(LATENT).astype(jnp.float32)
    dummy = jnp.zeros((2, CHUNK, LATENT, SLAB), jnp.float32)
    out = gmf(uidx, iidx, user_weight.T, item_weight.T, w, dummy)
    return out.reshape(B, 1)

# --- scband reference (transcript-rebuilt; emitter-appended) ---
"""Pipeline reference for scband-generalize-matrix-factorization-82325933129801 (READ-ONLY COPY).

The authoritative reference and input builder live on the scoring server;
editing this copy changes nothing except your own understanding.
"""

import jax, jax.numpy as jnp
import numpy as np

NUM_USERS = 1000000
NUM_ITEMS = 1000000
LATENT_DIM = 64
BATCH = 16384

def setup_inputs(seed: int = 0) -> dict:
    key = jax.random.key(seed)
    k1, k2, k3, k4, k5 = jax.random.split(key, 5)
    user_indices = jax.random.randint(k1, (BATCH,), 0, NUM_USERS, dtype=jnp.int64 if jax.config.jax_enable_x64 else jnp.int32)
    item_indices = jax.random.randint(k2, (BATCH,), 0, NUM_ITEMS, dtype=jnp.int64 if jax.config.jax_enable_x64 else jnp.int32)
    # kaiming_uniform fan_in=LATENT_DIM for embeddings: bound = sqrt(3/fan_in)
    bound_emb = float(np.sqrt(3.0 / LATENT_DIM))
    user_weight = jax.random.uniform(k3, (NUM_USERS, LATENT_DIM), dtype=jnp.float32, minval=-bound_emb, maxval=bound_emb)
    item_weight = jax.random.uniform(k4, (NUM_ITEMS, LATENT_DIM), dtype=jnp.float32, minval=-bound_emb, maxval=bound_emb)
    # linear weight [1, LATENT_DIM], kaiming_uniform fan_out=1: bound = sqrt(3/1)
    bound_lin = float(np.sqrt(3.0 / 1.0))
    linear_weight = jax.random.uniform(k5, (1, LATENT_DIM), dtype=jnp.float32, minval=-bound_lin, maxval=bound_lin)
    return {
        "user_indices": user_indices,
        "item_indices": item_indices,
        "user_weight": user_weight,
        "item_weight": item_weight,
        "linear_weight": linear_weight,
    }

def reference(user_indices, item_indices, user_weight, item_weight, linear_weight):
    user_embedding = jnp.take(user_weight, user_indices, axis=0)
    item_embedding = jnp.take(item_weight, item_indices, axis=0)
    element_product = user_embedding * item_embedding
    logits = element_product @ linear_weight.T  # [B, 1]
    pred_proba_rating = jax.nn.sigmoid(logits)
    return pred_proba_rating

if __name__ == "__main__":
    import jax
    _d = setup_inputs()
    print(jax.jit(kernel)(*tuple(_d.values())))

</pallas_src>

<mosaic_0001>
#map = affine_map<(d0, d1) -> (0)>
#map1 = affine_map<(d0, d1) -> (0, 0)>
#map2 = affine_map<(d0, d1) -> (0, 0, 0, 0)>
module attributes {stable_mosaic.version = 14 : i64} {
  func.func @gmf(%arg0: i32, %arg1: i32, %arg2: memref<16384xi32, #tpu.memory_space<hbm>>, %arg3: memref<16384xi32, #tpu.memory_space<hbm>>, %arg4: memref<64x1000000xf32, #tpu.memory_space<hbm>>, %arg5: memref<64x1000000xf32, #tpu.memory_space<hbm>>, %arg6: memref<64xf32, #tpu.memory_space<hbm>>, %arg7: memref<2x2x64x128xf32, #tpu.memory_space<hbm>>, %arg8: memref<16384xf32, #tpu.memory_space<hbm>>, %arg9: memref<528xi32, #tpu.memory_space<vmem>>, %arg10: memref<528xi32, #tpu.memory_space<vmem>>, %arg11: memref<3x2x2x64x128xf32, #tpu.memory_space<vmem>>, %arg12: memref<64xf32, #tpu.memory_space<vmem>>, %arg13: memref<512xf32, #tpu.memory_space<vmem>>, %arg14: memref<!tpu.dma_semaphore, #tpu.memory_space<semaphore_mem>>, %arg15: memref<!tpu.dma_semaphore, #tpu.memory_space<semaphore_mem>>, %arg16: memref<!tpu.dma_semaphore, #tpu.memory_space<semaphore_mem>>) attributes {dimension_semantics = [#tpu.dimension_semantics<core_parallel>, #tpu.dimension_semantics<subcore_parallel>], iteration_bounds = array<i64: 2, 16>, scalar_prefetch = 0 : i64, scratch_operands = 8 : i64, tpu.core_type = #tpu.core_type<sc_vector_subcore>, window_params = [{transform_indices = #map}, {transform_indices = #map}, {transform_indices = #map1}, {transform_indices = #map1}, {transform_indices = #map}, {transform_indices = #map2}, {transform_indices = #map}]} {
    %mul3A = arith.constant 2 : i32
    %mul3A_0 = arith.muli %arg1, %mul3A : i32
    %add3A = arith.addi %mul3A_0, %arg0 : i32
    %mul3A_1 = arith.constant 512 : i32
    %mul3A_2 = arith.muli %add3A, %mul3A_1 : i32
    "tpu.region"() ({
      %run_scoped3A = tpu.sem_alloc : memref<!tpu.dma_semaphore, #tpu.memory_space<semaphore_mem>>
      %dma_start3A_851 = arith.constant 0 : i32
      %dma_start3A_852 = tpu.memref_slice %arg9[%dma_start3A_851] : memref<528xi32, #tpu.memory_space<vmem>> -> memref<512xi32, #tpu.memory_space<vmem>>
      %dma_start3A_853 = tpu.memref_slice %arg2[%mul3A_2] : memref<16384xi32, #tpu.memory_space<hbm>> -> memref<512xi32, #tpu.memory_space<hbm>>
      %dma_start3A_854 = arith.constant 0 : i32
      %dma_start3A_855 = tpu.memref_slice %arg9[%dma_start3A_854] : memref<528xi32, #tpu.memory_space<vmem>> -> memref<512xi32, #tpu.memory_space<vmem>>
      %dma_start3A_856 = tpu.memref_slice %arg2[%mul3A_2] : memref<16384xi32, #tpu.memory_space<hbm>> -> memref<512xi32, #tpu.memory_space<hbm>>
      tpu.enqueue_dma source(%dma_start3A_856 : memref<512xi32, #tpu.memory_space<hbm>>) target(%dma_start3A_855 : memref<512xi32, #tpu.memory_space<vmem>>) target_semaphore(%run_scoped3A : memref<!tpu.dma_semaphore, #tpu.memory_space<semaphore_mem>>)
      %dma_wait3A_857 = arith.constant 0 : i32
      %dma_wait3A_858 = tpu.memref_slice %arg9[%dma_wait3A_857] : memref<528xi32, #tpu.memory_space<vmem>> -> memref<512xi32, #tpu.memory_space<vmem>>
      %dma_wait3A_859 = tpu.memref_slice %arg2[%mul3A_2] : memref<16384xi32, #tpu.memory_space<hbm>> -> memref<512xi32, #tpu.memory_space<hbm>>
      %dma_wait3A_860 = arith.constant 0 : i32
      %dma_wait3A_861 = tpu.memref_slice %arg9[%dma_wait3A_860] : memref<528xi32, #tpu.memory_space<vmem>> -> memref<512xi32, #tpu.memory_space<vmem>>
      %dma_wait3A_862 = tpu.memref_slice %arg2[%mul3A_2] : memref<16384xi32, #tpu.memory_space<hbm>> -> memref<512xi32, #tpu.memory_space<hbm>>
      tpu.wait_dma2 semaphore(%run_scoped3A : memref<!tpu.dma_semaphore, #tpu.memory_space<semaphore_mem>>) src(%dma_wait3A_862 : memref<512xi32, #tpu.memory_space<hbm>>) dst(%dma_wait3A_861 : memref<512xi32, #tpu.memory_space<vmem>>)
      tpu.yield
    }) : () -> ()
    "tpu.region"() ({
      %run_scoped3A = tpu.sem_alloc : memref<!tpu.dma_semaphore, #tpu.memory_space<semaphore_mem>>
      %dma_start3A_851 = arith.constant 0 : i32
      %dma_start3A_852 = tpu.memref_slice %arg10[%dma_start3A_851] : memref<528xi32, #tpu.memory_space<vmem>> -> memref<512xi32, #tpu.memory_space<vmem>>
      %dma_start3A_853 = tpu.memref_slice %arg3[%mul3A_2] : memref<16384xi32, #tpu.memory_space<hbm>> -> memref<512xi32, #tpu.memory_space<hbm>>
      %dma_start3A_854 = arith.constant 0 : i32
      %dma_start3A_855 = tpu.memref_slice %arg10[%dma_start3A_854] : memref<528xi32, #tpu.memory_space<vmem>> -> memref<512xi32, #tpu.memory_space<vmem>>
      %dma_start3A_856 = tpu.memref_slice %arg3[%mul3A_2] : memref<16384xi32, #tpu.memory_space<hbm>> -> memref<512xi32, #tpu.memory_space<hbm>>
      tpu.enqueue_dma source(%dma_start3A_856 : memref<512xi32, #tpu.memory_space<hbm>>) target(%dma_start3A_855 : memref<512xi32, #tpu.memory_space<vmem>>) target_semaphore(%run_scoped3A : memref<!tpu.dma_semaphore, #tpu.memory_space<semaphore_mem>>)
      %dma_wait3A_857 = arith.constant 0 : i32
      %dma_wait3A_858 = tpu.memref_slice %arg10[%dma_wait3A_857] : memref<528xi32, #tpu.memory_space<vmem>> -> memref<512xi32, #tpu.memory_space<vmem>>
      %dma_wait3A_859 = tpu.memref_slice %arg3[%mul3A_2] : memref<16384xi32, #tpu.memory_space<hbm>> -> memref<512xi32, #tpu.memory_space<hbm>>
      %dma_wait3A_860 = arith.constant 0 : i32
      %dma_wait3A_861 = tpu.memref_slice %arg10[%dma_wait3A_860] : memref<528xi32, #tpu.memory_space<vmem>> -> memref<512xi32, #tpu.memory_space<vmem>>
      %dma_wait3A_862 = tpu.memref_slice %arg3[%mul3A_2] : memref<16384xi32, #tpu.memory_space<hbm>> -> memref<512xi32, #tpu.memory_space<hbm>>
      tpu.wait_dma2 semaphore(%run_scoped3A : memref<!tpu.dma_semaphore, #tpu.memory_space<semaphore_mem>>) src(%dma_wait3A_862 : memref<512xi32, #tpu.memory_space<hbm>>) dst(%dma_wait3A_861 : memref<512xi32, #tpu.memory_space<vmem>>)
      tpu.yield
    }) : () -> ()
    "tpu.region"() ({
      %run_scoped3A = tpu.sem_alloc : memref<!tpu.dma_semaphore, #tpu.memory_space<semaphore_mem>>
      tpu.enqueue_dma source(%arg6 : memref<64xf32, #tpu.memory_space<hbm>>) target(%arg12 : memref<64xf32, #tpu.memory_space<vmem>>) target_semaphore(%run_scoped3A : memref<!tpu.dma_semaphore, #tpu.memory_space<semaphore_mem>>)
      tpu.wait_dma2 semaphore(%run_scoped3A : memref<!tpu.dma_semaphore, #tpu.memory_space<semaphore_mem>>) src(%arg6 : memref<64xf32, #tpu.memory_space<hbm>>) dst(%arg12 : memref<64xf32, #tpu.memory_space<vmem>>)
      tpu.yield
    }) : () -> ()
    %iota3A = tpu.iota {dimensions = array<i32: 0>} : vector<16xi32>
    %add3A_3 = arith.constant 0 : i32
    %add3A_4 = vector.broadcast %add3A_3 : i32 to vector<16xi32>
    %add3A_5 = arith.addi %iota3A, %add3A_4 : vector<16xi32>
    %add3A_6 = arith.constant 16 : i32
    %add3A_7 = vector.broadcast %add3A_6 : i32 to vector<16xi32>
    %add3A_8 = arith.addi %iota3A, %add3A_7 : vector<16xi32>
    %add3A_9 = arith.constant 32 : i32
    %add3A_10 = vector.broadcast %add3A_9 : i32 to vector<16xi32>
    %add3A_11 = arith.addi %iota3A, %add3A_10 : vector<16xi32>
    %add3A_12 = arith.constant 48 : i32
    %add3A_13 = vector.broadcast %add3A_12 : i32 to vector<16xi32>
    %add3A_14 = arith.addi %iota3A, %add3A_13 : vector<16xi32>
    %get3A = arith.constant 0 : index
    %get3A_15 = tpu.vector_load %arg12[%get3A] {strides = array<i32>} : memref<64xf32, #tpu.memory_space<vmem>>, vector<16xf32>,
    %get3A_16 = arith.constant 16 : index
    %get3A_17 = tpu.vector_load %arg12[%get3A_16] {strides = array<i32>} : memref<64xf32, #tpu.memory_space<vmem>>, vector<16xf32>,
    %get3A_18 = arith.constant 32 : index
    %get3A_19 = tpu.vector_load %arg12[%get3A_18] {strides = array<i32>} : memref<64xf32, #tpu.memory_space<vmem>>, vector<16xf32>,
    %get3A_20 = arith.constant 48 : index
    %get3A_21 = tpu.vector_load %arg12[%get3A_20] {strides = array<i32>} : memref<64xf32, #tpu.memory_space<vmem>>, vector<16xf32>,
    %get3A_22 = arith.constant 0 : index
    %get3A_23 = tpu.vector_load %arg9[%get3A_22] {strides = array<i32>} : memref<528xi32, #tpu.memory_space<vmem>>, vector<16xi32>,
    %get3A_24 = arith.constant 0 : index
    %get3A_25 = tpu.vector_load %arg10[%get3A_24] {strides = array<i32>} : memref<528xi32, #tpu.memory_space<vmem>>, vector<16xi32>,
    %slice3A = vector.extract_strided_slice %get3A_23 {offsets = [0], sizes = [1], strides = [1]} : vector<16xi32> to vector<1xi32>
    %squeeze3A = vector.extract %slice3A[0] : i32 from vector<1xi32>
    %shift_right_arithmetic3A = arith.constant 7 : i32
    %shift_right_arithmetic3A_26 = arith.shrsi %squeeze3A, %shift_right_arithmetic3A : i32
    %shift_left3A = arith.constant 7 : i32
    %shift_left3A_27 = arith.shli %shift_right_arithmetic3A_26, %shift_left3A : i32
    %multiple_of3A = tpu.assume_multiple %shift_left3A_27, 128 : i32
    %dma_start3A = arith.constant 0 : i32
    %dma_start3A_28 = arith.constant 0 : i32
    %dma_start3A_29 = arith.constant 0 : i32
    %dma_start3A_30 = arith.constant 0 : i32
    %dma_start3A_31 = arith.constant 0 : i32
    %dma_start3A_32 = tpu.memref_slice %arg11[%dma_start3A, %dma_start3A_28, %dma_start3A_29, %dma_start3A_30, %dma_start3A_31] : memref<3x2x2x64x128xf32, #tpu.memory_space<vmem>> -> memref<1x1x1x64x128xf32, #tpu.memory_space<vmem>>
    %dma_start3A_33 = tpu.memref_squeeze %dma_start3A_32 : memref<1x1x1x64x128xf32, #tpu.memory_space<vmem>> -> memref<64x128xf32, #tpu.memory_space<vmem>>
    %dma_start3A_34 = arith.constant 0 : i32
    %dma_start3A_35 = tpu.memref_slice %arg4[%dma_start3A_34, %multiple_of3A] : memref<64x1000000xf32, #tpu.memory_space<hbm>> -> memref<64x128xf32, #tpu.memory_space<hbm>>
    %dma_start3A_36 = arith.constant 0 : i32
    %dma_start3A_37 = arith.constant 0 : i32
    %dma_start3A_38 = tpu.memref_slice %arg11[%dma_start3A, %dma_start3A_28, %dma_start3A_29, %dma_start3A_36, %dma_start3A_37] : memref<3x2x2x64x128xf32, #tpu.memory_space<vmem>> -> memref<1x1x1x64x128xf32, #tpu.memory_space<vmem>>
    %dma_start3A_39 = tpu.memref_squeeze %dma_start3A_38 : memref<1x1x1x64x128xf32, #tpu.memory_space<vmem>> -> memref<64x128xf32, #tpu.memory_space<vmem>>
    %dma_start3A_40 = arith.constant 0 : i32
    %dma_start3A_41 = tpu.memref_slice %arg4[%dma_start3A_40, %multiple_of3A] : memref<64x1000000xf32, #tpu.memory_space<hbm>> -> memref<64x128xf32, #tpu.memory_space<hbm>>
    tpu.enqueue_dma source(%dma_start3A_41 : memref<64x128xf32, #tpu.memory_space<hbm>>) target(%dma_start3A_39 : memref<64x128xf32, #tpu.memory_space<vmem>>) target_semaphore(%arg14 : memref<!tpu.dma_semaphore, #tpu.memory_space<semaphore_mem>>)
    %slice3A_42 = vector.extract_strided_slice %get3A_25 {offsets = [0], sizes = [1], strides = [1]} : vector<16xi32> to vector<1xi32>
    %squeeze3A_43 = vector.extract %slice3A_42[0] : i32 from vector<1xi32>
    %shift_right_arithmetic3A_44 = arith.constant 7 : i32
    %shift_right_arithmetic3A_45 = arith.shrsi %squeeze3A_43, %shift_right_arithmetic3A_44 : i32
    %shift_left3A_46 = arith.constant 7 : i32
    %shift_left3A_47 = arith.shli %shift_right_arithmetic3A_45, %shift_left3A_46 : i32
    %multiple_of3A_48 = tpu.assume_multiple %shift_left3A_47, 128 : i32
    %dma_start3A_49 = arith.constant 0 : i32
    %dma_start3A_50 = arith.constant 1 : i32
    %dma_start3A_51 = arith.constant 0 : i32
    %dma_start3A_52 = arith.constant 0 : i32
    %dma_start3A_53 = arith.constant 0 : i32
    %dma_start3A_54 = tpu.memref_slice %arg11[%dma_start3A_49, %dma_start3A_50, %dma_start3A_51, %dma_start3A_52, %dma_start3A_53] : memref<3x2x2x64x128xf32, #tpu.memory_space<vmem>> -> memref<1x1x1x64x128xf32, #tpu.memory_space<vmem>>
    %dma_start3A_55 = tpu.memref_squeeze %dma_start3A_54 : memref<1x1x1x64x128xf32, #tpu.memory_space<vmem>> -> memref<64x128xf32, #tpu.memory_space<vmem>>
    %dma_start3A_56 = arith.constant 0 : i32
    %dma_start3A_57 = tpu.memref_slice %arg5[%dma_start3A_56, %multiple_of3A_48] : memref<64x1000000xf32, #tpu.memory_space<hbm>> -> memref<64x128xf32, #tpu.memory_space<hbm>>
    %dma_start3A_58 = arith.constant 0 : i32
    %dma_start3A_59 = arith.constant 0 : i32
    %dma_start3A_60 = tpu.memref_slice %arg11[%dma_start3A_49, %dma_start3A_50, %dma_start3A_51, %dma_start3A_58, %dma_start3A_59] : memref<3x2x2x64x128xf32, #tpu.memory_space<vmem>> -> memref<1x1x1x64x128xf32, #tpu.memory_space<vmem>>
    %dma_start3A_61 = tpu.memref_squeeze %dma_start3A_60 : memref<1x1x1x64x128xf32, #tpu.memory_space<vmem>> -> memref<64x128xf32, #tpu.memory_space<vmem>>
    %dma_start3A_62 = arith.constant 0 : i32
    %dma_start3A_63 = tpu.memref_slice %arg5[%dma_start3A_62, %multiple_of3A_48] : memref<64x1000000xf32, #tpu.memory_space<hbm>> -> memref<64x128xf32, #tpu.memory_space<hbm>>
    tpu.enqueue_dma source(%dma_start3A_63 : memref<64x128xf32, #tpu.memory_space<hbm>>) target(%dma_start3A_61 : memref<64x128xf32, #tpu.memory_space<vmem>>) target_semaphore(%arg14 : memref<!tpu.dma_semaphore, #tpu.memory_space<semaphore_mem>>)
    %slice3A_64 = vector.extract_strided_slice %get3A_23 {offsets = [1], sizes = [1], strides = [1]} : vector<16xi32> to vector<1xi32>
    %squeeze3A_65 = vector.extract %slice3A_64[0] : i32 from vector<1xi32>
    %shift_right_arithmetic3A_66 = arith.constant 7 : i32
    %shift_right_arithmetic3A_67 = arith.shrsi %squeeze3A_65, %shift_right_arithmetic3A_66 : i32
    %shift_left3A_68 = arith.constant 7 : i32
    %shift_left3A_69 = arith.shli %shift_right_arithmetic3A_67, %shift_left3A_68 : i32
    %multiple_of3A_70 = tpu.assume_multiple %shift_left3A_69, 128 : i32
    %dma_start3A_71 = arith.constant 0 : i32
    %dma_start3A_72 = arith.constant 0 : i32
    %dma_start3A_73 = arith.constant 1 : i32
    %dma_start3A_74 = arith.constant 0 : i32
    %dma_start3A_75 = arith.constant 0 : i32
    %dma_start3A_76 = tpu.memref_slice %arg11[%dma_start3A_71, %dma_start3A_72, %dma_start3A_73, %dma_start3A_74, %dma_start3A_75] : memref<3x2x2x64x128xf32, #tpu.memory_space<vmem>> -> memref<1x1x1x64x128xf32, #tpu.memory_space<vmem>>
    %dma_start3A_77 = tpu.memref_squeeze %dma_start3A_76 : memref<1x1x1x64x128xf32, #tpu.memory_space<vmem>> -> memref<64x128xf32, #tpu.memory_space<vmem>>
    %dma_start3A_78 = arith.constant 0 : i32
    %dma_start3A_79 = tpu.memref_slice %arg4[%dma_start3A_78, %multiple_of3A_70] : memref<64x1000000xf32, #tpu.memory_space<hbm>> -> memref<64x128xf32, #tpu.memory_space<hbm>>
    %dma_start3A_80 = arith.constant 0 : i32
    %dma_start3A_81 = arith.constant 0 : i32
    %dma_start3A_82 = tpu.memref_slice %arg11[%dma_start3A_71, %dma_start3A_72, %dma_start3A_73, %dma_start3A_80, %dma_start3A_81] : memref<3x2x2x64x128xf32, #tpu.memory_space<vmem>> -> memref<1x1x1x64x128xf32, #tpu.memory_space<vmem>>
    %dma_start3A_83 = tpu.memref_squeeze %dma_start3A_82 : memref<1x1x1x64x128xf32, #tpu.memory_space<vmem>> -> memref<64x128xf32, #tpu.memory_space<vmem>>
    %dma_start3A_84 = arith.constant 0 : i32
    %dma_start3A_85 = tpu.memref_slice %arg4[%dma_start3A_84, %multiple_of3A_70] : memref<64x1000000xf32, #tpu.memory_space<hbm>> -> memref<64x128xf32, #tpu.memory_space<hbm>>
    tpu.enqueue_dma source(%dma_start3A_85 : memref<64x128xf32, #tpu.memory_space<hbm>>) target(%dma_start3A_83 : memref<64x128xf32, #tpu.memory_space<vmem>>) target_semaphore(%arg14 : memref<!tpu.dma_semaphore, #tpu.memory_space<semaphore_mem>>)
    %slice3A_86 = vector.extract_strided_slice %get3A_25 {offsets = [1], sizes = [1], strides = [1]} : vector<16xi32> to vector<1xi32>
    %squeeze3A_87 = vector.extract %slice3A_86[0] : i32 from vector<1xi32>
    %shift_right_arithmetic3A_88 = arith.constant 7 : i32
    %shift_right_arithmetic3A_89 = arith.shrsi %squeeze3A_87, %shift_right_arithmetic3A_88 : i32
    %shift_left3A_90 = arith.constant 7 : i32
    %shift_left3A_91 = arith.shli %shift_right_arithmetic3A_89, %shift_left3A_90 : i32
    %multiple_of3A_92 = tpu.assume_multiple %shift_left3A_91, 128 : i32
    %dma_start3A_93 = arith.constant 0 : i32
    %dma_start3A_94 = arith.constant 1 : i32
    %dma_start3A_95 = arith.constant 1 : i32
    %dma_start3A_96 = arith.constant 0 : i32
    %dma_start3A_97 = arith.constant 0 : i32
    %dma_start3A_98 = tpu.memref_slice %arg11[%dma_start3A_93, %dma_start3A_94, %dma_start3A_95, %dma_start3A_96, %dma_start3A_97] : memref<3x2x2x64x128xf32, #tpu.memory_space<vmem>> -> memref<1x1x1x64x128xf32, #tpu.memory_space<vmem>>
    %dma_start3A_99 = tpu.memref_squeeze %dma_start3A_98 : memref<1x1x1x64x128xf32, #tpu.memory_space<vmem>> -> memref<64x128xf32, #tpu.memory_space<vmem>>
    %dma_start3A_100 = arith.constant 0 : i32
    %dma_start3A_101 = tpu.memref_slice %arg5[%dma_start3A_100, %multiple_of3A_92] : memref<64x1000000xf32, #tpu.memory_space<hbm>> -> memref<64x128xf32, #tpu.memory_space<hbm>>
    %dma_start3A_102 = arith.constant 0 : i32
    %dma_start3A_103 = arith.constant 0 : i32
    %dma_start3A_104 = tpu.memref_slice %arg11[%dma_start3A_93, %dma_start3A_94, %dma_start3A_95, %dma_start3A_102, %dma_start3A_103] : memref<3x2x2x64x128xf32, #tpu.memory_space<vmem>> -> memref<1x1x1x64x128xf32, #tpu.memory_space<vmem>>
    %dma_start3A_105 = tpu.memref_squeeze %dma_start3A_104 : memref<1x1x1x64x128xf32, #tpu.memory_space<vmem>> -> memref<64x128xf32, #tpu.memory_space<vmem>>
    %dma_start3A_106 = arith.constant 0 : i32
    %dma_start3A_107 = tpu.memref_slice %arg5[%dma_start3A_106, %multiple_of3A_92] : memref<64x1000000xf32, #tpu.memory_space<hbm>> -> memref<64x128xf32, #tpu.memory_space<hbm>>
    tpu.enqueue_dma source(%dma_start3A_107 : memref<64x128xf32, #tpu.memory_space<hbm>>) target(%dma_start3A_105 : memref<64x128xf32, #tpu.memory_space<vmem>>) target_semaphore(%arg14 : memref<!tpu.dma_semaphore, #tpu.memory_space<semaphore_mem>>)
    %get3A_108 = arith.constant 2 : index
    %get3A_109 = tpu.vector_load %arg9[%get3A_108] {strides = array<i32>} : memref<528xi32, #tpu.memory_space<vmem>>, vector<16xi32>,
    %get3A_110 = arith.constant 2 : index
    %get3A_111 = tpu.vector_load %arg10[%get3A_110] {strides = array<i32>} : memref<528xi32, #tpu.memory_space<vmem>>, vector<16xi32>,
    %slice3A_112 = vector.extract_strided_slice %get3A_109 {offsets = [0], sizes = [1], strides = [1]} : vector<16xi32> to vector<1xi32>
    %squeeze3A_113 = vector.extract %slice3A_112[0] : i32 from vector<1xi32>
    %shift_right_arithmetic3A_114 = arith.constant 7 : i32
    %shift_right_arithmetic3A_115 = arith.shrsi %squeeze3A_113, %shift_right_arithmetic3A_114 : i32
    %shift_left3A_116 = arith.constant 7 : i32
    %shift_left3A_117 = arith.shli %shift_right_arithmetic3A_115, %shift_left3A_116 : i32
    %multiple_of3A_118 = tpu.assume_multiple %shift_left3A_117, 128 : i32
    %dma_start3A_119 = arith.constant 1 : i32
    %dma_start3A_120 = arith.constant 0 : i32
    %dma_start3A_121 = arith.constant 0 : i32
    %dma_start3A_122 = arith.constant 0 : i32
    %dma_start3A_123 = arith.constant 0 : i32
    %dma_start3A_124 = tpu.memref_slice %arg11[%dma_start3A_119, %dma_start3A_120, %dma_start3A_121, %dma_start3A_122, %dma_start3A_123] : memref<3x2x2x64x128xf32, #tpu.memory_space<vmem>> -> memref<1x1x1x64x128xf32, #tpu.memory_space<vmem>>
    %dma_start3A_125 = tpu.memref_squeeze %dma_start3A_124 : memref<1x1x1x64x128xf32, #tpu.memory_space<vmem>> -> memref<64x128xf32, #tpu.memory_space<vmem>>
    %dma_start3A_126 = arith.constant 0 : i32
    %dma_start3A_127 = tpu.memref_slice %arg4[%dma_start3A_126, %multiple_of3A_118] : memref<64x1000000xf32, #tpu.memory_space<hbm>> -> memref<64x128xf32, #tpu.memory_space<hbm>>
    %dma_start3A_128 = arith.constant 0 : i32
    %dma_start3A_129 = arith.constant 0 : i32
    %dma_start3A_130 = tpu.memref_slice %arg11[%dma_start3A_119, %dma_start3A_120, %dma_start3A_121, %dma_start3A_128, %dma_start3A_129] : memref<3x2x2x64x128xf32, #tpu.memory_space<vmem>> -> memref<1x1x1x64x128xf32, #tpu.memory_space<vmem>>
    %dma_start3A_131 = tpu.memref_squeeze %dma_start3A_130 : memref<1x1x1x64x128xf32, #tpu.memory_space<vmem>> -> memref<64x128xf32, #tpu.memory_space<vmem>>
    %dma_start3A_132 = arith.constant 0 : i32
    %dma_start3A_133 = tpu.memref_slice %arg4[%dma_start3A_132, %multiple_of3A_118] : memref<64x1000000xf32, #tpu.memory_space<hbm>> -> memref<64x128xf32, #tpu.memory_space<hbm>>
    tpu.enqueue_dma source(%dma_start3A_133 : memref<64x128xf32, #tpu.memory_space<hbm>>) target(%dma_start3A_131 : memref<64x128xf32, #tpu.memory_space<vmem>>) target_semaphore(%arg15 : memref<!tpu.dma_semaphore, #tpu.memory_space<semaphore_mem>>)
    %slice3A_134 = vector.extract_strided_slice %get3A_111 {offsets = [0], sizes = [1], strides = [1]} : vector<16xi32> to vector<1xi32>
    %squeeze3A_135 = vector.extract %slice3A_134[0] : i32 from vector<1xi32>
    %shift_right_arithmetic3A_136 = arith.constant 7 : i32
    %shift_right_arithmetic3A_137 = arith.shrsi %squeeze3A_135, %shift_right_arithmetic3A_136 : i32
    %shift_left3A_138 = arith.constant 7 : i32
    %shift_left3A_139 = arith.shli %shift_right_arithmetic3A_137, %shift_left3A_138 : i32
    %multiple_of3A_140 = tpu.assume_multiple %shift_left3A_139, 128 : i32
    %dma_start3A_141 = arith.constant 1 : i32
    %dma_start3A_142 = arith.constant 1 : i32
    %dma_start3A_143 = arith.constant 0 : i32
    %dma_start3A_144 = arith.constant 0 : i32
    %dma_start3A_145 = arith.constant 0 : i32
    %dma_start3A_146 = tpu.memref_slice %arg11[%dma_start3A_141, %dma_start3A_142, %dma_start3A_143, %dma_start3A_144, %dma_start3A_145] : memref<3x2x2x64x128xf32, #tpu.memory_space<vmem>> -> memref<1x1x1x64x128xf32, #tpu.memory_space<vmem>>
    %dma_start3A_147 = tpu.memref_squeeze %dma_start3A_146 : memref<1x1x1x64x128xf32, #tpu.memory_space<vmem>> -> memref<64x128xf32, #tpu.memory_space<vmem>>
    %dma_start3A_148 = arith.constant 0 : i32
    %dma_start3A_149 = tpu.memref_slice %arg5[%dma_start3A_148, %multiple_of3A_140] : memref<64x1000000xf32, #tpu.memory_space<hbm>> -> memref<64x128xf32, #tpu.memory_space<hbm>>
    %dma_start3A_150 = arith.constant 0 : i32
    %dma_start3A_151 = arith.constant 0 : i32
    %dma_start3A_152 = tpu.memref_slice %arg11[%dma_start3A_141, %dma_start3A_142, %dma_start3A_143, %dma_start3A_150, %dma_start3A_151] : memref<3x2x2x64x128xf32, #tpu.memory_space<vmem>> -> memref<1x1x1x64x128xf32, #tpu.memory_space<vmem>>
    %dma_start3A_153 = tpu.memref_squeeze %dma_start3A_152 : memref<1x1x1x64x128xf32, #tpu.memory_space<vmem>> -> memref<64x128xf32, #tpu.memory_space<vmem>>
    %dma_start3A_154 = arith.constant 0 : i32
    %dma_start3A_155 = tpu.memref_slice %arg5[%dma_start3A_154, %multiple_of3A_140] : memref<64x1000000xf32, #tpu.memory_space<hbm>> -> memref<64x128xf32, #tpu.memory_space<hbm>>
    tpu.enqueue_dma source(%dma_start3A_155 : memref<64x128xf32, #tpu.memory_space<hbm>>) target(%dma_start3A_153 : memref<64x128xf32, #tpu.memory_space<vmem>>) target_semaphore(%arg15 : memref<!tpu.dma_semaphore, #tpu.memory_space<semaphore_mem>>)
    %slice3A_156 = vector.extract_strided_slice %get3A_109 {offsets = [1], sizes = [1], strides = [1]} : vector<16xi32> to vector<1xi32>
    %squeeze3A_157 = vector.extract %slice3A_156[0] : i32 from vector<1xi32>
    %shift_right_arithmetic3A_158 = arith.constant 7 : i32
    %shift_right_arithmetic3A_159 = arith.shrsi %squeeze3A_157, %shift_right_arithmetic3A_158 : i32
    %shift_left3A_160 = arith.constant 7 : i32
    %shift_left3A_161 = arith.shli %shift_right_arithmetic3A_159, %shift_left3A_160 : i32
    %multiple_of3A_162 = tpu.assume_multiple %shift_left3A_161, 128 : i32
    %dma_start3A_163 = arith.constant 1 : i32
    %dma_start3A_164 = arith.constant 0 : i32
    %dma_start3A_165 = arith.constant 1 : i32
    %dma_start3A_166 = arith.constant 0 : i32
    %dma_start3A_167 = arith.constant 0 : i32
    %dma_start3A_168 = tpu.memref_slice %arg11[%dma_start3A_163, %dma_start3A_164, %dma_start3A_165, %dma_start3A_166, %dma_start3A_167] : memref<3x2x2x64x128xf32, #tpu.memory_space<vmem>> -> memref<1x1x1x64x128xf32, #tpu.memory_space<vmem>>
    %dma_start3A_169 = tpu.memref_squeeze %dma_start3A_168 : memref<1x1x1x64x128xf32, #tpu.memory_space<vmem>> -> memref<64x128xf32, #tpu.memory_space<vmem>>
    %dma_start3A_170 = arith.constant 0 : i32
    %dma_start3A_171 = tpu.memref_slice %arg4[%dma_start3A_170, %multiple_of3A_162] : memref<64x1000000xf32, #tpu.memory_space<hbm>> -> memref<64x128xf32, #tpu.memory_space<hbm>>
    %dma_start3A_172 = arith.constant 0 : i32
    %dma_start3A_173 = arith.constant 0 : i32
    %dma_start3A_174 = tpu.memref_slice %arg11[%dma_start3A_163, %dma_start3A_164, %dma_start3A_165, %dma_start3A_172, %dma_start3A_173] : memref<3x2x2x64x128xf32, #tpu.memory_space<vmem>> -> memref<1x1x1x64x128xf32, #tpu.memory_space<vmem>>
    %dma_start3A_175 = tpu.memref_squeeze %dma_start3A_174 : memref<1x1x1x64x128xf32, #tpu.memory_space<vmem>> -> memref<64x128xf32, #tpu.memory_space<vmem>>
    %dma_start3A_176 = arith.constant 0 : i32
    %dma_start3A_177 = tpu.memref_slice %arg4[%dma_start3A_176, %multiple_of3A_162] : memref<64x1000000xf32, #tpu.memory_space<hbm>> -> memref<64x128xf32, #tpu.memory_space<hbm>>
    tpu.enqueue_dma source(%dma_start3A_177 : memref<64x128xf32, #tpu.memory_space<hbm>>) target(%dma_start3A_175 : memref<64x128xf32, #tpu.memory_space<vmem>>) target_semaphore(%arg15 : memref<!tpu.dma_semaphore, #tpu.memory_space<semaphore_mem>>)
    %slice3A_178 = vector.extract_strided_slice %get3A_111 {offsets = [1], sizes = [1], strides = [1]} : vector<16xi32> to vector<1xi32>
    %squeeze3A_179 = vector.extract %slice3A_178[0] : i32 from vector<1xi32>
    %shift_right_arithmetic3A_180 = arith.constant 7 : i32
    %shift_right_arithmetic3A_181 = arith.shrsi %squeeze3A_179, %shift_right_arithmetic3A_180 : i32
    %shift_left3A_182 = arith.constant 7 : i32
    %shift_left3A_183 = arith.shli %shift_right_arithmetic3A_181, %shift_left3A_182 : i32
    %multiple_of3A_184 = tpu.assume_multiple %shift_left3A_183, 128 : i32
    %dma_start3A_185 = arith.constant 1 : i32
    %dma_start3A_186 = arith.constant 1 : i32
    %dma_start3A_187 = arith.constant 1 : i32
    %dma_start3A_188 = arith.constant 0 : i32
    %dma_start3A_189 = arith.constant 0 : i32
    %dma_start3A_190 = tpu.memref_slice %arg11[%dma_start3A_185, %dma_start3A_186, %dma_start3A_187, %dma_start3A_188, %dma_start3A_189] : memref<3x2x2x64x128xf32, #tpu.memory_space<vmem>> -> memref<1x1x1x64x128xf32, #tpu.memory_space<vmem>>
    %dma_start3A_191 = tpu.memref_squeeze %dma_start3A_190 : memref<1x1x1x64x128xf32, #tpu.memory_space<vmem>> -> memref<64x128xf32, #tpu.memory_space<vmem>>
    %dma_start3A_192 = arith.constant 0 : i32
    %dma_start3A_193 = tpu.memref_slice %arg5[%dma_start3A_192, %multiple_of3A_184] : memref<64x1000000xf32, #tpu.memory_space<hbm>> -> memref<64x128xf32, #tpu.memory_space<hbm>>
    %dma_start3A_194 = arith.constant 0 : i32
    %dma_start3A_195 = arith.constant 0 : i32
    %dma_start3A_196 = tpu.memref_slice %arg11[%dma_start3A_185, %dma_start3A_186, %dma_start3A_187, %dma_start3A_194, %dma_start3A_195] : memref<3x2x2x64x128xf32, #tpu.memory_space<vmem>> -> memref<1x1x1x64x128xf32, #tpu.memory_space<vmem>>
    %dma_start3A_197 = tpu.memref_squeeze %dma_start3A_196 : memref<1x1x1x64x128xf32, #tpu.memory_space<vmem>> -> memref<64x128xf32, #tpu.memory_space<vmem>>
    %dma_start3A_198 = arith.constant 0 : i32
    %dma_start3A_199 = tpu.memref_slice %arg5[%dma_start3A_198, %multiple_of3A_184] : memref<64x1000000xf32, #tpu.memory_space<hbm>> -> memref<64x128xf32, #tpu.memory_space<hbm>>
    tpu.enqueue_dma source(%dma_start3A_199 : memref<64x128xf32, #tpu.memory_space<hbm>>) target(%dma_start3A_197 : memref<64x128xf32, #tpu.memory_space<vmem>>) target_semaphore(%arg15 : memref<!tpu.dma_semaphore, #tpu.memory_space<semaphore_mem>>)
    %get3A_200 = arith.constant 4 : index
    %get3A_201 = tpu.vector_load %arg9[%get3A_200] {strides = array<i32>} : memref<528xi32, #tpu.memory_space<vmem>>, vector<16xi32>,
    %get3A_202 = arith.constant 4 : index
    %get3A_203 = tpu.vector_load %arg10[%get3A_202] {strides = array<i32>} : memref<528xi32, #tpu.memory_space<vmem>>, vector<16xi32>,
    %slice3A_204 = vector.extract_strided_slice %get3A_201 {offsets = [0], sizes = [1], strides = [1]} : vector<16xi32> to vector<1xi32>
    %squeeze3A_205 = vector.extract %slice3A_204[0] : i32 from vector<1xi32>
    %shift_right_arithmetic3A_206 = arith.constant 7 : i32
    %shift_right_arithmetic3A_207 = arith.shrsi %squeeze3A_205, %shift_right_arithmetic3A_206 : i32
    %shift_left3A_208 = arith.constant 7 : i32
    %shift_left3A_209 = arith.shli %shift_right_arithmetic3A_207, %shift_left3A_208 : i32
    %multiple_of3A_210 = tpu.assume_multiple %shift_left3A_209, 128 : i32
    %dma_start3A_211 = arith.constant 2 : i32
    %dma_start3A_212 = arith.constant 0 : i32
    %dma_start3A_213 = arith.constant 0 : i32
    %dma_start3A_214 = arith.constant 0 : i32
    %dma_start3A_215 = arith.constant 0 : i32
    %dma_start3A_216 = tpu.memref_slice %arg11[%dma_start3A_211, %dma_start3A_212, %dma_start3A_213, %dma_start3A_214, %dma_start3A_215] : memref<3x2x2x64x128xf32, #tpu.memory_space<vmem>> -> memref<1x1x1x64x128xf32, #tpu.memory_space<vmem>>
    %dma_start3A_217 = tpu.memref_squeeze %dma_start3A_216 : memref<1x1x1x64x128xf32, #tpu.memory_space<vmem>> -> memref<64x128xf32, #tpu.memory_space<vmem>>
    %dma_start3A_218 = arith.constant 0 : i32
    %dma_start3A_219 = tpu.memref_slice %arg4[%dma_start3A_218, %multiple_of3A_210] : memref<64x1000000xf32, #tpu.memory_space<hbm>> -> memref<64x128xf32, #tpu.memory_space<hbm>>
    %dma_start3A_220 = arith.constant 0 : i32
    %dma_start3A_221 = arith.constant 0 : i32
    %dma_start3A_222 = tpu.memref_slice %arg11[%dma_start3A_211, %dma_start3A_212, %dma_start3A_213, %dma_start3A_220, %dma_start3A_221] : memref<3x2x2x64x128xf32, #tpu.memory_space<vmem>> -> memref<1x1x1x64x128xf32, #tpu.memory_space<vmem>>
    %dma_start3A_223 = tpu.memref_squeeze %dma_start3A_222 : memref<1x1x1x64x128xf32, #tpu.memory_space<vmem>> -> memref<64x128xf32, #tpu.memory_space<vmem>>
    %dma_start3A_224 = arith.constant 0 : i32
    %dma_start3A_225 = tpu.memref_slice %arg4[%dma_start3A_224, %multiple_of3A_210] : memref<64x1000000xf32, #tpu.memory_space<hbm>> -> memref<64x128xf32, #tpu.memory_space<hbm>>
    tpu.enqueue_dma source(%dma_start3A_225 : memref<64x128xf32, #tpu.memory_space<hbm>>) target(%dma_start3A_223 : memref<64x128xf32, #tpu.memory_space<vmem>>) target_semaphore(%arg16 : memref<!tpu.dma_semaphore, #tpu.memory_space<semaphore_mem>>)
    %slice3A_226 = vector.extract_strided_slice %get3A_203 {offsets = [0], sizes = [1], strides = [1]} : vector<16xi32> to vector<1xi32>
    %squeeze3A_227 = vector.extract %slice3A_226[0] : i32 from vector<1xi32>
    %shift_right_arithmetic3A_228 = arith.constant 7 : i32
    %shift_right_arithmetic3A_229 = arith.shrsi %squeeze3A_227, %shift_right_arithmetic3A_228 : i32
    %shift_left3A_230 = arith.constant 7 : i32
    %shift_left3A_231 = arith.shli %shift_right_arithmetic3A_229, %shift_left3A_230 : i32
    %multiple_of3A_232 = tpu.assume_multiple %shift_left3A_231, 128 : i32
    %dma_start3A_233 = arith.constant 2 : i32
    %dma_start3A_234 = arith.constant 1 : i32
    %dma_start3A_235 = arith.constant 0 : i32
    %dma_start3A_236 = arith.constant 0 : i32
    %dma_start3A_237 = arith.constant 0 : i32
    %dma_start3A_238 = tpu.memref_slice %arg11[%dma_start3A_233, %dma_start3A_234, %dma_start3A_235, %dma_start3A_236, %dma_start3A_237] : memref<3x2x2x64x128xf32, #tpu.memory_space<vmem>> -> memref<1x1x1x64x128xf32, #tpu.memory_space<vmem>>
    %dma_start3A_239 = tpu.memref_squeeze %dma_start3A_238 : memref<1x1x1x64x128xf32, #tpu.memory_space<vmem>> -> memref<64x128xf32, #tpu.memory_space<vmem>>
    %dma_start3A_240 = arith.constant 0 : i32
    %dma_start3A_241 = tpu.memref_slice %arg5[%dma_start3A_240, %multiple_of3A_232] : memref<64x1000000xf32, #tpu.memory_space<hbm>> -> memref<64x128xf32, #tpu.memory_space<hbm>>
    %dma_start3A_242 = arith.constant 0 : i32
    %dma_start3A_243 = arith.constant 0 : i32
    %dma_start3A_244 = tpu.memref_slice %arg11[%dma_start3A_233, %dma_start3A_234, %dma_start3A_235, %dma_start3A_242, %dma_start3A_243] : memref<3x2x2x64x128xf32, #tpu.memory_space<vmem>> -> memref<1x1x1x64x128xf32, #tpu.memory_space<vmem>>
    %dma_start3A_245 = tpu.memref_squeeze %dma_start3A_244 : memref<1x1x1x64x128xf32, #tpu.memory_space<vmem>> -> memref<64x128xf32, #tpu.memory_space<vmem>>
    %dma_start3A_246 = arith.constant 0 : i32
    %dma_start3A_247 = tpu.memref_slice %arg5[%dma_start3A_246, %multiple_of3A_232] : memref<64x1000000xf32, #tpu.memory_space<hbm>> -> memref<64x128xf32, #tpu.memory_space<hbm>>
    tpu.enqueue_dma source(%dma_start3A_247 : memref<64x128xf32, #tpu.memory_space<hbm>>) target(%dma_start3A_245 : memref<64x128xf32, #tpu.memory_space<vmem>>) target_semaphore(%arg16 : memref<!tpu.dma_semaphore, #tpu.memory_space<semaphore_mem>>)
    %slice3A_248 = vector.extract_strided_slice %get3A_201 {offsets = [1], sizes = [1], strides = [1]} : vector<16xi32> to vector<1xi32>
    %squeeze3A_249 = vector.extract %slice3A_248[0] : i32 from vector<1xi32>
    %shift_right_arithmetic3A_250 = arith.constant 7 : i32
    %shift_right_arithmetic3A_251 = arith.shrsi %squeeze3A_249, %shift_right_arithmetic3A_250 : i32
    %shift_left3A_252 = arith.constant 7 : i32
    %shift_left3A_253 = arith.shli %shift_right_arithmetic3A_251, %shift_left3A_252 : i32
    %multiple_of3A_254 = tpu.assume_multiple %shift_left3A_253, 128 : i32
    %dma_start3A_255 = arith.constant 2 : i32
    %dma_start3A_256 = arith.constant 0 : i32
    %dma_start3A_257 = arith.constant 1 : i32
    %dma_start3A_258 = arith.constant 0 : i32
    %dma_start3A_259 = arith.constant 0 : i32
    %dma_start3A_260 = tpu.memref_slice %arg11[%dma_start3A_255, %dma_start3A_256, %dma_start3A_257, %dma_start3A_258, %dma_start3A_259] : memref<3x2x2x64x128xf32, #tpu.memory_space<vmem>> -> memref<1x1x1x64x128xf32, #tpu.memory_space<vmem>>
    %dma_start3A_261 = tpu.memref_squeeze %dma_start3A_260 : memref<1x1x1x64x128xf32, #tpu.memory_space<vmem>> -> memref<64x128xf32, #tpu.memory_space<vmem>>
    %dma_start3A_262 = arith.constant 0 : i32
    %dma_start3A_263 = tpu.memref_slice %arg4[%dma_start3A_262, %multiple_of3A_254] : memref<64x1000000xf32, #tpu.memory_space<hbm>> -> memref<64x128xf32, #tpu.memory_space<hbm>>
    %dma_start3A_264 = arith.constant 0 : i32
    %dma_start3A_265 = arith.constant 0 : i32
    %dma_start3A_266 = tpu.memref_slice %arg11[%dma_start3A_255, %dma_start3A_256, %dma_start3A_257, %dma_start3A_264, %dma_start3A_265] : memref<3x2x2x64x128xf32, #tpu.memory_space<vmem>> -> memref<1x1x1x64x128xf32, #tpu.memory_space<vmem>>
    %dma_start3A_267 = tpu.memref_squeeze %dma_start3A_266 : memref<1x1x1x64x128xf32, #tpu.memory_space<vmem>> -> memref<64x128xf32, #tpu.memory_space<vmem>>
    %dma_start3A_268 = arith.constant 0 : i32
    %dma_start3A_269 = tpu.memref_slice %arg4[%dma_start3A_268, %multiple_of3A_254] : memref<64x1000000xf32, #tpu.memory_space<hbm>> -> memref<64x128xf32, #tpu.memory_space<hbm>>
    tpu.enqueue_dma source(%dma_start3A_269 : memref<64x128xf32, #tpu.memory_space<hbm>>) target(%dma_start3A_267 : memref<64x128xf32, #tpu.memory_space<vmem>>) target_semaphore(%arg16 : memref<!tpu.dma_semaphore, #tpu.memory_space<semaphore_mem>>)
    %slice3A_270 = vector.extract_strided_slice %get3A_203 {offsets = [1], sizes = [1], strides = [1]} : vector<16xi32> to vector<1xi32>
    %squeeze3A_271 = vector.extract %slice3A_270[0] : i32 from vector<1xi32>
    %shift_right_arithmetic3A_272 = arith.constant 7 : i32
    %shift_right_arithmetic3A_273 = arith.shrsi %squeeze3A_271, %shift_right_arithmetic3A_272 : i32
    %shift_left3A_274 = arith.constant 7 : i32
    %shift_left3A_275 = arith.shli %shift_right_arithmetic3A_273, %shift_left3A_274 : i32
    %multiple_of3A_276 = tpu.assume_multiple %shift_left3A_275, 128 : i32
    %dma_start3A_277 = arith.constant 2 : i32
    %dma_start3A_278 = arith.constant 1 : i32
    %dma_start3A_279 = arith.constant 1 : i32
    %dma_start3A_280 = arith.constant 0 : i32
    %dma_start3A_281 = arith.constant 0 : i32
    %dma_start3A_282 = tpu.memref_slice %arg11[%dma_start3A_277, %dma_start3A_278, %dma_start3A_279, %dma_start3A_280, %dma_start3A_281] : memref<3x2x2x64x128xf32, #tpu.memory_space<vmem>> -> memref<1x1x1x64x128xf32, #tpu.memory_space<vmem>>
    %dma_start3A_283 = tpu.memref_squeeze %dma_start3A_282 : memref<1x1x1x64x128xf32, #tpu.memory_space<vmem>> -> memref<64x128xf32, #tpu.memory_space<vmem>>
    %dma_start3A_284 = arith.constant 0 : i32
    %dma_start3A_285 = tpu.memref_slice %arg5[%dma_start3A_284, %multiple_of3A_276] : memref<64x1000000xf32, #tpu.memory_space<hbm>> -> memref<64x128xf32, #tpu.memory_space<hbm>>
    %dma_start3A_286 = arith.constant 0 : i32
    %dma_start3A_287 = arith.constant 0 : i32
    %dma_start3A_288 = tpu.memref_slice %arg11[%dma_start3A_277, %dma_start3A_278, %dma_start3A_279, %dma_start3A_286, %dma_start3A_287] : memref<3x2x2x64x128xf32, #tpu.memory_space<vmem>> -> memref<1x1x1x64x128xf32, #tpu.memory_space<vmem>>
    %dma_start3A_289 = tpu.memref_squeeze %dma_start3A_288 : memref<1x1x1x64x128xf32, #tpu.memory_space<vmem>> -> memref<64x128xf32, #tpu.memory_space<vmem>>
    %dma_start3A_290 = arith.constant 0 : i32
    %dma_start3A_291 = tpu.memref_slice %arg5[%dma_start3A_290, %multiple_of3A_276] : memref<64x1000000xf32, #tpu.memory_space<hbm>> -> memref<64x128xf32, #tpu.memory_space<hbm>>
    tpu.enqueue_dma source(%dma_start3A_291 : memref<64x128xf32, #tpu.memory_space<hbm>>) target(%dma_start3A_289 : memref<64x128xf32, #tpu.memory_space<vmem>>) target_semaphore(%arg16 : memref<!tpu.dma_semaphore, #tpu.memory_space<semaphore_mem>>)
    %scan3A = arith.constant 0 : i32
    %scan3A_292 = arith.constant 85 : i32
    %scan3A_293 = arith.addi %scan3A, %scan3A_292 : i32
    %scan3A_294 = arith.constant 1 : i32
    scf.for %scan3A_851 = %scan3A to %scan3A_293 step %scan3A_294  : i32 {
      %mul3A_852 = arith.constant 3 : i32
      %mul3A_853 = arith.muli %mul3A_852, %scan3A_851 : i32
      %dma_wait3A_854 = arith.constant 0 : i32
      %dma_wait3A_855 = arith.constant 0 : i32
      %dma_wait3A_856 = arith.constant 0 : i32
      %dma_wait3A_857 = arith.constant 0 : i32
      %dma_wait3A_858 = arith.constant 0 : i32
      %dma_wait3A_859 = tpu.memref_slice %arg11[%dma_wait3A_854, %dma_wait3A_855, %dma_wait3A_856, %dma_wait3A_857, %dma_wait3A_858] : memref<3x2x2x64x128xf32, #tpu.memory_space<vmem>> -> memref<1x2x2x64x128xf32, #tpu.memory_space<vmem>>
      %dma_wait3A_860 = tpu.memref_squeeze %dma_wait3A_859 : memref<1x2x2x64x128xf32, #tpu.memory_space<vmem>> -> memref<2x2x64x128xf32, #tpu.memory_space<vmem>>
      %dma_wait3A_861 = arith.constant 0 : i32
      %dma_wait3A_862 = arith.constant 0 : i32
      %dma_wait3A_863 = arith.constant 0 : i32
      %dma_wait3A_864 = arith.constant 0 : i32
      %dma_wait3A_865 = tpu.memref_slice %arg11[%dma_wait3A_854, %dma_wait3A_861, %dma_wait3A_862, %dma_wait3A_863, %dma_wait3A_864] : memref<3x2x2x64x128xf32, #tpu.memory_space<vmem>> -> memref<1x2x2x64x128xf32, #tpu.memory_space<vmem>>
      %dma_wait3A_866 = tpu.memref_squeeze %dma_wait3A_865 : memref<1x2x2x64x128xf32, #tpu.memory_space<vmem>> -> memref<2x2x64x128xf32, #tpu.memory_space<vmem>>
      tpu.wait_dma2 semaphore(%arg14 : memref<!tpu.dma_semaphore, #tpu.memory_space<semaphore_mem>>) src(%arg7 : memref<2x2x64x128xf32, #tpu.memory_space<hbm>>) dst(%dma_wait3A_866 : memref<2x2x64x128xf32, #tpu.memory_space<vmem>>)
      %mul3A_867 = arith.constant 2 : i32
      %mul3A_868 = arith.muli %mul3A_853, %mul3A_867 : i32
      %get3A_869 = arith.index_cast %mul3A_868 : i32 to index
      %get3A_870 = tpu.vector_load %arg9[%get3A_869] {strides = array<i32>} : memref<528xi32, #tpu.memory_space<vmem>>, vector<16xi32>,
      %mul3A_871 = arith.constant 2 : i32
      %mul3A_872 = arith.muli %mul3A_853, %mul3A_871 : i32
      %get3A_873 = arith.index_cast %mul3A_872 : i32 to index
      %get3A_874 = tpu.vector_load %arg10[%get3A_873] {strides = array<i32>} : memref<528xi32, #tpu.memory_space<vmem>>, vector<16xi32>,
      %slice3A_875 = vector.extract_strided_slice %get3A_870 {offsets = [0], sizes = [1], strides = [1]} : vector<16xi32> to vector<1xi32>
      %squeeze3A_876 = vector.extract %slice3A_875[0] : i32 from vector<1xi32>
      %and3A_877 = arith.constant 127 : i32
      %and3A_878 = arith.andi %squeeze3A_876, %and3A_877 : i32
      %broadcast_in_dim3A_879 = vector.broadcast %and3A_878 : i32 to vector<16xi32>
      %slice3A_880 = vector.extract_strided_slice %get3A_874 {offsets = [0], sizes = [1], strides = [1]} : vector<16xi32> to vector<1xi32>
      %squeeze3A_881 = vector.extract %slice3A_880[0] : i32 from vector<1xi32>
      %and3A_882 = arith.constant 127 : i32
      %and3A_883 = arith.andi %squeeze3A_881, %and3A_882 : i32
      %broadcast_in_dim3A_884 = vector.broadcast %and3A_883 : i32 to vector<16xi32>
      %broadcast_in_dim3A_885 = arith.constant 0 : i32
      %broadcast_in_dim3A_886 = vector.broadcast %broadcast_in_dim3A_885 : i32 to vector<16xi32>
      %broadcast_in_dim3A_887 = arith.constant 0 : i32
      %broadcast_in_dim3A_888 = vector.broadcast %broadcast_in_dim3A_887 : i32 to vector<16xi32>
      %broadcast_in_dim3A_889 = arith.constant 0 : i32
      %broadcast_in_dim3A_890 = vector.broadcast %broadcast_in_dim3A_889 : i32 to vector<16xi32>
      %broadcast_in_dim3A_891 = arith.constant 1 : i32
      %broadcast_in_dim3A_892 = vector.broadcast %broadcast_in_dim3A_891 : i32 to vector<16xi32>
      %broadcast_in_dim3A_893 = arith.constant 0.000000e+00 : f32
      %broadcast_in_dim3A_894 = vector.broadcast %broadcast_in_dim3A_893 : f32 to vector<16xf32>
      %gather3A_895 = tpu.vector_load_idx %arg11[%broadcast_in_dim3A_886, %broadcast_in_dim3A_890, %broadcast_in_dim3A_888, %add3A_5, %broadcast_in_dim3A_879] : memref<3x2x2x64x128xf32, #tpu.memory_space<vmem>>[vector<16xi32>, vector<16xi32>, vector<16xi32>, vector<16xi32>, vector<16xi32>], vector<16xf32>,
      %gather3A_896 = tpu.vector_load_idx %arg11[%broadcast_in_dim3A_886, %broadcast_in_dim3A_892, %broadcast_in_dim3A_888, %add3A_5, %broadcast_in_dim3A_884] : memref<3x2x2x64x128xf32, #tpu.memory_space<vmem>>[vector<16xi32>, vector<16xi32>, vector<16xi32>, vector<16xi32>, vector<16xi32>], vector<16xf32>,
      %mul3A_897 = arith.mulf %gather3A_895, %gather3A_896 : vector<16xf32>
      %mul3A_898 = arith.mulf %mul3A_897, %get3A_15 : vector<16xf32>
      %add3A_899 = arith.addf %broadcast_in_dim3A_894, %mul3A_898 : vector<16xf32>
      %gather3A_900 = tpu.vector_load_idx %arg11[%broadcast_in_dim3A_886, %broadcast_in_dim3A_890, %broadcast_in_dim3A_888, %add3A_8, %broadcast_in_dim3A_879] : memref<3x2x2x64x128xf32, #tpu.memory_space<vmem>>[vector<16xi32>, vector<16xi32>, vector<16xi32>, vector<16xi32>, vector<16xi32>], vector<16xf32>,
      %gather3A_901 = tpu.vector_load_idx %arg11[%broadcast_in_dim3A_886, %broadcast_in_dim3A_892, %broadcast_in_dim3A_888, %add3A_8, %broadcast_in_dim3A_884] : memref<3x2x2x64x128xf32, #tpu.memory_space<vmem>>[vector<16xi32>, vector<16xi32>, vector<16xi32>, vector<16xi32>, vector<16xi32>], vector<16xf32>,
      %mul3A_902 = arith.mulf %gather3A_900, %gather3A_901 : vector<16xf32>
      %mul3A_903 = arith.mulf %mul3A_902, %get3A_17 : vector<16xf32>
      %add3A_904 = arith.addf %add3A_899, %mul3A_903 : vector<16xf32>
      %gather3A_905 = tpu.vector_load_idx %arg11[%broadcast_in_dim3A_886, %broadcast_in_dim3A_890, %broadcast_in_dim3A_888, %add3A_11, %broadcast_in_dim3A_879] : memref<3x2x2x64x128xf32, #tpu.memory_space<vmem>>[vector<16xi32>, vector<16xi32>, vector<16xi32>, vector<16xi32>, vector<16xi32>], vector<16xf32>,
      %gather3A_906 = tpu.vector_load_idx %arg11[%broadcast_in_dim3A_886, %broadcast_in_dim3A_892, %broadcast_in_dim3A_888, %add3A_11, %broadcast_in_dim3A_884] : memref<3x2x2x64x128xf32, #tpu.memory_space<vmem>>[vector<16xi32>, vector<16xi32>, vector<16xi32>, vector<16xi32>, vector<16xi32>], vector<16xf32>,
      %mul3A_907 = arith.mulf %gather3A_905, %gather3A_906 : vector<16xf32>
      %mul3A_908 = arith.mulf %mul3A_907, %get3A_19 : vector<16xf32>
      %add3A_909 = arith.addf %add3A_904, %mul3A_908 : vector<16xf32>
      %gather3A_910 = tpu.vector_load_idx %arg11[%broadcast_in_dim3A_886, %broadcast_in_dim3A_890, %broadcast_in_dim3A_888, %add3A_14, %broadcast_in_dim3A_879] : memref<3x2x2x64x128xf32, #tpu.memory_space<vmem>>[vector<16xi32>, vector<16xi32>, vector<16xi32>, vector<16xi32>, vector<16xi32>], vector<16xf32>,
      %gather3A_911 = tpu.vector_load_idx %arg11[%broadcast_in_dim3A_886, %broadcast_in_dim3A_892, %broadcast_in_dim3A_888, %add3A_14, %broadcast_in_dim3A_884] : memref<3x2x2x64x128xf32, #tpu.memory_space<vmem>>[vector<16xi32>, vector<16xi32>, vector<16xi32>, vector<16xi32>, vector<16xi32>], vector<16xf32>,
      %mul3A_912 = arith.mulf %gather3A_910, %gather3A_911 : vector<16xf32>
      %mul3A_913 = arith.mulf %mul3A_912, %get3A_21 : vector<16xf32>
      %add3A_914 = arith.addf %add3A_909, %mul3A_913 : vector<16xf32>
      %reduce_sum3A_915 = arith.constant true
      %reduce_sum3A_916 = vector.broadcast %reduce_sum3A_915 : i1 to vector<16xi1>
      %reduce_sum3A_917 = tpu.scan <sum>, %add3A_914 masked %reduce_sum3A_916 : vector<16xf32>, vector<16xi1> -> vector<16xf32>
      %reduce_sum3A_918 = vector.extract %reduce_sum3A_917[15] : f32 from vector<16xf32>
      %mul3A_919 = arith.constant 2 : i32
      %mul3A_920 = arith.muli %mul3A_853, %mul3A_919 : i32
      %add3A_921 = arith.constant 0 : i32
      %add3A_922 = arith.addi %mul3A_920, %add3A_921 : i32
      %broadcast_in_dim3A_923 = vector.broadcast %add3A_922 : i32 to vector<16xi32>
      %broadcast_in_dim3A_924 = vector.broadcast %reduce_sum3A_918 : f32 to vector<16xf32>
      %eq3A_925 = arith.constant 0 : i32
      %eq3A_926 = vector.broadcast %eq3A_925 : i32 to vector<16xi32>
      %eq3A_927 = arith.cmpi eq, %iota3A, %eq3A_926 : vector<16xi32>
      tpu.vector_store_idx %arg13[%broadcast_in_dim3A_923], %broadcast_in_dim3A_924 masked %eq3A_927 : memref<512xf32, #tpu.memory_space<vmem>>[vector<16xi32>], vector<16xf32>, vector<16xi1>
      %slice3A_928 = vector.extract_strided_slice %get3A_870 {offsets = [1], sizes = [1], strides = [1]} : vector<16xi32> to vector<1xi32>
      %squeeze3A_929 = vector.extract %slice3A_928[0] : i32 from vector<1xi32>
      %and3A_930 = arith.constant 127 : i32
      %and3A_931 = arith.andi %squeeze3A_929, %and3A_930 : i32
      %broadcast_in_dim3A_932 = vector.broadcast %and3A_931 : i32 to vector<16xi32>
      %slice3A_933 = vector.extract_strided_slice %get3A_874 {offsets = [1], sizes = [1], strides = [1]} : vector<16xi32> to vector<1xi32>
      %squeeze3A_934 = vector.extract %slice3A_933[0] : i32 from vector<1xi32>
      %and3A_935 = arith.constant 127 : i32
      %and3A_936 = arith.andi %squeeze3A_934, %and3A_935 : i32
      %broadcast_in_dim3A_937 = vector.broadcast %and3A_936 : i32 to vector<16xi32>
      %broadcast_in_dim3A_938 = arith.constant 0 : i32
      %broadcast_in_dim3A_939 = vector.broadcast %broadcast_in_dim3A_938 : i32 to vector<16xi32>
      %broadcast_in_dim3A_940 = arith.constant 1 : i32
      %broadcast_in_dim3A_941 = vector.broadcast %broadcast_in_dim3A_940 : i32 to vector<16xi32>
      %broadcast_in_dim3A_942 = arith.constant 0 : i32
      %broadcast_in_dim3A_943 = vector.broadcast %broadcast_in_dim3A_942 : i32 to vector<16xi32>
      %broadcast_in_dim3A_944 = arith.constant 1 : i32
      %broadcast_in_dim3A_945 = vector.broadcast %broadcast_in_dim3A_944 : i32 to vector<16xi32>
      %broadcast_in_dim3A_946 = arith.constant 0.000000e+00 : f32
      %broadcast_in_dim3A_947 = vector.broadcast %broadcast_in_dim3A_946 : f32 to vector<16xf32>
      %gather3A_948 = tpu.vector_load_idx %arg11[%broadcast_in_dim3A_939, %broadcast_in_dim3A_943, %broadcast_in_dim3A_941, %add3A_5, %broadcast_in_dim3A_932] : memref<3x2x2x64x128xf32, #tpu.memory_space<vmem>>[vector<16xi32>, vector<16xi32>, vector<16xi32>, vector<16xi32>, vector<16xi32>], vector<16xf32>,
      %gather3A_949 = tpu.vector_load_idx %arg11[%broadcast_in_dim3A_939, %broadcast_in_dim3A_945, %broadcast_in_dim3A_941, %add3A_5, %broadcast_in_dim3A_937] : memref<3x2x2x64x128xf32, #tpu.memory_space<vmem>>[vector<16xi32>, vector<16xi32>, vector<16xi32>, vector<16xi32>, vector<16xi32>], vector<16xf32>,
      %mul3A_950 = arith.mulf %gather3A_948, %gather3A_949 : vector<16xf32>
      %mul3A_951 = arith.mulf %mul3A_950, %get3A_15 : vector<16xf32>
      %add3A_952 = arith.addf %broadcast_in_dim3A_947, %mul3A_951 : vector<16xf32>
      %gather3A_953 = tpu.vector_load_idx %arg11[%broadcast_in_dim3A_939, %broadcast_in_dim3A_943, %broadcast_in_dim3A_941, %add3A_8, %broadcast_in_dim3A_932] : memref<3x2x2x64x128xf32, #tpu.memory_space<vmem>>[vector<16xi32>, vector<16xi32>, vector<16xi32>, vector<16xi32>, vector<16xi32>], vector<16xf32>,
      %gather3A_954 = tpu.vector_load_idx %arg11[%broadcast_in_dim3A_939, %broadcast_in_dim3A_945, %broadcast_in_dim3A_941, %add3A_8, %broadcast_in_dim3A_937] : memref<3x2x2x64x128xf32, #tpu.memory_space<vmem>>[vector<16xi32>, vector<16xi32>, vector<16xi32>, vector<16xi32>, vector<16xi32>], vector<16xf32>,
      %mul3A_955 = arith.mulf %gather3A_953, %gather3A_954 : vector<16xf32>
      %mul3A_956 = arith.mulf %mul3A_955, %get3A_17 : vector<16xf32>
      %add3A_957 = arith.addf %add3A_952, %mul3A_956 : vector<16xf32>
      %gather3A_958 = tpu.vector_load_idx %arg11[%broadcast_in_dim3A_939, %broadcast_in_dim3A_943, %broadcast_in_dim3A_941, %add3A_11, %broadcast_in_dim3A_932] : memref<3x2x2x64x128xf32, #tpu.memory_space<vmem>>[vector<16xi32>, vector<16xi32>, vector<16xi32>, vector<16xi32>, vector<16xi32>], vector<16xf32>,
      %gather3A_959 = tpu.vector_load_idx %arg11[%broadcast_in_dim3A_939, %broadcast_in_dim3A_945, %broadcast_in_dim3A_941, %add3A_11, %broadcast_in_dim3A_937] : memref<3x2x2x64x128xf32, #tpu.memory_space<vmem>>[vector<16xi32>, vector<16xi32>, vector<16xi32>, vector<16xi32>, vector<16xi32>], vector<16xf32>,
      %mul3A_960 = arith.mulf %gather3A_958, %gather3A_959 : vector<16xf32>
      %mul3A_961 = arith.mulf %mul3A_960, %get3A_19 : vector<16xf32>
      %add3A_962 = arith.addf %add3A_957, %mul3A_961 : vector<16xf32>
      %gather3A_963 = tpu.vector_load_idx %arg11[%broadcast_in_dim3A_939, %broadcast_in_dim3A_943, %broadcast_in_dim3A_941, %add3A_14, %broadcast_in_dim3A_932] : memref<3x2x2x64x128xf32, #tpu.memory_space<vmem>>[vector<16xi32>, vector<16xi32>, vector<16xi32>, vector<16xi32>, vector<16xi32>], vector<16xf32>,
      %gather3A_964 = tpu.vector_load_idx %arg11[%broadcast_in_dim3A_939, %broadcast_in_dim3A_945, %broadcast_in_dim3A_941, %add3A_14, %broadcast_in_dim3A_937] : memref<3x2x2x64x128xf32, #tpu.memory_space<vmem>>[vector<16xi32>, vector<16xi32>, vector<16xi32>, vector<16xi32>, vector<16xi32>], vector<16xf32>,
      %mul3A_965 = arith.mulf %gather3A_963, %gather3A_964 : vector<16xf32>
      %mul3A_966 = arith.mulf %mul3A_965, %get3A_21 : vector<16xf32>
      %add3A_967 = arith.addf %add3A_962, %mul3A_966 : vector<16xf32>
      %reduce_sum3A_968 = arith.constant true
      %reduce_sum3A_969 = vector.broadcast %reduce_sum3A_968 : i1 to vector<16xi1>
      %reduce_sum3A_970 = tpu.scan <sum>, %add3A_967 masked %reduce_sum3A_969 : vector<16xf32>, vector<16xi1> -> vector<16xf32>
      %reduce_sum3A_971 = vector.extract %reduce_sum3A_970[15] : f32 from vector<16xf32>
      %mul3A_972 = arith.constant 2 : i32
      %mul3A_973 = arith.muli %mul3A_853, %mul3A_972 : i32
      %add3A_974 = arith.constant 1 : i32
      %add3A_975 = arith.addi %mul3A_973, %add3A_974 : i32
      %broadcast_in_dim3A_976 = vector.broadcast %add3A_975 : i32 to vector<16xi32>
      %broadcast_in_dim3A_977 = vector.broadcast %reduce_sum3A_971 : f32 to vector<16xf32>
      %eq3A_978 = arith.constant 0 : i32
      %eq3A_979 = vector.broadcast %eq3A_978 : i32 to vector<16xi32>
      %eq3A_980 = arith.cmpi eq, %iota3A, %eq3A_979 : vector<16xi32>
      tpu.vector_store_idx %arg13[%broadcast_in_dim3A_976], %broadcast_in_dim3A_977 masked %eq3A_980 : memref<512xf32, #tpu.memory_space<vmem>>[vector<16xi32>], vector<16xf32>, vector<16xi1>
      %add3A_981 = arith.constant 3 : i32
      %add3A_982 = arith.addi %mul3A_853, %add3A_981 : i32
      %lt3A = arith.constant 256 : i32
      %lt3A_983 = arith.cmpi slt, %add3A_982, %lt3A : i32
      %convert_element_type3A = arith.extui %lt3A_983 : i1 to i32
      %cond3A = arith.constant 0 : i32
      %cond3A_984 = arith.cmpi ne, %convert_element_type3A, %cond3A : i32
      scf.if %cond3A_984 {
        %mul3A_1257 = arith.constant 2 : i32
        %mul3A_1258 = arith.muli %add3A_982, %mul3A_1257 : i32
        %get3A_1259 = arith.index_cast %mul3A_1258 : i32 to index
        %get3A_1260 = tpu.vector_load %arg9[%get3A_1259] {strides = array<i32>} : memref<528xi32, #tpu.memory_space<vmem>>, vector<16xi32>,
        %mul3A_1261 = arith.constant 2 : i32
        %mul3A_1262 = arith.muli %add3A_982, %mul3A_1261 : i32
        %get3A_1263 = arith.index_cast %mul3A_1262 : i32 to index
        %get3A_1264 = tpu.vector_load %arg10[%get3A_1263] {strides = array<i32>} : memref<528xi32, #tpu.memory_space<vmem>>, vector<16xi32>,
        %slice3A_1265 = vector.extract_strided_slice %get3A_1260 {offsets = [0], sizes = [1], strides = [1]} : vector<16xi32> to vector<1xi32>
        %squeeze3A_1266 = vector.extract %slice3A_1265[0] : i32 from vector<1xi32>
        %shift_right_arithmetic3A_1267 = arith.constant 7 : i32
        %shift_right_arithmetic3A_1268 = arith.shrsi %squeeze3A_1266, %shift_right_arithmetic3A_1267 : i32
        %shift_left3A_1269 = arith.constant 7 : i32
        %shift_left3A_1270 = arith.shli %shift_right_arithmetic3A_1268, %shift_left3A_1269 : i32
        %multiple_of3A_1271 = tpu.assume_multiple %shift_left3A_1270, 128 : i32
        %dma_start3A_1272 = arith.constant 0 : i32
        %dma_start3A_1273 = arith.constant 0 : i32
        %dma_start3A_1274 = arith.constant 0 : i32
        %dma_start3A_1275 = arith.constant 0 : i32
        %dma_start3A_1276 = arith.constant 0 : i32
        %dma_start3A_1277 = tpu.memref_slice %arg11[%dma_start3A_1272, %dma_start3A_1273, %dma_start3A_1274, %dma_start3A_1275, %dma_start3A_1276] : memref<3x2x2x64x128xf32, #tpu.memory_space<vmem>> -> memref<1x1x1x64x128xf32, #tpu.memory_space<vmem>>
        %dma_start3A_1278 = tpu.memref_squeeze %dma_start3A_1277 : memref<1x1x1x64x128xf32, #tpu.memory_space<vmem>> -> memref<64x128xf32, #tpu.memory_space<vmem>>
        %dma_start3A_1279 = arith.constant 0 : i32
        %dma_start3A_1280 = tpu.memref_slice %arg4[%dma_start3A_1279, %multiple_of3A_1271] : memref<64x1000000xf32, #tpu.memory_space<hbm>> -> memref<64x128xf32, #tpu.memory_space<hbm>>
        %dma_start3A_1281 = arith.constant 0 : i32
        %dma_start3A_1282 = arith.constant 0 : i32
        %dma_start3A_1283 = tpu.memref_slice %arg11[%dma_start3A_1272, %dma_start3A_1273, %dma_start3A_1274, %dma_start3A_1281, %dma_start3A_1282] : memref<3x2x2x64x128xf32, #tpu.memory_space<vmem>> -> memref<1x1x1x64x128xf32, #tpu.memory_space<vmem>>
        %dma_start3A_1284 = tpu.memref_squeeze %dma_start3A_1283 : memref<1x1x1x64x128xf32, #tpu.memory_space<vmem>> -> memref<64x128xf32, #tpu.memory_space<vmem>>
        %dma_start3A_1285 = arith.constant 0 : i32
        %dma_start3A_1286 = tpu.memref_slice %arg4[%dma_start3A_1285, %multiple_of3A_1271] : memref<64x1000000xf32, #tpu.memory_space<hbm>> -> memref<64x128xf32, #tpu.memory_space<hbm>>
        tpu.enqueue_dma source(%dma_start3A_1286 : memref<64x128xf32, #tpu.memory_space<hbm>>) target(%dma_start3A_1284 : memref<64x128xf32, #tpu.memory_space<vmem>>) target_semaphore(%arg14 : memref<!tpu.dma_semaphore, #tpu.memory_space<semaphore_mem>>)
        %slice3A_1287 = vector.extract_strided_slice %get3A_1264 {offsets = [0], sizes = [1], strides = [1]} : vector<16xi32> to vector<1xi32>
        %squeeze3A_1288 = vector.extract %slice3A_1287[0] : i32 from vector<1xi32>
        %shift_right_arithmetic3A_1289 = arith.constant 7 : i32
        %shift_right_arithmetic3A_1290 = arith.shrsi %squeeze3A_1288, %shift_right_arithmetic3A_1289 : i32
        %shift_left3A_1291 = arith.constant 7 : i32
        %shift_left3A_1292 = arith.shli %shift_right_arithmetic3A_1290, %shift_left3A_1291 : i32
        %multiple_of3A_1293 = tpu.assume_multiple %shift_left3A_1292, 128 : i32
        %dma_start3A_1294 = arith.constant 0 : i32
        %dma_start3A_1295 = arith.constant 1 : i32
        %dma_start3A_1296 = arith.constant 0 : i32
        %dma_start3A_1297 = arith.constant 0 : i32
        %dma_start3A_1298 = arith.constant 0 : i32
        %dma_start3A_1299 = tpu.memref_slice %arg11[%dma_start3A_1294, %dma_start3A_1295, %dma_start3A_1296, %dma_start3A_1297, %dma_start3A_1298] : memref<3x2x2x64x128xf32, #tpu.memory_space<vmem>> -> memref<1x1x1x64x128xf32, #tpu.memory_space<vmem>>
        %dma_start3A_1300 = tpu.memref_squeeze %dma_start3A_1299 : memref<1x1x1x64x128xf32, #tpu.memory_space<vmem>> -> memref<64x128xf32, #tpu.memory_space<vmem>>
        %dma_start3A_1301 = arith.constant 0 : i32
        %dma_start3A_1302 = tpu.memref_slice %arg5[%dma_start3A_1301, %multiple_of3A_1293] : memref<64x1000000xf32, #tpu.memory_space<hbm>> -> memref<64x128xf32, #tpu.memory_space<hbm>>
        %dma_start3A_1303 = arith.constant 0 : i32
        %dma_start3A_1304 = arith.constant 0 : i32
        %dma_start3A_1305 = tpu.memref_slice %arg11[%dma_start3A_1294, %dma_start3A_1295, %dma_start3A_1296, %dma_start3A_1303, %dma_start3A_1304] : memref<3x2x2x64x128xf32, #tpu.memory_space<vmem>> -> memref<1x1x1x64x128xf32, #tpu.memory_space<vmem>>
        %dma_start3A_1306 = tpu.memref_squeeze %dma_start3A_1305 : memref<1x1x1x64x128xf32, #tpu.memory_space<vmem>> -> memref<64x128xf32, #tpu.memory_space<vmem>>
        %dma_start3A_1307 = arith.constant 0 : i32
        %dma_start3A_1308 = tpu.memref_slice %arg5[%dma_start3A_1307, %multiple_of3A_1293] : memref<64x1000000xf32, #tpu.memory_space<hbm>> -> memref<64x128xf32, #tpu.memory_space<hbm>>
        tpu.enqueue_dma source(%dma_start3A_1308 : memref<64x128xf32, #tpu.memory_space<hbm>>) target(%dma_start3A_1306 : memref<64x128xf32, #tpu.memory_space<vmem>>) target_semaphore(%arg14 : memref<!tpu.dma_semaphore, #tpu.memory_space<semaphore_mem>>)
        %slice3A_1309 = vector.extract_strided_slice %get3A_1260 {offsets = [1], sizes = [1], strides = [1]} : vector<16xi32> to vector<1xi32>
        %squeeze3A_1310 = vector.extract %slice3A_1309[0] : i32 from vector<1xi32>
        %shift_right_arithmetic3A_1311 = arith.constant 7 : i32
        %shift_right_arithmetic3A_1312 = arith.shrsi %squeeze3A_1310, %shift_right_arithmetic3A_1311 : i32
        %shift_left3A_1313 = arith.constant 7 : i32
        %shift_left3A_1314 = arith.shli %shift_right_arithmetic3A_1312, %shift_left3A_1313 : i32
        %multiple_of3A_1315 = tpu.assume_multiple %shift_left3A_1314, 128 : i32
        %dma_start3A_1316 = arith.constant 0 : i32
        %dma_start3A_1317 = arith.constant 0 : i32
        %dma_start3A_1318 = arith.constant 1 : i32
        %dma_start3A_1319 = arith.constant 0 : i32
        %dma_start3A_1320 = arith.constant 0 : i32
        %dma_start3A_1321 = tpu.memref_slice %arg11[%dma_start3A_1316, %dma_start3A_1317, %dma_start3A_1318, %dma_start3A_1319, %dma_start3A_1320] : memref<3x2x2x64x128xf32, #tpu.memory_space<vmem>> -> memref<1x1x1x64x128xf32, #tpu.memory_space<vmem>>
        %dma_start3A_1322 = tpu.memref_squeeze %dma_start3A_1321 : memref<1x1x1x64x128xf32, #tpu.memory_space<vmem>> -> memref<64x128xf32, #tpu.memory_space<vmem>>
        %dma_start3A_1323 = arith.constant 0 : i32
        %dma_start3A_1324 = tpu.memref_slice %arg4[%dma_start3A_1323, %multiple_of3A_1315] : memref<64x1000000xf32, #tpu.memory_space<hbm>> -> memref<64x128xf32, #tpu.memory_space<hbm>>
        %dma_start3A_1325 = arith.constant 0 : i32
        %dma_start3A_1326 = arith.constant 0 : i32
        %dma_start3A_1327 = tpu.memref_slice %arg11[%dma_start3A_1316, %dma_start3A_1317, %dma_start3A_1318, %dma_start3A_1325, %dma_start3A_1326] : memref<3x2x2x64x128xf32, #tpu.memory_space<vmem>> -> memref<1x1x1x64x128xf32, #tpu.memory_space<vmem>>
        %dma_start3A_1328 = tpu.memref_squeeze %dma_start3A_1327 : memref<1x1x1x64x128xf32, #tpu.memory_space<vmem>> -> memref<64x128xf32, #tpu.memory_space<vmem>>
        %dma_start3A_1329 = arith.constant 0 : i32
        %dma_start3A_1330 = tpu.memref_slice %arg4[%dma_start3A_1329, %multiple_of3A_1315] : memref<64x1000000xf32, #tpu.memory_space<hbm>> -> memref<64x128xf32, #tpu.memory_space<hbm>>
        tpu.enqueue_dma source(%dma_start3A_1330 : memref<64x128xf32, #tpu.memory_space<hbm>>) target(%dma_start3A_1328 : memref<64x128xf32, #tpu.memory_space<vmem>>) target_semaphore(%arg14 : memref<!tpu.dma_semaphore, #tpu.memory_space<semaphore_mem>>)
        %slice3A_1331 = vector.extract_strided_slice %get3A_1264 {offsets = [1], sizes = [1], strides = [1]} : vector<16xi32> to vector<1xi32>
        %squeeze3A_1332 = vector.extract %slice3A_1331[0] : i32 from vector<1xi32>
        %shift_right_arithmetic3A_1333 = arith.constant 7 : i32
        %shift_right_arithmetic3A_1334 = arith.shrsi %squeeze3A_1332, %shift_right_arithmetic3A_1333 : i32
        %shift_left3A_1335 = arith.constant 7 : i32
        %shift_left3A_1336 = arith.shli %shift_right_arithmetic3A_1334, %shift_left3A_1335 : i32
        %multiple_of3A_1337 = tpu.assume_multiple %shift_left3A_1336, 128 : i32
        %dma_start3A_1338 = arith.constant 0 : i32
        %dma_start3A_1339 = arith.constant 1 : i32
        %dma_start3A_1340 = arith.constant 1 : i32
        %dma_start3A_1341 = arith.constant 0 : i32
        %dma_start3A_1342 = arith.constant 0 : i32
        %dma_start3A_1343 = tpu.memref_slice %arg11[%dma_start3A_1338, %dma_start3A_1339, %dma_start3A_1340, %dma_start3A_1341, %dma_start3A_1342] : memref<3x2x2x64x128xf32, #tpu.memory_space<vmem>> -> memref<1x1x1x64x128xf32, #tpu.memory_space<vmem>>
        %dma_start3A_1344 = tpu.memref_squeeze %dma_start3A_1343 : memref<1x1x1x64x128xf32, #tpu.memory_space<vmem>> -> memref<64x128xf32, #tpu.memory_space<vmem>>
        %dma_start3A_1345 = arith.constant 0 : i32
        %dma_start3A_1346 = tpu.memref_slice %arg5[%dma_start3A_1345, %multiple_of3A_1337] : memref<64x1000000xf32, #tpu.memory_space<hbm>> -> memref<64x128xf32, #tpu.memory_space<hbm>>
        %dma_start3A_1347 = arith.constant 0 : i32
        %dma_start3A_1348 = arith.constant 0 : i32
        %dma_start3A_1349 = tpu.memref_slice %arg11[%dma_start3A_1338, %dma_start3A_1339, %dma_start3A_1340, %dma_start3A_1347, %dma_start3A_1348] : memref<3x2x2x64x128xf32, #tpu.memory_space<vmem>> -> memref<1x1x1x64x128xf32, #tpu.memory_space<vmem>>
        %dma_start3A_1350 = tpu.memref_squeeze %dma_start3A_1349 : memref<1x1x1x64x128xf32, #tpu.memory_space<vmem>> -> memref<64x128xf32, #tpu.memory_space<vmem>>
        %dma_start3A_1351 = arith.constant 0 : i32
        %dma_start3A_1352 = tpu.memref_slice %arg5[%dma_start3A_1351, %multiple_of3A_1337] : memref<64x1000000xf32, #tpu.memory_space<hbm>> -> memref<64x128xf32, #tpu.memory_space<hbm>>
        tpu.enqueue_dma source(%dma_start3A_1352 : memref<64x128xf32, #tpu.memory_space<hbm>>) target(%dma_start3A_1350 : memref<64x128xf32, #tpu.memory_space<vmem>>) target_semaphore(%arg14 : memref<!tpu.dma_semaphore, #tpu.memory_space<semaphore_mem>>)
      } else {
      }
      %add3A_985 = arith.constant 1 : i32
      %add3A_986 = arith.addi %mul3A_853, %add3A_985 : i32
      %dma_wait3A_987 = arith.constant 1 : i32
      %dma_wait3A_988 = arith.constant 0 : i32
      %dma_wait3A_989 = arith.constant 0 : i32
      %dma_wait3A_990 = arith.constant 0 : i32
      %dma_wait3A_991 = arith.constant 0 : i32
      %dma_wait3A_992 = tpu.memref_slice %arg11[%dma_wait3A_987, %dma_wait3A_988, %dma_wait3A_989, %dma_wait3A_990, %dma_wait3A_991] : memref<3x2x2x64x128xf32, #tpu.memory_space<vmem>> -> memref<1x2x2x64x128xf32, #tpu.memory_space<vmem>>
      %dma_wait3A_993 = tpu.memref_squeeze %dma_wait3A_992 : memref<1x2x2x64x128xf32, #tpu.memory_space<vmem>> -> memref<2x2x64x128xf32, #tpu.memory_space<vmem>>
      %dma_wait3A_994 = arith.constant 0 : i32
      %dma_wait3A_995 = arith.constant 0 : i32
      %dma_wait3A_996 = arith.constant 0 : i32
      %dma_wait3A_997 = arith.constant 0 : i32
      %dma_wait3A_998 = tpu.memref_slice %arg11[%dma_wait3A_987, %dma_wait3A_994, %dma_wait3A_995, %dma_wait3A_996, %dma_wait3A_997] : memref<3x2x2x64x128xf32, #tpu.memory_space<vmem>> -> memref<1x2x2x64x128xf32, #tpu.memory_space<vmem>>
      %dma_wait3A_999 = tpu.memref_squeeze %dma_wait3A_998 : memref<1x2x2x64x128xf32, #tpu.memory_space<vmem>> -> memref<2x2x64x128xf32, #tpu.memory_space<vmem>>
      tpu.wait_dma2 semaphore(%arg15 : memref<!tpu.dma_semaphore, #tpu.memory_space<semaphore_mem>>) src(%arg7 : memref<2x2x64x128xf32, #tpu.memory_space<hbm>>) dst(%dma_wait3A_999 : memref<2x2x64x128xf32, #tpu.memory_space<vmem>>)
      %mul3A_1000 = arith.constant 2 : i32
      %mul3A_1001 = arith.muli %add3A_986, %mul3A_1000 : i32
      %get3A_1002 = arith.index_cast %mul3A_1001 : i32 to index
      %get3A_1003 = tpu.vector_load %arg9[%get3A_1002] {strides = array<i32>} : memref<528xi32, #tpu.memory_space<vmem>>, vector<16xi32>,
      %mul3A_1004 = arith.constant 2 : i32
      %mul3A_1005 = arith.muli %add3A_986, %mul3A_1004 : i32
      %get3A_1006 = arith.index_cast %mul3A_1005 : i32 to index
      %get3A_1007 = tpu.vector_load %arg10[%get3A_1006] {strides = array<i32>} : memref<528xi32, #tpu.memory_space<vmem>>, vector<16xi32>,
      %slice3A_1008 = vector.extract_strided_slice %get3A_1003 {offsets = [0], sizes = [1], strides = [1]} : vector<16xi32> to vector<1xi32>
      %squeeze3A_1009 = vector.extract %slice3A_1008[0] : i32 from vector<1xi32>
      %and3A_1010 = arith.constant 127 : i32
      %and3A_1011 = arith.andi %squeeze3A_1009, %and3A_1010 : i32
      %broadcast_in_dim3A_1012 = vector.broadcast %and3A_1011 : i32 to vector<16xi32>
      %slice3A_1013 = vector.extract_strided_slice %get3A_1007 {offsets = [0], sizes = [1], strides = [1]} : vector<16xi32> to vector<1xi32>
      %squeeze3A_1014 = vector.extract %slice3A_1013[0] : i32 from vector<1xi32>
      %and3A_1015 = arith.constant 127 : i32
      %and3A_1016 = arith.andi %squeeze3A_1014, %and3A_1015 : i32
      %broadcast_in_dim3A_1017 = vector.broadcast %and3A_1016 : i32 to vector<16xi32>
      %broadcast_in_dim3A_1018 = arith.constant 1 : i32
      %broadcast_in_dim3A_1019 = vector.broadcast %broadcast_in_dim3A_1018 : i32 to vector<16xi32>
      %broadcast_in_dim3A_1020 = arith.constant 0 : i32
      %broadcast_in_dim3A_1021 = vector.broadcast %broadcast_in_dim3A_1020 : i32 to vector<16xi32>
      %broadcast_in_dim3A_1022 = arith.constant 0 : i32
      %broadcast_in_dim3A_1023 = vector.broadcast %broadcast_in_dim3A_1022 : i32 to vector<16xi32>
      %broadcast_in_dim3A_1024 = arith.constant 1 : i32
      %broadcast_in_dim3A_1025 = vector.broadcast %broadcast_in_dim3A_1024 : i32 to vector<16xi32>
      %broadcast_in_dim3A_1026 = arith.constant 0.000000e+00 : f32
      %broadcast_in_dim3A_1027 = vector.broadcast %broadcast_in_dim3A_1026 : f32 to vector<16xf32>
      %gather3A_1028 = tpu.vector_load_idx %arg11[%broadcast_in_dim3A_1019, %broadcast_in_dim3A_1023, %broadcast_in_dim3A_1021, %add3A_5, %broadcast_in_dim3A_1012] : memref<3x2x2x64x128xf32, #tpu.memory_space<vmem>>[vector<16xi32>, vector<16xi32>, vector<16xi32>, vector<16xi32>, vector<16xi32>], vector<16xf32>,
      %gather3A_1029 = tpu.vector_load_idx %arg11[%broadcast_in_dim3A_1019, %broadcast_in_dim3A_1025, %broadcast_in_dim3A_1021, %add3A_5, %broadcast_in_dim3A_1017] : memref<3x2x2x64x128xf32, #tpu.memory_space<vmem>>[vector<16xi32>, vector<16xi32>, vector<16xi32>, vector<16xi32>, vector<16xi32>], vector<16xf32>,
      %mul3A_1030 = arith.mulf %gather3A_1028, %gather3A_1029 : vector<16xf32>
      %mul3A_1031 = arith.mulf %mul3A_1030, %get3A_15 : vector<16xf32>
      %add3A_1032 = arith.addf %broadcast_in_dim3A_1027, %mul3A_1031 : vector<16xf32>
      %gather3A_1033 = tpu.vector_load_idx %arg11[%broadcast_in_dim3A_1019, %broadcast_in_dim3A_1023, %broadcast_in_dim3A_1021, %add3A_8, %broadcast_in_dim3A_1012] : memref<3x2x2x64x128xf32, #tpu.memory_space<vmem>>[vector<16xi32>, vector<16xi32>, vector<16xi32>, vector<16xi32>, vector<16xi32>], vector<16xf32>,
      %gather3A_1034 = tpu.vector_load_idx %arg11[%broadcast_in_dim3A_1019, %broadcast_in_dim3A_1025, %broadcast_in_dim3A_1021, %add3A_8, %broadcast_in_dim3A_1017] : memref<3x2x2x64x128xf32, #tpu.memory_space<vmem>>[vector<16xi32>, vector<16xi32>, vector<16xi32>, vector<16xi32>, vector<16xi32>], vector<16xf32>,
      %mul3A_1035 = arith.mulf %gather3A_1033, %gather3A_1034 : vector<16xf32>
      %mul3A_1036 = arith.mulf %mul3A_1035, %get3A_17 : vector<16xf32>
      %add3A_1037 = arith.addf %add3A_1032, %mul3A_1036 : vector<16xf32>
      %gather3A_1038 = tpu.vector_load_idx %arg11[%broadcast_in_dim3A_1019, %broadcast_in_dim3A_1023, %broadcast_in_dim3A_1021, %add3A_11, %broadcast_in_dim3A_1012] : memref<3x2x2x64x128xf32, #tpu.memory_space<vmem>>[vector<16xi32>, vector<16xi32>, vector<16xi32>, vector<16xi32>, vector<16xi32>], vector<16xf32>,
      %gather3A_1039 = tpu.vector_load_idx %arg11[%broadcast_in_dim3A_1019, %broadcast_in_dim3A_1025, %broadcast_in_dim3A_1021, %add3A_11, %broadcast_in_dim3A_1017] : memref<3x2x2x64x128xf32, #tpu.memory_space<vmem>>[vector<16xi32>, vector<16xi32>, vector<16xi32>, vector<16xi32>, vector<16xi32>], vector<16xf32>,
      %mul3A_1040 = arith.mulf %gather3A_1038, %gather3A_1039 : vector<16xf32>
      %mul3A_1041 = arith.mulf %mul3A_1040, %get3A_19 : vector<16xf32>
      %add3A_1042 = arith.addf %add3A_1037, %mul3A_1041 : vector<16xf32>
      %gather3A_1043 = tpu.vector_load_idx %arg11[%broadcast_in_dim3A_1019, %broadcast_in_dim3A_1023, %broadcast_in_dim3A_1021, %add3A_14, %broadcast_in_dim3A_1012] : memref<3x2x2x64x128xf32, #tpu.memory_space<vmem>>[vector<16xi32>, vector<16xi32>, vector<16xi32>, vector<16xi32>, vector<16xi32>], vector<16xf32>,
      %gather3A_1044 = tpu.vector_load_idx %arg11[%broadcast_in_dim3A_1019, %broadcast_in_dim3A_1025, %broadcast_in_dim3A_1021, %add3A_14, %broadcast_in_dim3A_1017] : memref<3x2x2x64x128xf32, #tpu.memory_space<vmem>>[vector<16xi32>, vector<16xi32>, vector<16xi32>, vector<16xi32>, vector<16xi32>], vector<16xf32>,
      %mul3A_1045 = arith.mulf %gather3A_1043, %gather3A_1044 : vector<16xf32>
      %mul3A_1046 = arith.mulf %mul3A_1045, %get3A_21 : vector<16xf32>
      %add3A_1047 = arith.addf %add3A_1042, %mul3A_1046 : vector<16xf32>
      %reduce_sum3A_1048 = arith.constant true
      %reduce_sum3A_1049 = vector.broadcast %reduce_sum3A_1048 : i1 to vector<16xi1>
      %reduce_sum3A_1050 = tpu.scan <sum>, %add3A_1047 masked %reduce_sum3A_1049 : vector<16xf32>, vector<16xi1> -> vector<16xf32>
      %reduce_sum3A_1051 = vector.extract %reduce_sum3A_1050[15] : f32 from vector<16xf32>
      %mul3A_1052 = arith.constant 2 : i32
      %mul3A_1053 = arith.muli %add3A_986, %mul3A_1052 : i32
      %add3A_1054 = arith.constant 0 : i32
      %add3A_1055 = arith.addi %mul3A_1053, %add3A_1054 : i32
      %broadcast_in_dim3A_1056 = vector.broadcast %add3A_1055 : i32 to vector<16xi32>
      %broadcast_in_dim3A_1057 = vector.broadcast %reduce_sum3A_1051 : f32 to vector<16xf32>
      %eq3A_1058 = arith.constant 0 : i32
      %eq3A_1059 = vector.broadcast %eq3A_1058 : i32 to vector<16xi32>
      %eq3A_1060 = arith.cmpi eq, %iota3A, %eq3A_1059 : vector<16xi32>
      tpu.vector_store_idx %arg13[%broadcast_in_dim3A_1056], %broadcast_in_dim3A_1057 masked %eq3A_1060 : memref<512xf32, #tpu.memory_space<vmem>>[vector<16xi32>], vector<16xf32>, vector<16xi1>
      %slice3A_1061 = vector.extract_strided_slice %get3A_1003 {offsets = [1], sizes = [1], strides = [1]} : vector<16xi32> to vector<1xi32>
      %squeeze3A_1062 = vector.extract %slice3A_1061[0] : i32 from vector<1xi32>
      %and3A_1063 = arith.constant 127 : i32
      %and3A_1064 = arith.andi %squeeze3A_1062, %and3A_1063 : i32
      %broadcast_in_dim3A_1065 = vector.broadcast %and3A_1064 : i32 to vector<16xi32>
      %slice3A_1066 = vector.extract_strided_slice %get3A_1007 {offsets = [1], sizes = [1], strides = [1]} : vector<16xi32> to vector<1xi32>
      %squeeze3A_1067 = vector.extract %slice3A_1066[0] : i32 from vector<1xi32>
      %and3A_1068 = arith.constant 127 : i32
      %and3A_1069 = arith.andi %squeeze3A_1067, %and3A_1068 : i32
      %broadcast_in_dim3A_1070 = vector.broadcast %and3A_1069 : i32 to vector<16xi32>
      %broadcast_in_dim3A_1071 = arith.constant 1 : i32
      %broadcast_in_dim3A_1072 = vector.broadcast %broadcast_in_dim3A_1071 : i32 to vector<16xi32>
      %broadcast_in_dim3A_1073 = arith.constant 1 : i32
      %broadcast_in_dim3A_1074 = vector.broadcast %broadcast_in_dim3A_1073 : i32 to vector<16xi32>
      %broadcast_in_dim3A_1075 = arith.constant 0 : i32
      %broadcast_in_dim3A_1076 = vector.broadcast %broadcast_in_dim3A_1075 : i32 to vector<16xi32>
      %broadcast_in_dim3A_1077 = arith.constant 1 : i32
      %broadcast_in_dim3A_1078 = vector.broadcast %broadcast_in_dim3A_1077 : i32 to vector<16xi32>
      %broadcast_in_dim3A_1079 = arith.constant 0.000000e+00 : f32
      %broadcast_in_dim3A_1080 = vector.broadcast %broadcast_in_dim3A_1079 : f32 to vector<16xf32>
      %gather3A_1081 = tpu.vector_load_idx %arg11[%broadcast_in_dim3A_1072, %broadcast_in_dim3A_1076, %broadcast_in_dim3A_1074, %add3A_5, %broadcast_in_dim3A_1065] : memref<3x2x2x64x128xf32, #tpu.memory_space<vmem>>[vector<16xi32>, vector<16xi32>, vector<16xi32>, vector<16xi32>, vector<16xi32>], vector<16xf32>,
      %gather3A_1082 = tpu.vector_load_idx %arg11[%broadcast_in_dim3A_1072, %broadcast_in_dim3A_1078, %broadcast_in_dim3A_1074, %add3A_5, %broadcast_in_dim3A_1070] : memref<3x2x2x64x128xf32, #tpu.memory_space<vmem>>[vector<16xi32>, vector<16xi32>, vector<16xi32>, vector<16xi32>, vector<16xi32>], vector<16xf32>,
      %mul3A_1083 = arith.mulf %gather3A_1081, %gather3A_1082 : vector<16xf32>
      %mul3A_1084 = arith.mulf %mul3A_1083, %get3A_15 : vector<16xf32>
      %add3A_1085 = arith.addf %broadcast_in_dim3A_1080, %mul3A_1084 : vector<16xf32>
      %gather3A_1086 = tpu.vector_load_idx %arg11[%broadcast_in_dim3A_1072, %broadcast_in_dim3A_1076, %broadcast_in_dim3A_1074, %add3A_8, %broadcast_in_dim3A_1065] : memref<3x2x2x64x128xf32, #tpu.memory_space<vmem>>[vector<16xi32>, vector<16xi32>, vector<16xi32>, vector<16xi32>, vector<16xi32>], vector<16xf32>,
      %gather3A_1087 = tpu.vector_load_idx %arg11[%broadcast_in_dim3A_1072, %broadcast_in_dim3A_1078, %broadcast_in_dim3A_1074, %add3A_8, %broadcast_in_dim3A_1070] : memref<3x2x2x64x128xf32, #tpu.memory_space<vmem>>[vector<16xi32>, vector<16xi32>, vector<16xi32>, vector<16xi32>, vector<16xi32>], vector<16xf32>,
      %mul3A_1088 = arith.mulf %gather3A_1086, %gather3A_1087 : vector<16xf32>
      %mul3A_1089 = arith.mulf %mul3A_1088, %get3A_17 : vector<16xf32>
      %add3A_1090 = arith.addf %add3A_1085, %mul3A_1089 : vector<16xf32>
      %gather3A_1091 = tpu.vector_load_idx %arg11[%broadcast_in_dim3A_1072, %broadcast_in_dim3A_1076, %broadcast_in_dim3A_1074, %add3A_11, %broadcast_in_dim3A_1065] : memref<3x2x2x64x128xf32, #tpu.memory_space<vmem>>[vector<16xi32>, vector<16xi32>, vector<16xi32>, vector<16xi32>, vector<16xi32>], vector<16xf32>,
      %gather3A_1092 = tpu.vector_load_idx %arg11[%broadcast_in_dim3A_1072, %broadcast_in_dim3A_1078, %broadcast_in_dim3A_1074, %add3A_11, %broadcast_in_dim3A_1070] : memref<3x2x2x64x128xf32, #tpu.memory_space<vmem>>[vector<16xi32>, vector<16xi32>, vector<16xi32>, vector<16xi32>, vector<16xi32>], vector<16xf32>,
      %mul3A_1093 = arith.mulf %gather3A_1091, %gather3A_1092 : vector<16xf32>
      %mul3A_1094 = arith.mulf %mul3A_1093, %get3A_19 : vector<16xf32>
      %add3A_1095 = arith.addf %add3A_1090, %mul3A_1094 : vector<16xf32>
      %gather3A_1096 = tpu.vector_load_idx %arg11[%broadcast_in_dim3A_1072, %broadcast_in_dim3A_1076, %broadcast_in_dim3A_1074, %add3A_14, %broadcast_in_dim3A_1065] : memref<3x2x2x64x128xf32, #tpu.memory_space<vmem>>[vector<16xi32>, vector<16xi32>, vector<16xi32>, vector<16xi32>, vector<16xi32>], vector<16xf32>,
      %gather3A_1097 = tpu.vector_load_idx %arg11[%broadcast_in_dim3A_1072, %broadcast_in_dim3A_1078, %broadcast_in_dim3A_1074, %add3A_14, %broadcast_in_dim3A_1070] : memref<3x2x2x64x128xf32, #tpu.memory_space<vmem>>[vector<16xi32>, vector<16xi32>, vector<16xi32>, vector<16xi32>, vector<16xi32>], vector<16xf32>,
      %mul3A_1098 = arith.mulf %gather3A_1096, %gather3A_1097 : vector<16xf32>
      %mul3A_1099 = arith.mulf %mul3A_1098, %get3A_21 : vector<16xf32>
      %add3A_1100 = arith.addf %add3A_1095, %mul3A_1099 : vector<16xf32>
      %reduce_sum3A_1101 = arith.constant true
      %reduce_sum3A_1102 = vector.broadcast %reduce_sum3A_1101 : i1 to vector<16xi1>
      %reduce_sum3A_1103 = tpu.scan <sum>, %add3A_1100 masked %reduce_sum3A_1102 : vector<16xf32>, vector<16xi1> -> vector<16xf32>
      %reduce_sum3A_1104 = vector.extract %reduce_sum3A_1103[15] : f32 from vector<16xf32>
      %mul3A_1105 = arith.constant 2 : i32
      %mul3A_1106 = arith.muli %add3A_986, %mul3A_1105 : i32
      %add3A_1107 = arith.constant 1 : i32
      %add3A_1108 = arith.addi %mul3A_1106, %add3A_1107 : i32
      %broadcast_in_dim3A_1109 = vector.broadcast %add3A_1108 : i32 to vector<16xi32>
      %broadcast_in_dim3A_1110 = vector.broadcast %reduce_sum3A_1104 : f32 to vector<16xf32>
      %eq3A_1111 = arith.constant 0 : i32
      %eq3A_1112 = vector.broadcast %eq3A_1111 : i32 to vector<16xi32>
      %eq3A_1113 = arith.cmpi eq, %iota3A, %eq3A_1112 : vector<16xi32>
      tpu.vector_store_idx %arg13[%broadcast_in_dim3A_1109], %broadcast_in_dim3A_1110 masked %eq3A_1113 : memref<512xf32, #tpu.memory_space<vmem>>[vector<16xi32>], vector<16xf32>, vector<16xi1>
      %add3A_1114 = arith.constant 4 : i32
      %add3A_1115 = arith.addi %mul3A_853, %add3A_1114 : i32
      %lt3A_1116 = arith.constant 256 : i32
      %lt3A_1117 = arith.cmpi slt, %add3A_1115, %lt3A_1116 : i32
      %convert_element_type3A_1118 = arith.extui %lt3A_1117 : i1 to i32
      %cond3A_1119 = arith.constant 0 : i32
      %cond3A_1120 = arith.cmpi ne, %convert_element_type3A_1118, %cond3A_1119 : i32
      scf.if %cond3A_1120 {
        %mul3A_1257 = arith.constant 2 : i32
        %mul3A_1258 = arith.muli %add3A_1115, %mul3A_1257 : i32
        %get3A_1259 = arith.index_cast %mul3A_1258 : i32 to index
        %get3A_1260 = tpu.vector_load %arg9[%get3A_1259] {strides = array<i32>} : memref<528xi32, #tpu.memory_space<vmem>>, vector<16xi32>,
        %mul3A_1261 = arith.constant 2 : i32
        %mul3A_1262 = arith.muli %add3A_1115, %mul3A_1261 : i32
        %get3A_1263 = arith.index_cast %mul3A_1262 : i32 to index
        %get3A_1264 = tpu.vector_load %arg10[%get3A_1263] {strides = array<i32>} : memref<528xi32, #tpu.memory_space<vmem>>, vector<16xi32>,
        %slice3A_1265 = vector.extract_strided_slice %get3A_1260 {offsets = [0], sizes = [1], strides = [1]} : vector<16xi32> to vector<1xi32>
        %squeeze3A_1266 = vector.extract %slice3A_1265[0] : i32 from vector<1xi32>
        %shift_right_arithmetic3A_1267 = arith.constant 7 : i32
        %shift_right_arithmetic3A_1268 = arith.shrsi %squeeze3A_1266, %shift_right_arithmetic3A_1267 : i32
        %shift_left3A_1269 = arith.constant 7 : i32
        %shift_left3A_1270 = arith.shli %shift_right_arithmetic3A_1268, %shift_left3A_1269 : i32
        %multiple_of3A_1271 = tpu.assume_multiple %shift_left3A_1270, 128 : i32
        %dma_start3A_1272 = arith.constant 1 : i32
        %dma_start3A_1273 = arith.constant 0 : i32
        %dma_start3A_1274 = arith.constant 0 : i32
        %dma_start3A_1275 = arith.constant 0 : i32
        %dma_start3A_1276 = arith.constant 0 : i32
        %dma_start3A_1277 = tpu.memref_slice %arg11[%dma_start3A_1272, %dma_start3A_1273, %dma_start3A_1274, %dma_start3A_1275, %dma_start3A_1276] : memref<3x2x2x64x128xf32, #tpu.memory_space<vmem>> -> memref<1x1x1x64x128xf32, #tpu.memory_space<vmem>>
        %dma_start3A_1278 = tpu.memref_squeeze %dma_start3A_1277 : memref<1x1x1x64x128xf32, #tpu.memory_space<vmem>> -> memref<64x128xf32, #tpu.memory_space<vmem>>
        %dma_start3A_1279 = arith.constant 0 : i32
        %dma_start3A_1280 = tpu.memref_slice %arg4[%dma_start3A_1279, %multiple_of3A_1271] : memref<64x1000000xf32, #tpu.memory_space<hbm>> -> memref<64x128xf32, #tpu.memory_space<hbm>>
        %dma_start3A_1281 = arith.constant 0 : i32
        %dma_start3A_1282 = arith.constant 0 : i32
        %dma_start3A_1283 = tpu.memref_slice %arg11[%dma_start3A_1272, %dma_start3A_1273, %dma_start3A_1274, %dma_start3A_1281, %dma_start3A_1282] : memref<3x2x2x64x128xf32, #tpu.memory_space<vmem>> -> memref<1x1x1x64x128xf32, #tpu.memory_space<vmem>>
        %dma_start3A_1284 = tpu.memref_squeeze %dma_start3A_1283 : memref<1x1x1x64x128xf32, #tpu.memory_space<vmem>> -> memref<64x128xf32, #tpu.memory_space<vmem>>
        %dma_start3A_1285 = arith.constant 0 : i32
        %dma_start3A_1286 = tpu.memref_slice %arg4[%dma_start3A_1285, %multiple_of3A_1271] : memref<64x1000000xf32, #tpu.memory_space<hbm>> -> memref<64x128xf32, #tpu.memory_space<hbm>>
        tpu.enqueue_dma source(%dma_start3A_1286 : memref<64x128xf32, #tpu.memory_space<hbm>>) target(%dma_start3A_1284 : memref<64x128xf32, #tpu.memory_space<vmem>>) target_semaphore(%arg15 : memref<!tpu.dma_semaphore, #tpu.memory_space<semaphore_mem>>)
        %slice3A_1287 = vector.extract_strided_slice %get3A_1264 {offsets = [0], sizes = [1], strides = [1]} : vector<16xi32> to vector<1xi32>
        %squeeze3A_1288 = vector.extract %slice3A_1287[0] : i32 from vector<1xi32>
        %shift_right_arithmetic3A_1289 = arith.constant 7 : i32
        %shift_right_arithmetic3A_1290 = arith.shrsi %squeeze3A_1288, %shift_right_arithmetic3A_1289 : i32
        %shift_left3A_1291 = arith.constant 7 : i32
        %shift_left3A_1292 = arith.shli %shift_right_arithmetic3A_1290, %shift_left3A_1291 : i32
        %multiple_of3A_1293 = tpu.assume_multiple %shift_left3A_1292, 128 : i32
        %dma_start3A_1294 = arith.constant 1 : i32
        %dma_start3A_1295 = arith.constant 1 : i32
        %dma_start3A_1296 = arith.constant 0 : i32
        %dma_start3A_1297 = arith.constant 0 : i32
        %dma_start3A_1298 = arith.constant 0 : i32
        %dma_start3A_1299 = tpu.memref_slice %arg11[%dma_start3A_1294, %dma_start3A_1295, %dma_start3A_1296, %dma_start3A_1297, %dma_start3A_1298] : memref<3x2x2x64x128xf32, #tpu.memory_space<vmem>> -> memref<1x1x1x64x128xf32, #tpu.memory_space<vmem>>
        %dma_start3A_1300 = tpu.memref_squeeze %dma_start3A_1299 : memref<1x1x1x64x128xf32, #tpu.memory_space<vmem>> -> memref<64x128xf32, #tpu.memory_space<vmem>>
        %dma_start3A_1301 = arith.constant 0 : i32
        %dma_start3A_1302 = tpu.memref_slice %arg5[%dma_start3A_1301, %multiple_of3A_1293] : memref<64x1000000xf32, #tpu.memory_space<hbm>> -> memref<64x128xf32, #tpu.memory_space<hbm>>
        %dma_start3A_1303 = arith.constant 0 : i32
        %dma_start3A_1304 = arith.constant 0 : i32
        %dma_start3A_1305 = tpu.memref_slice %arg11[%dma_start3A_1294, %dma_start3A_1295, %dma_start3A_1296, %dma_start3A_1303, %dma_start3A_1304] : memref<3x2x2x64x128xf32, #tpu.memory_space<vmem>> -> memref<1x1x1x64x128xf32, #tpu.memory_space<vmem>>
        %dma_start3A_1306 = tpu.memref_squeeze %dma_start3A_1305 : memref<1x1x1x64x128xf32, #tpu.memory_space<vmem>> -> memref<64x128xf32, #tpu.memory_space<vmem>>
        %dma_start3A_1307 = arith.constant 0 : i32
        %dma_start3A_1308 = tpu.memref_slice %arg5[%dma_start3A_1307, %multiple_of3A_1293] : memref<64x1000000xf32, #tpu.memory_space<hbm>> -> memref<64x128xf32, #tpu.memory_space<hbm>>
        tpu.enqueue_dma source(%dma_start3A_1308 : memref<64x128xf32, #tpu.memory_space<hbm>>) target(%dma_start3A_1306 : memref<64x128xf32, #tpu.memory_space<vmem>>) target_semaphore(%arg15 : memref<!tpu.dma_semaphore, #tpu.memory_space<semaphore_mem>>)
        %slice3A_1309 = vector.extract_strided_slice %get3A_1260 {offsets = [1], sizes = [1], strides = [1]} : vector<16xi32> to vector<1xi32>
        %squeeze3A_1310 = vector.extract %slice3A_1309[0] : i32 from vector<1xi32>
        %shift_right_arithmetic3A_1311 = arith.constant 7 : i32
        %shift_right_arithmetic3A_1312 = arith.shrsi %squeeze3A_1310, %shift_right_arithmetic3A_1311 : i32
        %shift_left3A_1313 = arith.constant 7 : i32
        %shift_left3A_1314 = arith.shli %shift_right_arithmetic3A_1312, %shift_left3A_1313 : i32
        %multiple_of3A_1315 = tpu.assume_multiple %shift_left3A_1314, 128 : i32
        %dma_start3A_1316 = arith.constant 1 : i32
        %dma_start3A_1317 = arith.constant 0 : i32
        %dma_start3A_1318 = arith.constant 1 : i32
        %dma_start3A_1319 = arith.constant 0 : i32
        %dma_start3A_1320 = arith.constant 0 : i32
        %dma_start3A_1321 = tpu.memref_slice %arg11[%dma_start3A_1316, %dma_start3A_1317, %dma_start3A_1318, %dma_start3A_1319, %dma_start3A_1320] : memref<3x2x2x64x128xf32, #tpu.memory_space<vmem>> -> memref<1x1x1x64x128xf32, #tpu.memory_space<vmem>>
        %dma_start3A_1322 = tpu.memref_squeeze %dma_start3A_1321 : memref<1x1x1x64x128xf32, #tpu.memory_space<vmem>> -> memref<64x128xf32, #tpu.memory_space<vmem>>
        %dma_start3A_1323 = arith.constant 0 : i32
        %dma_start3A_1324 = tpu.memref_slice %arg4[%dma_start3A_1323, %multiple_of3A_1315] : memref<64x1000000xf32, #tpu.memory_space<hbm>> -> memref<64x128xf32, #tpu.memory_space<hbm>>
        %dma_start3A_1325 = arith.constant 0 : i32
        %dma_start3A_1326 = arith.constant 0 : i32
        %dma_start3A_1327 = tpu.memref_slice %arg11[%dma_start3A_1316, %dma_start3A_1317, %dma_start3A_1318, %dma_start3A_1325, %dma_start3A_1326] : memref<3x2x2x64x128xf32, #tpu.memory_space<vmem>> -> memref<1x1x1x64x128xf32, #tpu.memory_space<vmem>>
        %dma_start3A_1328 = tpu.memref_squeeze %dma_start3A_1327 : memref<1x1x1x64x128xf32, #tpu.memory_space<vmem>> -> memref<64x128xf32, #tpu.memory_space<vmem>>
        %dma_start3A_1329 = arith.constant 0 : i32
        %dma_start3A_1330 = tpu.memref_slice %arg4[%dma_start3A_1329, %multiple_of3A_1315] : memref<64x1000000xf32, #tpu.memory_space<hbm>> -> memref<64x128xf32, #tpu.memory_space<hbm>>
        tpu.enqueue_dma source(%dma_start3A_1330 : memref<64x128xf32, #tpu.memory_space<hbm>>) target(%dma_start3A_1328 : memref<64x128xf32, #tpu.memory_space<vmem>>) target_semaphore(%arg15 : memref<!tpu.dma_semaphore, #tpu.memory_space<semaphore_mem>>)
        %slice3A_1331 = vector.extract_strided_slice %get3A_1264 {offsets = [1], sizes = [1], strides = [1]} : vector<16xi32> to vector<1xi32>
        %squeeze3A_1332 = vector.extract %slice3A_1331[0] : i32 from vector<1xi32>
        %shift_right_arithmetic3A_1333 = arith.constant 7 : i32
        %shift_right_arithmetic3A_1334 = arith.shrsi %squeeze3A_1332, %shift_right_arithmetic3A_1333 : i32
        %shift_left3A_1335 = arith.constant 7 : i32
        %shift_left3A_1336 = arith.shli %shift_right_arithmetic3A_1334, %shift_left3A_1335 : i32
        %multiple_of3A_1337 = tpu.assume_multiple %shift_left3A_1336, 128 : i32
        %dma_start3A_1338 = arith.constant 1 : i32
        %dma_start3A_1339 = arith.constant 1 : i32
        %dma_start3A_1340 = arith.constant 1 : i32
        %dma_start3A_1341 = arith.constant 0 : i32
        %dma_start3A_1342 = arith.constant 0 : i32
        %dma_start3A_1343 = tpu.memref_slice %arg11[%dma_start3A_1338, %dma_start3A_1339, %dma_start3A_1340, %dma_start3A_1341, %dma_start3A_1342] : memref<3x2x2x64x128xf32, #tpu.memory_space<vmem>> -> memref<1x1x1x64x128xf32, #tpu.memory_space<vmem>>
        %dma_start3A_1344 = tpu.memref_squeeze %dma_start3A_1343 : memref<1x1x1x64x128xf32, #tpu.memory_space<vmem>> -> memref<64x128xf32, #tpu.memory_space<vmem>>
        %dma_start3A_1345 = arith.constant 0 : i32
        %dma_start3A_1346 = tpu.memref_slice %arg5[%dma_start3A_1345, %multiple_of3A_1337] : memref<64x1000000xf32, #tpu.memory_space<hbm>> -> memref<64x128xf32, #tpu.memory_space<hbm>>
        %dma_start3A_1347 = arith.constant 0 : i32
        %dma_start3A_1348 = arith.constant 0 : i32
        %dma_start3A_1349 = tpu.memref_slice %arg11[%dma_start3A_1338, %dma_start3A_1339, %dma_start3A_1340, %dma_start3A_1347, %dma_start3A_1348] : memref<3x2x2x64x128xf32, #tpu.memory_space<vmem>> -> memref<1x1x1x64x128xf32, #tpu.memory_space<vmem>>
        %dma_start3A_1350 = tpu.memref_squeeze %dma_start3A_1349 : memref<1x1x1x64x128xf32, #tpu.memory_space<vmem>> -> memref<64x128xf32, #tpu.memory_space<vmem>>
        %dma_start3A_1351 = arith.constant 0 : i32
        %dma_start3A_1352 = tpu.memref_slice %arg5[%dma_start3A_1351, %multiple_of3A_1337] : memref<64x1000000xf32, #tpu.memory_space<hbm>> -> memref<64x128xf32, #tpu.memory_space<hbm>>
        tpu.enqueue_dma source(%dma_start3A_1352 : memref<64x128xf32, #tpu.memory_space<hbm>>) target(%dma_start3A_1350 : memref<64x128xf32, #tpu.memory_space<vmem>>) target_semaphore(%arg15 : memref<!tpu.dma_semaphore, #tpu.memory_space<semaphore_mem>>)
      } else {
      }
      %add3A_1121 = arith.constant 2 : i32
      %add3A_1122 = arith.addi %mul3A_853, %add3A_1121 : i32
      %dma_wait3A_1123 = arith.constant 2 : i32
      %dma_wait3A_1124 = arith.constant 0 : i32
      %dma_wait3A_1125 = arith.constant 0 : i32
      %dma_wait3A_1126 = arith.constant 0 : i32
      %dma_wait3A_1127 = arith.constant 0 : i32
      %dma_wait3A_1128 = tpu.memref_slice %arg11[%dma_wait3A_1123, %dma_wait3A_1124, %dma_wait3A_1125, %dma_wait3A_1126, %dma_wait3A_1127] : memref<3x2x2x64x128xf32, #tpu.memory_space<vmem>> -> memref<1x2x2x64x128xf32, #tpu.memory_space<vmem>>
      %dma_wait3A_1129 = tpu.memref_squeeze %dma_wait3A_1128 : memref<1x2x2x64x128xf32, #tpu.memory_space<vmem>> -> memref<2x2x64x128xf32, #tpu.memory_space<vmem>>
      %dma_wait3A_1130 = arith.constant 0 : i32
      %dma_wait3A_1131 = arith.constant 0 : i32
      %dma_wait3A_1132 = arith.constant 0 : i32
      %dma_wait3A_1133 = arith.constant 0 : i32
      %dma_wait3A_1134 = tpu.memref_slice %arg11[%dma_wait3A_1123, %dma_wait3A_1130, %dma_wait3A_1131, %dma_wait3A_1132, %dma_wait3A_1133] : memref<3x2x2x64x128xf32, #tpu.memory_space<vmem>> -> memref<1x2x2x64x128xf32, #tpu.memory_space<vmem>>
      %dma_wait3A_1135 = tpu.memref_squeeze %dma_wait3A_1134 : memref<1x2x2x64x128xf32, #tpu.memory_space<vmem>> -> memref<2x2x64x128xf32, #tpu.memory_space<vmem>>
      tpu.wait_dma2 semaphore(%arg16 : memref<!tpu.dma_semaphore, #tpu.memory_space<semaphore_mem>>) src(%arg7 : memref<2x2x64x128xf32, #tpu.memory_space<hbm>>) dst(%dma_wait3A_1135 : memref<2x2x64x128xf32, #tpu.memory_space<vmem>>)
      %mul3A_1136 = arith.constant 2 : i32
      %mul3A_1137 = arith.muli %add3A_1122, %mul3A_1136 : i32
      %get3A_1138 = arith.index_cast %mul3A_1137 : i32 to index
      %get3A_1139 = tpu.vector_load %arg9[%get3A_1138] {strides = array<i32>} : memref<528xi32, #tpu.memory_space<vmem>>, vector<16xi32>,
      %mul3A_1140 = arith.constant 2 : i32
      %mul3A_1141 = arith.muli %add3A_1122, %mul3A_1140 : i32
      %get3A_1142 = arith.index_cast %mul3A_1141 : i32 to index
      %get3A_1143 = tpu.vector_load %arg10[%get3A_1142] {strides = array<i32>} : memref<528xi32, #tpu.memory_space<vmem>>, vector<16xi32>,
      %slice3A_1144 = vector.extract_strided_slice %get3A_1139 {offsets = [0], sizes = [1], strides = [1]} : vector<16xi32> to vector<1xi32>
      %squeeze3A_1145 = vector.extract %slice3A_1144[0] : i32 from vector<1xi32>
      %and3A_1146 = arith.constant 127 : i32
      %and3A_1147 = arith.andi %squeeze3A_1145, %and3A_1146 : i32
      %broadcast_in_dim3A_1148 = vector.broadcast %and3A_1147 : i32 to vector<16xi32>
      %slice3A_1149 = vector.extract_strided_slice %get3A_1143 {offsets = [0], sizes = [1], strides = [1]} : vector<16xi32> to vector<1xi32>
      %squeeze3A_1150 = vector.extract %slice3A_1149[0] : i32 from vector<1xi32>
      %and3A_1151 = arith.constant 127 : i32
      %and3A_1152 = arith.andi %squeeze3A_1150, %and3A_1151 : i32
      %broadcast_in_dim3A_1153 = vector.broadcast %and3A_1152 : i32 to vector<16xi32>
      %broadcast_in_dim3A_1154 = arith.constant 2 : i32
      %broadcast_in_dim3A_1155 = vector.broadcast %broadcast_in_dim3A_1154 : i32 to vector<16xi32>
      %broadcast_in_dim3A_1156 = arith.constant 0 : i32
      %broadcast_in_dim3A_1157 = vector.broadcast %broadcast_in_dim3A_1156 : i32 to vector<16xi32>
      %broadcast_in_dim3A_1158 = arith.constant 0 : i32
      %broadcast_in_dim3A_1159 = vector.broadcast %broadcast_in_dim3A_1158 : i32 to vector<16xi32>
      %broadcast_in_dim3A_1160 = arith.constant 1 : i32
      %broadcast_in_dim3A_1161 = vector.broadcast %broadcast_in_dim3A_1160 : i32 to vector<16xi32>
      %broadcast_in_dim3A_1162 = arith.constant 0.000000e+00 : f32
      %broadcast_in_dim3A_1163 = vector.broadcast %broadcast_in_dim3A_1162 : f32 to vector<16xf32>
      %gather3A_1164 = tpu.vector_load_idx %arg11[%broadcast_in_dim3A_1155, %broadcast_in_dim3A_1159, %broadcast_in_dim3A_1157, %add3A_5, %broadcast_in_dim3A_1148] : memref<3x2x2x64x128xf32, #tpu.memory_space<vmem>>[vector<16xi32>, vector<16xi32>, vector<16xi32>, vector<16xi32>, vector<16xi32>], vector<16xf32>,
      %gather3A_1165 = tpu.vector_load_idx %arg11[%broadcast_in_dim3A_1155, %broadcast_in_dim3A_1161, %broadcast_in_dim3A_1157, %add3A_5, %broadcast_in_dim3A_1153] : memref<3x2x2x64x128xf32, #tpu.memory_space<vmem>>[vector<16xi32>, vector<16xi32>, vector<16xi32>, vector<16xi32>, vector<16xi32>], vector<16xf32>,
      %mul3A_1166 = arith.mulf %gather3A_1164, %gather3A_1165 : vector<16xf32>
      %mul3A_1167 = arith.mulf %mul3A_1166, %get3A_15 : vector<16xf32>
      %add3A_1168 = arith.addf %broadcast_in_dim3A_1163, %mul3A_1167 : vector<16xf32>
      %gather3A_1169 = tpu.vector_load_idx %arg11[%broadcast_in_dim3A_1155, %broadcast_in_dim3A_1159, %broadcast_in_dim3A_1157, %add3A_8, %broadcast_in_dim3A_1148] : memref<3x2x2x64x128xf32, #tpu.memory_space<vmem>>[vector<16xi32>, vector<16xi32>, vector<16xi32>, vector<16xi32>, vector<16xi32>], vector<16xf32>,
      %gather3A_1170 = tpu.vector_load_idx %arg11[%broadcast_in_dim3A_1155, %broadcast_in_dim3A_1161, %broadcast_in_dim3A_1157, %add3A_8, %broadcast_in_dim3A_1153] : memref<3x2x2x64x128xf32, #tpu.memory_space<vmem>>[vector<16xi32>, vector<16xi32>, vector<16xi32>, vector<16xi32>, vector<16xi32>], vector<16xf32>,
      %mul3A_1171 = arith.mulf %gather3A_1169, %gather3A_1170 : vector<16xf32>
      %mul3A_1172 = arith.mulf %mul3A_1171, %get3A_17 : vector<16xf32>
      %add3A_1173 = arith.addf %add3A_1168, %mul3A_1172 : vector<16xf32>
      %gather3A_1174 = tpu.vector_load_idx %arg11[%broadcast_in_dim3A_1155, %broadcast_in_dim3A_1159, %broadcast_in_dim3A_1157, %add3A_11, %broadcast_in_dim3A_1148] : memref<3x2x2x64x128xf32, #tpu.memory_space<vmem>>[vector<16xi32>, vector<16xi32>, vector<16xi32>, vector<16xi32>, vector<16xi32>], vector<16xf32>,
      %gather3A_1175 = tpu.vector_load_idx %arg11[%broadcast_in_dim3A_1155, %broadcast_in_dim3A_1161, %broadcast_in_dim3A_1157, %add3A_11, %broadcast_in_dim3A_1153] : memref<3x2x2x64x128xf32, #tpu.memory_space<vmem>>[vector<16xi32>, vector<16xi32>, vector<16xi32>, vector<16xi32>, vector<16xi32>], vector<16xf32>,
      %mul3A_1176 = arith.mulf %gather3A_1174, %gather3A_1175 : vector<16xf32>
      %mul3A_1177 = arith.mulf %mul3A_1176, %get3A_19 : vector<16xf32>
      %add3A_1178 = arith.addf %add3A_1173, %mul3A_1177 : vector<16xf32>
      %gather3A_1179 = tpu.vector_load_idx %arg11[%broadcast_in_dim3A_1155, %broadcast_in_dim3A_1159, %broadcast_in_dim3A_1157, %add3A_14, %broadcast_in_dim3A_1148] : memref<3x2x2x64x128xf32, #tpu.memory_space<vmem>>[vector<16xi32>, vector<16xi32>, vector<16xi32>, vector<16xi32>, vector<16xi32>], vector<16xf32>,
      %gather3A_1180 = tpu.vector_load_idx %arg11[%broadcast_in_dim3A_1155, %broadcast_in_dim3A_1161, %broadcast_in_dim3A_1157, %add3A_14, %broadcast_in_dim3A_1153] : memref<3x2x2x64x128xf32, #tpu.memory_space<vmem>>[vector<16xi32>, vector<16xi32>, vector<16xi32>, vector<16xi32>, vector<16xi32>], vector<16xf32>,
      %mul3A_1181 = arith.mulf %gather3A_1179, %gather3A_1180 : vector<16xf32>
      %mul3A_1182 = arith.mulf %mul3A_1181, %get3A_21 : vector<16xf32>
      %add3A_1183 = arith.addf %add3A_1178, %mul3A_1182 : vector<16xf32>
      %reduce_sum3A_1184 = arith.constant true
      %reduce_sum3A_1185 = vector.broadcast %reduce_sum3A_1184 : i1 to vector<16xi1>
      %reduce_sum3A_1186 = tpu.scan <sum>, %add3A_1183 masked %reduce_sum3A_1185 : vector<16xf32>, vector<16xi1> -> vector<16xf32>
      %reduce_sum3A_1187 = vector.extract %reduce_sum3A_1186[15] : f32 from vector<16xf32>
      %mul3A_1188 = arith.constant 2 : i32
      %mul3A_1189 = arith.muli %add3A_1122, %mul3A_1188 : i32
      %add3A_1190 = arith.constant 0 : i32
      %add3A_1191 = arith.addi %mul3A_1189, %add3A_1190 : i32
      %broadcast_in_dim3A_1192 = vector.broadcast %add3A_1191 : i32 to vector<16xi32>
      %broadcast_in_dim3A_1193 = vector.broadcast %reduce_sum3A_1187 : f32 to vector<16xf32>
      %eq3A_1194 = arith.constant 0 : i32
      %eq3A_1195 = vector.broadcast %eq3A_1194 : i32 to vector<16xi32>
      %eq3A_1196 = arith.cmpi eq, %iota3A, %eq3A_1195 : vector<16xi32>
      tpu.vector_store_idx %arg13[%broadcast_in_dim3A_1192], %broadcast_in_dim3A_1193 masked %eq3A_1196 : memref<512xf32, #tpu.memory_space<vmem>>[vector<16xi32>], vector<16xf32>, vector<16xi1>
      %slice3A_1197 = vector.extract_strided_slice %get3A_1139 {offsets = [1], sizes = [1], strides = [1]} : vector<16xi32> to vector<1xi32>
      %squeeze3A_1198 = vector.extract %slice3A_1197[0] : i32 from vector<1xi32>
      %and3A_1199 = arith.constant 127 : i32
      %and3A_1200 = arith.andi %squeeze3A_1198, %and3A_1199 : i32
      %broadcast_in_dim3A_1201 = vector.broadcast %and3A_1200 : i32 to vector<16xi32>
      %slice3A_1202 = vector.extract_strided_slice %get3A_1143 {offsets = [1], sizes = [1], strides = [1]} : vector<16xi32> to vector<1xi32>
      %squeeze3A_1203 = vector.extract %slice3A_1202[0] : i32 from vector<1xi32>
      %and3A_1204 = arith.constant 127 : i32
      %and3A_1205 = arith.andi %squeeze3A_1203, %and3A_1204 : i32
      %broadcast_in_dim3A_1206 = vector.broadcast %and3A_1205 : i32 to vector<16xi32>
      %broadcast_in_dim3A_1207 = arith.constant 2 : i32
      %broadcast_in_dim3A_1208 = vector.broadcast %broadcast_in_dim3A_1207 : i32 to vector<16xi32>
      %broadcast_in_dim3A_1209 = arith.constant 1 : i32
      %broadcast_in_dim3A_1210 = vector.broadcast %broadcast_in_dim3A_1209 : i32 to vector<16xi32>
      %broadcast_in_dim3A_1211 = arith.constant 0 : i32
      %broadcast_in_dim3A_1212 = vector.broadcast %broadcast_in_dim3A_1211 : i32 to vector<16xi32>
      %broadcast_in_dim3A_1213 = arith.constant 1 : i32
      %broadcast_in_dim3A_1214 = vector.broadcast %broadcast_in_dim3A_1213 : i32 to vector<16xi32>
      %broadcast_in_dim3A_1215 = arith.constant 0.000000e+00 : f32
      %broadcast_in_dim3A_1216 = vector.broadcast %broadcast_in_dim3A_1215 : f32 to vector<16xf32>
      %gather3A_1217 = tpu.vector_load_idx %arg11[%broadcast_in_dim3A_1208, %broadcast_in_dim3A_1212, %broadcast_in_dim3A_1210, %add3A_5, %broadcast_in_dim3A_1201] : memref<3x2x2x64x128xf32, #tpu.memory_space<vmem>>[vector<16xi32>, vector<16xi32>, vector<16xi32>, vector<16xi32>, vector<16xi32>], vector<16xf32>,
      %gather3A_1218 = tpu.vector_load_idx %arg11[%broadcast_in_dim3A_1208, %broadcast_in_dim3A_1214, %broadcast_in_dim3A_1210, %add3A_5, %broadcast_in_dim3A_1206] : memref<3x2x2x64x128xf32, #tpu.memory_space<vmem>>[vector<16xi32>, vector<16xi32>, vector<16xi32>, vector<16xi32>, vector<16xi32>], vector<16xf32>,
      %mul3A_1219 = arith.mulf %gather3A_1217, %gather3A_1218 : vector<16xf32>
      %mul3A_1220 = arith.mulf %mul3A_1219, %get3A_15 : vector<16xf32>
      %add3A_1221 = arith.addf %broadcast_in_dim3A_1216, %mul3A_1220 : vector<16xf32>
      %gather3A_1222 = tpu.vector_load_idx %arg11[%broadcast_in_dim3A_1208, %broadcast_in_dim3A_1212, %broadcast_in_dim3A_1210, %add3A_8, %broadcast_in_dim3A_1201] : memref<3x2x2x64x128xf32, #tpu.memory_space<vmem>>[vector<16xi32>, vector<16xi32>, vector<16xi32>, vector<16xi32>, vector<16xi32>], vector<16xf32>,
      %gather3A_1223 = tpu.vector_load_idx %arg11[%broadcast_in_dim3A_1208, %broadcast_in_dim3A_1214, %broadcast_in_dim3A_1210, %add3A_8, %broadcast_in_dim3A_1206] : memref<3x2x2x64x128xf32, #tpu.memory_space<vmem>>[vector<16xi32>, vector<16xi32>, vector<16xi32>, vector<16xi32>, vector<16xi32>], vector<16xf32>,
      %mul3A_1224 = arith.mulf %gather3A_1222, %gather3A_1223 : vector<16xf32>
      %mul3A_1225 = arith.mulf %mul3A_1224, %get3A_17 : vector<16xf32>
      %add3A_1226 = arith.addf %add3A_1221, %mul3A_1225 : vector<16xf32>
      %gather3A_1227 = tpu.vector_load_idx %arg11[%broadcast_in_dim3A_1208, %broadcast_in_dim3A_1212, %broadcast_in_dim3A_1210, %add3A_11, %broadcast_in_dim3A_1201] : memref<3x2x2x64x128xf32, #tpu.memory_space<vmem>>[vector<16xi32>, vector<16xi32>, vector<16xi32>, vector<16xi32>, vector<16xi32>], vector<16xf32>,
      %gather3A_1228 = tpu.vector_load_idx %arg11[%broadcast_in_dim3A_1208, %broadcast_in_dim3A_1214, %broadcast_in_dim3A_1210, %add3A_11, %broadcast_in_dim3A_1206] : memref<3x2x2x64x128xf32, #tpu.memory_space<vmem>>[vector<16xi32>, vector<16xi32>, vector<16xi32>, vector<16xi32>, vector<16xi32>], vector<16xf32>,
      %mul3A_1229 = arith.mulf %gather3A_1227, %gather3A_1228 : vector<16xf32>
      %mul3A_1230 = arith.mulf %mul3A_1229, %get3A_19 : vector<16xf32>
      %add3A_1231 = arith.addf %add3A_1226, %mul3A_1230 : vector<16xf32>
      %gather3A_1232 = tpu.vector_load_idx %arg11[%broadcast_in_dim3A_1208, %broadcast_in_dim3A_1212, %broadcast_in_dim3A_1210, %add3A_14, %broadcast_in_dim3A_1201] : memref<3x2x2x64x128xf32, #tpu.memory_space<vmem>>[vector<16xi32>, vector<16xi32>, vector<16xi32>, vector<16xi32>, vector<16xi32>], vector<16xf32>,
      %gather3A_1233 = tpu.vector_load_idx %arg11[%broadcast_in_dim3A_1208, %broadcast_in_dim3A_1214, %broadcast_in_dim3A_1210, %add3A_14, %broadcast_in_dim3A_1206] : memref<3x2x2x64x128xf32, #tpu.memory_space<vmem>>[vector<16xi32>, vector<16xi32>, vector<16xi32>, vector<16xi32>, vector<16xi32>], vector<16xf32>,
      %mul3A_1234 = arith.mulf %gather3A_1232, %gather3A_1233 : vector<16xf32>
      %mul3A_1235 = arith.mulf %mul3A_1234, %get3A_21 : vector<16xf32>
      %add3A_1236 = arith.addf %add3A_1231, %mul3A_1235 : vector<16xf32>
      %reduce_sum3A_1237 = arith.constant true
      %reduce_sum3A_1238 = vector.broadcast %reduce_sum3A_1237 : i1 to vector<16xi1>
      %reduce_sum3A_1239 = tpu.scan <sum>, %add3A_1236 masked %reduce_sum3A_1238 : vector<16xf32>, vector<16xi1> -> vector<16xf32>
      %reduce_sum3A_1240 = vector.extract %reduce_sum3A_1239[15] : f32 from vector<16xf32>
      %mul3A_1241 = arith.constant 2 : i32
      %mul3A_1242 = arith.muli %add3A_1122, %mul3A_1241 : i32
      %add3A_1243 = arith.constant 1 : i32
      %add3A_1244 = arith.addi %mul3A_1242, %add3A_1243 : i32
      %broadcast_in_dim3A_1245 = vector.broadcast %add3A_1244 : i32 to vector<16xi32>
      %broadcast_in_dim3A_1246 = vector.broadcast %reduce_sum3A_1240 : f32 to vector<16xf32>
      %eq3A_1247 = arith.constant 0 : i32
      %eq3A_1248 = vector.broadcast %eq3A_1247 : i32 to vector<16xi32>
      %eq3A_1249 = arith.cmpi eq, %iota3A, %eq3A_1248 : vector<16xi32>
      tpu.vector_store_idx %arg13[%broadcast_in_dim3A_1245], %broadcast_in_dim3A_1246 masked %eq3A_1249 : memref<512xf32, #tpu.memory_space<vmem>>[vector<16xi32>], vector<16xf32>, vector<16xi1>
      %add3A_1250 = arith.constant 5 : i32
      %add3A_1251 = arith.addi %mul3A_853, %add3A_1250 : i32
      %lt3A_1252 = arith.constant 256 : i32
      %lt3A_1253 = arith.cmpi slt, %add3A_1251, %lt3A_1252 : i32
      %convert_element_type3A_1254 = arith.extui %lt3A_1253 : i1 to i32
      %cond3A_1255 = arith.constant 0 : i32
      %cond3A_1256 = arith.cmpi ne, %convert_element_type3A_1254, %cond3A_1255 : i32
      scf.if %cond3A_1256 {
        %mul3A_1257 = arith.constant 2 : i32
        %mul3A_1258 = arith.muli %add3A_1251, %mul3A_1257 : i32
        %get3A_1259 = arith.index_cast %mul3A_1258 : i32 to index
        %get3A_1260 = tpu.vector_load %arg9[%get3A_1259] {strides = array<i32>} : memref<528xi32, #tpu.memory_space<vmem>>, vector<16xi32>,
        %mul3A_1261 = arith.constant 2 : i32
        %mul3A_1262 = arith.muli %add3A_1251, %mul3A_1261 : i32
        %get3A_1263 = arith.index_cast %mul3A_1262 : i32 to index
        %get3A_1264 = tpu.vector_load %arg10[%get3A_1263] {strides = array<i32>} : memref<528xi32, #tpu.memory_space<vmem>>, vector<16xi32>,
        %slice3A_1265 = vector.extract_strided_slice %get3A_1260 {offsets = [0], sizes = [1], strides = [1]} : vector<16xi32> to vector<1xi32>
        %squeeze3A_1266 = vector.extract %slice3A_1265[0] : i32 from vector<1xi32>
        %shift_right_arithmetic3A_1267 = arith.constant 7 : i32
        %shift_right_arithmetic3A_1268 = arith.shrsi %squeeze3A_1266, %shift_right_arithmetic3A_1267 : i32
        %shift_left3A_1269 = arith.constant 7 : i32
        %shift_left3A_1270 = arith.shli %shift_right_arithmetic3A_1268, %shift_left3A_1269 : i32
        %multiple_of3A_1271 = tpu.assume_multiple %shift_left3A_1270, 128 : i32
        %dma_start3A_1272 = arith.constant 2 : i32
        %dma_start3A_1273 = arith.constant 0 : i32
        %dma_start3A_1274 = arith.constant 0 : i32
        %dma_start3A_1275 = arith.constant 0 : i32
        %dma_start3A_1276 = arith.constant 0 : i32
        %dma_start3A_1277 = tpu.memref_slice %arg11[%dma_start3A_1272, %dma_start3A_1273, %dma_start3A_1274, %dma_start3A_1275, %dma_start3A_1276] : memref<3x2x2x64x128xf32, #tpu.memory_space<vmem>> -> memref<1x1x1x64x128xf32, #tpu.memory_space<vmem>>
        %dma_start3A_1278 = tpu.memref_squeeze %dma_start3A_1277 : memref<1x1x1x64x128xf32, #tpu.memory_space<vmem>> -> memref<64x128xf32, #tpu.memory_space<vmem>>
        %dma_start3A_1279 = arith.constant 0 : i32
        %dma_start3A_1280 = tpu.memref_slice %arg4[%dma_start3A_1279, %multiple_of3A_1271] : memref<64x1000000xf32, #tpu.memory_space<hbm>> -> memref<64x128xf32, #tpu.memory_space<hbm>>
        %dma_start3A_1281 = arith.constant 0 : i32
        %dma_start3A_1282 = arith.constant 0 : i32
        %dma_start3A_1283 = tpu.memref_slice %arg11[%dma_start3A_1272, %dma_start3A_1273, %dma_start3A_1274, %dma_start3A_1281, %dma_start3A_1282] : memref<3x2x2x64x128xf32, #tpu.memory_space<vmem>> -> memref<1x1x1x64x128xf32, #tpu.memory_space<vmem>>
        %dma_start3A_1284 = tpu.memref_squeeze %dma_start3A_1283 : memref<1x1x1x64x128xf32, #tpu.memory_space<vmem>> -> memref<64x128xf32, #tpu.memory_space<vmem>>
        %dma_start3A_1285 = arith.constant 0 : i32
        %dma_start3A_1286 = tpu.memref_slice %arg4[%dma_start3A_1285, %multiple_of3A_1271] : memref<64x1000000xf32, #tpu.memory_space<hbm>> -> memref<64x128xf32, #tpu.memory_space<hbm>>
        tpu.enqueue_dma source(%dma_start3A_1286 : memref<64x128xf32, #tpu.memory_space<hbm>>) target(%dma_start3A_1284 : memref<64x128xf32, #tpu.memory_space<vmem>>) target_semaphore(%arg16 : memref<!tpu.dma_semaphore, #tpu.memory_space<semaphore_mem>>)
        %slice3A_1287 = vector.extract_strided_slice %get3A_1264 {offsets = [0], sizes = [1], strides = [1]} : vector<16xi32> to vector<1xi32>
        %squeeze3A_1288 = vector.extract %slice3A_1287[0] : i32 from vector<1xi32>
        %shift_right_arithmetic3A_1289 = arith.constant 7 : i32
        %shift_right_arithmetic3A_1290 = arith.shrsi %squeeze3A_1288, %shift_right_arithmetic3A_1289 : i32
        %shift_left3A_1291 = arith.constant 7 : i32
        %shift_left3A_1292 = arith.shli %shift_right_arithmetic3A_1290, %shift_left3A_1291 : i32
        %multiple_of3A_1293 = tpu.assume_multiple %shift_left3A_1292, 128 : i32
        %dma_start3A_1294 = arith.constant 2 : i32
        %dma_start3A_1295 = arith.constant 1 : i32
        %dma_start3A_1296 = arith.constant 0 : i32
        %dma_start3A_1297 = arith.constant 0 : i32
        %dma_start3A_1298 = arith.constant 0 : i32
        %dma_start3A_1299 = tpu.memref_slice %arg11[%dma_start3A_1294, %dma_start3A_1295, %dma_start3A_1296, %dma_start3A_1297, %dma_start3A_1298] : memref<3x2x2x64x128xf32, #tpu.memory_space<vmem>> -> memref<1x1x1x64x128xf32, #tpu.memory_space<vmem>>
        %dma_start3A_1300 = tpu.memref_squeeze %dma_start3A_1299 : memref<1x1x1x64x128xf32, #tpu.memory_space<vmem>> -> memref<64x128xf32, #tpu.memory_space<vmem>>
        %dma_start3A_1301 = arith.constant 0 : i32
        %dma_start3A_1302 = tpu.memref_slice %arg5[%dma_start3A_1301, %multiple_of3A_1293] : memref<64x1000000xf32, #tpu.memory_space<hbm>> -> memref<64x128xf32, #tpu.memory_space<hbm>>
        %dma_start3A_1303 = arith.constant 0 : i32
        %dma_start3A_1304 = arith.constant 0 : i32
        %dma_start3A_1305 = tpu.memref_slice %arg11[%dma_start3A_1294, %dma_start3A_1295, %dma_start3A_1296, %dma_start3A_1303, %dma_start3A_1304] : memref<3x2x2x64x128xf32, #tpu.memory_space<vmem>> -> memref<1x1x1x64x128xf32, #tpu.memory_space<vmem>>
        %dma_start3A_1306 = tpu.memref_squeeze %dma_start3A_1305 : memref<1x1x1x64x128xf32, #tpu.memory_space<vmem>> -> memref<64x128xf32, #tpu.memory_space<vmem>>
        %dma_start3A_1307 = arith.constant 0 : i32
        %dma_start3A_1308 = tpu.memref_slice %arg5[%dma_start3A_1307, %multiple_of3A_1293] : memref<64x1000000xf32, #tpu.memory_space<hbm>> -> memref<64x128xf32, #tpu.memory_space<hbm>>
        tpu.enqueue_dma source(%dma_start3A_1308 : memref<64x128xf32, #tpu.memory_space<hbm>>) target(%dma_start3A_1306 : memref<64x128xf32, #tpu.memory_space<vmem>>) target_semaphore(%arg16 : memref<!tpu.dma_semaphore, #tpu.memory_space<semaphore_mem>>)
        %slice3A_1309 = vector.extract_strided_slice %get3A_1260 {offsets = [1], sizes = [1], strides = [1]} : vector<16xi32> to vector<1xi32>
        %squeeze3A_1310 = vector.extract %slice3A_1309[0] : i32 from vector<1xi32>
        %shift_right_arithmetic3A_1311 = arith.constant 7 : i32
        %shift_right_arithmetic3A_1312 = arith.shrsi %squeeze3A_1310, %shift_right_arithmetic3A_1311 : i32
        %shift_left3A_1313 = arith.constant 7 : i32
        %shift_left3A_1314 = arith.shli %shift_right_arithmetic3A_1312, %shift_left3A_1313 : i32
        %multiple_of3A_1315 = tpu.assume_multiple %shift_left3A_1314, 128 : i32
        %dma_start3A_1316 = arith.constant 2 : i32
        %dma_start3A_1317 = arith.constant 0 : i32
        %dma_start3A_1318 = arith.constant 1 : i32
        %dma_start3A_1319 = arith.constant 0 : i32
        %dma_start3A_1320 = arith.constant 0 : i32
        %dma_start3A_1321 = tpu.memref_slice %arg11[%dma_start3A_1316, %dma_start3A_1317, %dma_start3A_1318, %dma_start3A_1319, %dma_start3A_1320] : memref<3x2x2x64x128xf32, #tpu.memory_space<vmem>> -> memref<1x1x1x64x128xf32, #tpu.memory_space<vmem>>
        %dma_start3A_1322 = tpu.memref_squeeze %dma_start3A_1321 : memref<1x1x1x64x128xf32, #tpu.memory_space<vmem>> -> memref<64x128xf32, #tpu.memory_space<vmem>>
        %dma_start3A_1323 = arith.constant 0 : i32
        %dma_start3A_1324 = tpu.memref_slice %arg4[%dma_start3A_1323, %multiple_of3A_1315] : memref<64x1000000xf32, #tpu.memory_space<hbm>> -> memref<64x128xf32, #tpu.memory_space<hbm>>
        %dma_start3A_1325 = arith.constant 0 : i32
        %dma_start3A_1326 = arith.constant 0 : i32
        %dma_start3A_1327 = tpu.memref_slice %arg11[%dma_start3A_1316, %dma_start3A_1317, %dma_start3A_1318, %dma_start3A_1325, %dma_start3A_1326] : memref<3x2x2x64x128xf32, #tpu.memory_space<vmem>> -> memref<1x1x1x64x128xf32, #tpu.memory_space<vmem>>
        %dma_start3A_1328 = tpu.memref_squeeze %dma_start3A_1327 : memref<1x1x1x64x128xf32, #tpu.memory_space<vmem>> -> memref<64x128xf32, #tpu.memory_space<vmem>>
        %dma_start3A_1329 = arith.constant 0 : i32
        %dma_start3A_1330 = tpu.memref_slice %arg4[%dma_start3A_1329, %multiple_of3A_1315] : memref<64x1000000xf32, #tpu.memory_space<hbm>> -> memref<64x128xf32, #tpu.memory_space<hbm>>
        tpu.enqueue_dma source(%dma_start3A_1330 : memref<64x128xf32, #tpu.memory_space<hbm>>) target(%dma_start3A_1328 : memref<64x128xf32, #tpu.memory_space<vmem>>) target_semaphore(%arg16 : memref<!tpu.dma_semaphore, #tpu.memory_space<semaphore_mem>>)
        %slice3A_1331 = vector.extract_strided_slice %get3A_1264 {offsets = [1], sizes = [1], strides = [1]} : vector<16xi32> to vector<1xi32>
        %squeeze3A_1332 = vector.extract %slice3A_1331[0] : i32 from vector<1xi32>
        %shift_right_arithmetic3A_1333 = arith.constant 7 : i32
        %shift_right_arithmetic3A_1334 = arith.shrsi %squeeze3A_1332, %shift_right_arithmetic3A_1333 : i32
        %shift_left3A_1335 = arith.constant 7 : i32
        %shift_left3A_1336 = arith.shli %shift_right_arithmetic3A_1334, %shift_left3A_1335 : i32
        %multiple_of3A_1337 = tpu.assume_multiple %shift_left3A_1336, 128 : i32
        %dma_start3A_1338 = arith.constant 2 : i32
        %dma_start3A_1339 = arith.constant 1 : i32
        %dma_start3A_1340 = arith.constant 1 : i32
        %dma_start3A_1341 = arith.constant 0 : i32
        %dma_start3A_1342 = arith.constant 0 : i32
        %dma_start3A_1343 = tpu.memref_slice %arg11[%dma_start3A_1338, %dma_start3A_1339, %dma_start3A_1340, %dma_start3A_1341, %dma_start3A_1342] : memref<3x2x2x64x128xf32, #tpu.memory_space<vmem>> -> memref<1x1x1x64x128xf32, #tpu.memory_space<vmem>>
        %dma_start3A_1344 = tpu.memref_squeeze %dma_start3A_1343 : memref<1x1x1x64x128xf32, #tpu.memory_space<vmem>> -> memref<64x128xf32, #tpu.memory_space<vmem>>
        %dma_start3A_1345 = arith.constant 0 : i32
        %dma_start3A_1346 = tpu.memref_slice %arg5[%dma_start3A_1345, %multiple_of3A_1337] : memref<64x1000000xf32, #tpu.memory_space<hbm>> -> memref<64x128xf32, #tpu.memory_space<hbm>>
        %dma_start3A_1347 = arith.constant 0 : i32
        %dma_start3A_1348 = arith.constant 0 : i32
        %dma_start3A_1349 = tpu.memref_slice %arg11[%dma_start3A_1338, %dma_start3A_1339, %dma_start3A_1340, %dma_start3A_1347, %dma_start3A_1348] : memref<3x2x2x64x128xf32, #tpu.memory_space<vmem>> -> memref<1x1x1x64x128xf32, #tpu.memory_space<vmem>>
        %dma_start3A_1350 = tpu.memref_squeeze %dma_start3A_1349 : memref<1x1x1x64x128xf32, #tpu.memory_space<vmem>> -> memref<64x128xf32, #tpu.memory_space<vmem>>
        %dma_start3A_1351 = arith.constant 0 : i32
        %dma_start3A_1352 = tpu.memref_slice %arg5[%dma_start3A_1351, %multiple_of3A_1337] : memref<64x1000000xf32, #tpu.memory_space<hbm>> -> memref<64x128xf32, #tpu.memory_space<hbm>>
        tpu.enqueue_dma source(%dma_start3A_1352 : memref<64x128xf32, #tpu.memory_space<hbm>>) target(%dma_start3A_1350 : memref<64x128xf32, #tpu.memory_space<vmem>>) target_semaphore(%arg16 : memref<!tpu.dma_semaphore, #tpu.memory_space<semaphore_mem>>)
      } else {
      }
    }
    %scan3A_295 = arith.constant 85 : i32
    %dma_wait3A = arith.constant 0 : i32
    %dma_wait3A_296 = arith.constant 0 : i32
    %dma_wait3A_297 = arith.constant 0 : i32
    %dma_wait3A_298 = arith.constant 0 : i32
    %dma_wait3A_299 = arith.constant 0 : i32
    %dma_wait3A_300 = tpu.memref_slice %arg11[%dma_wait3A, %dma_wait3A_296, %dma_wait3A_297, %dma_wait3A_298, %dma_wait3A_299] : memref<3x2x2x64x128xf32, #tpu.memory_space<vmem>> -> memref<1x2x2x64x128xf32, #tpu.memory_space<vmem>>
    %dma_wait3A_301 = tpu.memref_squeeze %dma_wait3A_300 : memref<1x2x2x64x128xf32, #tpu.memory_space<vmem>> -> memref<2x2x64x128xf32, #tpu.memory_space<vmem>>
    %dma_wait3A_302 = arith.constant 0 : i32
    %dma_wait3A_303 = arith.constant 0 : i32
    %dma_wait3A_304 = arith.constant 0 : i32
    %dma_wait3A_305 = arith.constant 0 : i32
    %dma_wait3A_306 = tpu.memref_slice %arg11[%dma_wait3A, %dma_wait3A_302, %dma_wait3A_303, %dma_wait3A_304, %dma_wait3A_305] : memref<3x2x2x64x128xf32, #tpu.memory_space<vmem>> -> memref<1x2x2x64x128xf32, #tpu.memory_space<vmem>>
    %dma_wait3A_307 = tpu.memref_squeeze %dma_wait3A_306 : memref<1x2x2x64x128xf32, #tpu.memory_space<vmem>> -> memref<2x2x64x128xf32, #tpu.memory_space<vmem>>
    tpu.wait_dma2 semaphore(%arg14 : memref<!tpu.dma_semaphore, #tpu.memory_space<semaphore_mem>>) src(%arg7 : memref<2x2x64x128xf32, #tpu.memory_space<hbm>>) dst(%dma_wait3A_307 : memref<2x2x64x128xf32, #tpu.memory_space<vmem>>)
    %get3A_308 = arith.constant 510 : index
    %get3A_309 = tpu.vector_load %arg9[%get3A_308] {strides = array<i32>} : memref<528xi32, #tpu.memory_space<vmem>>, vector<16xi32>,
    %get3A_310 = arith.constant 510 : index
    %get3A_311 = tpu.vector_load %arg10[%get3A_310] {strides = array<i32>} : memref<528xi32, #tpu.memory_space<vmem>>, vector<16xi32>,
    %slice3A_312 = vector.extract_strided_slice %get3A_309 {offsets = [0], sizes = [1], strides = [1]} : vector<16xi32> to vector<1xi32>
    %squeeze3A_313 = vector.extract %slice3A_312[0] : i32 from vector<1xi32>
    %and3A = arith.constant 127 : i32
    %and3A_314 = arith.andi %squeeze3A_313, %and3A : i32
    %broadcast_in_dim3A = vector.broadcast %and3A_314 : i32 to vector<16xi32>
    %slice3A_315 = vector.extract_strided_slice %get3A_311 {offsets = [0], sizes = [1], strides = [1]} : vector<16xi32> to vector<1xi32>
    %squeeze3A_316 = vector.extract %slice3A_315[0] : i32 from vector<1xi32>
    %and3A_317 = arith.constant 127 : i32
    %and3A_318 = arith.andi %squeeze3A_316, %and3A_317 : i32
    %broadcast_in_dim3A_319 = vector.broadcast %and3A_318 : i32 to vector<16xi32>
    %broadcast_in_dim3A_320 = arith.constant 0 : i32
    %broadcast_in_dim3A_321 = vector.broadcast %broadcast_in_dim3A_320 : i32 to vector<16xi32>
    %broadcast_in_dim3A_322 = arith.constant 0 : i32
    %broadcast_in_dim3A_323 = vector.broadcast %broadcast_in_dim3A_322 : i32 to vector<16xi32>
    %broadcast_in_dim3A_324 = arith.constant 0 : i32
    %broadcast_in_dim3A_325 = vector.broadcast %broadcast_in_dim3A_324 : i32 to vector<16xi32>
    %broadcast_in_dim3A_326 = arith.constant 1 : i32
    %broadcast_in_dim3A_327 = vector.broadcast %broadcast_in_dim3A_326 : i32 to vector<16xi32>
    %broadcast_in_dim3A_328 = arith.constant 0.000000e+00 : f32
    %broadcast_in_dim3A_329 = vector.broadcast %broadcast_in_dim3A_328 : f32 to vector<16xf32>
    %gather3A = tpu.vector_load_idx %arg11[%broadcast_in_dim3A_321, %broadcast_in_dim3A_325, %broadcast_in_dim3A_323, %add3A_5, %broadcast_in_dim3A] : memref<3x2x2x64x128xf32, #tpu.memory_space<vmem>>[vector<16xi32>, vector<16xi32>, vector<16xi32>, vector<16xi32>, vector<16xi32>], vector<16xf32>,
    %gather3A_330 = tpu.vector_load_idx %arg11[%broadcast_in_dim3A_321, %broadcast_in_dim3A_327, %broadcast_in_dim3A_323, %add3A_5, %broadcast_in_dim3A_319] : memref<3x2x2x64x128xf32, #tpu.memory_space<vmem>>[vector<16xi32>, vector<16xi32>, vector<16xi32>, vector<16xi32>, vector<16xi32>], vector<16xf32>,
    %mul3A_331 = arith.mulf %gather3A, %gather3A_330 : vector<16xf32>
    %mul3A_332 = arith.mulf %mul3A_331, %get3A_15 : vector<16xf32>
    %add3A_333 = arith.addf %broadcast_in_dim3A_329, %mul3A_332 : vector<16xf32>
    %gather3A_334 = tpu.vector_load_idx %arg11[%broadcast_in_dim3A_321, %broadcast_in_dim3A_325, %broadcast_in_dim3A_323, %add3A_8, %broadcast_in_dim3A] : memref<3x2x2x64x128xf32, #tpu.memory_space<vmem>>[vector<16xi32>, vector<16xi32>, vector<16xi32>, vector<16xi32>, vector<16xi32>], vector<16xf32>,
    %gather3A_335 = tpu.vector_load_idx %arg11[%broadcast_in_dim3A_321, %broadcast_in_dim3A_327, %broadcast_in_dim3A_323, %add3A_8, %broadcast_in_dim3A_319] : memref<3x2x2x64x128xf32, #tpu.memory_space<vmem>>[vector<16xi32>, vector<16xi32>, vector<16xi32>, vector<16xi32>, vector<16xi32>], vector<16xf32>,
    %mul3A_336 = arith.mulf %gather3A_334, %gather3A_335 : vector<16xf32>
    %mul3A_337 = arith.mulf %mul3A_336, %get3A_17 : vector<16xf32>
    %add3A_338 = arith.addf %add3A_333, %mul3A_337 : vector<16xf32>
    %gather3A_339 = tpu.vector_load_idx %arg11[%broadcast_in_dim3A_321, %broadcast_in_dim3A_325, %broadcast_in_dim3A_323, %add3A_11, %broadcast_in_dim3A] : memref<3x2x2x64x128xf32, #tpu.memory_space<vmem>>[vector<16xi32>, vector<16xi32>, vector<16xi32>, vector<16xi32>, vector<16xi32>], vector<16xf32>,
    %gather3A_340 = tpu.vector_load_idx %arg11[%broadcast_in_dim3A_321, %broadcast_in_dim3A_327, %broadcast_in_dim3A_323, %add3A_11, %broadcast_in_dim3A_319] : memref<3x2x2x64x128xf32, #tpu.memory_space<vmem>>[vector<16xi32>, vector<16xi32>, vector<16xi32>, vector<16xi32>, vector<16xi32>], vector<16xf32>,
    %mul3A_341 = arith.mulf %gather3A_339, %gather3A_340 : vector<16xf32>
    %mul3A_342 = arith.mulf %mul3A_341, %get3A_19 : vector<16xf32>
    %add3A_343 = arith.addf %add3A_338, %mul3A_342 : vector<16xf32>
    %gather3A_344 = tpu.vector_load_idx %arg11[%broadcast_in_dim3A_321, %broadcast_in_dim3A_325, %broadcast_in_dim3A_323, %add3A_14, %broadcast_in_dim3A] : memref<3x2x2x64x128xf32, #tpu.memory_space<vmem>>[vector<16xi32>, vector<16xi32>, vector<16xi32>, vector<16xi32>, vector<16xi32>], vector<16xf32>,
    %gather3A_345 = tpu.vector_load_idx %arg11[%broadcast_in_dim3A_321, %broadcast_in_dim3A_327, %broadcast_in_dim3A_323, %add3A_14, %broadcast_in_dim3A_319] : memref<3x2x2x64x128xf32, #tpu.memory_space<vmem>>[vector<16xi32>, vector<16xi32>, vector<16xi32>, vector<16xi32>, vector<16xi32>], vector<16xf32>,
    %mul3A_346 = arith.mulf %gather3A_344, %gather3A_345 : vector<16xf32>
    %mul3A_347 = arith.mulf %mul3A_346, %get3A_21 : vector<16xf32>
    %add3A_348 = arith.addf %add3A_343, %mul3A_347 : vector<16xf32>
    %reduce_sum3A = arith.constant true
    %reduce_sum3A_349 = vector.broadcast %reduce_sum3A : i1 to vector<16xi1>
    %reduce_sum3A_350 = tpu.scan <sum>, %add3A_348 masked %reduce_sum3A_349 : vector<16xf32>, vector<16xi1> -> vector<16xf32>
    %reduce_sum3A_351 = vector.extract %reduce_sum3A_350[15] : f32 from vector<16xf32>
    %broadcast_in_dim3A_352 = arith.constant 510 : i32
    %broadcast_in_dim3A_353 = vector.broadcast %broadcast_in_dim3A_352 : i32 to vector<16xi32>
    %broadcast_in_dim3A_354 = vector.broadcast %reduce_sum3A_351 : f32 to vector<16xf32>
    %eq3A = arith.constant 0 : i32
    %eq3A_355 = vector.broadcast %eq3A : i32 to vector<16xi32>
    %eq3A_356 = arith.cmpi eq, %iota3A, %eq3A_355 : vector<16xi32>
    tpu.vector_store_idx %arg13[%broadcast_in_dim3A_353], %broadcast_in_dim3A_354 masked %eq3A_356 : memref<512xf32, #tpu.memory_space<vmem>>[vector<16xi32>], vector<16xf32>, vector<16xi1>
    %slice3A_357 = vector.extract_strided_slice %get3A_309 {offsets = [1], sizes = [1], strides = [1]} : vector<16xi32> to vector<1xi32>
    %squeeze3A_358 = vector.extract %slice3A_357[0] : i32 from vector<1xi32>
    %and3A_359 = arith.constant 127 : i32
    %and3A_360 = arith.andi %squeeze3A_358, %and3A_359 : i32
    %broadcast_in_dim3A_361 = vector.broadcast %and3A_360 : i32 to vector<16xi32>
    %slice3A_362 = vector.extract_strided_slice %get3A_311 {offsets = [1], sizes = [1], strides = [1]} : vector<16xi32> to vector<1xi32>
    %squeeze3A_363 = vector.extract %slice3A_362[0] : i32 from vector<1xi32>
    %and3A_364 = arith.constant 127 : i32
    %and3A_365 = arith.andi %squeeze3A_363, %and3A_364 : i32
    %broadcast_in_dim3A_366 = vector.broadcast %and3A_365 : i32 to vector<16xi32>
    %broadcast_in_dim3A_367 = arith.constant 0 : i32
    %broadcast_in_dim3A_368 = vector.broadcast %broadcast_in_dim3A_367 : i32 to vector<16xi32>
    %broadcast_in_dim3A_369 = arith.constant 1 : i32
    %broadcast_in_dim3A_370 = vector.broadcast %broadcast_in_dim3A_369 : i32 to vector<16xi32>
    %broadcast_in_dim3A_371 = arith.constant 0 : i32
    %broadcast_in_dim3A_372 = vector.broadcast %broadcast_in_dim3A_371 : i32 to vector<16xi32>
    %broadcast_in_dim3A_373 = arith.constant 1 : i32
    %broadcast_in_dim3A_374 = vector.broadcast %broadcast_in_dim3A_373 : i32 to vector<16xi32>
    %broadcast_in_dim3A_375 = arith.constant 0.000000e+00 : f32
    %broadcast_in_dim3A_376 = vector.broadcast %broadcast_in_dim3A_375 : f32 to vector<16xf32>
    %gather3A_377 = tpu.vector_load_idx %arg11[%broadcast_in_dim3A_368, %broadcast_in_dim3A_372, %broadcast_in_dim3A_370, %add3A_5, %broadcast_in_dim3A_361] : memref<3x2x2x64x128xf32, #tpu.memory_space<vmem>>[vector<16xi32>, vector<16xi32>, vector<16xi32>, vector<16xi32>, vector<16xi32>], vector<16xf32>,
    %gather3A_378 = tpu.vector_load_idx %arg11[%broadcast_in_dim3A_368, %broadcast_in_dim3A_374, %broadcast_in_dim3A_370, %add3A_5, %broadcast_in_dim3A_366] : memref<3x2x2x64x128xf32, #tpu.memory_space<vmem>>[vector<16xi32>, vector<16xi32>, vector<16xi32>, vector<16xi32>, vector<16xi32>], vector<16xf32>,
    %mul3A_379 = arith.mulf %gather3A_377, %gather3A_378 : vector<16xf32>
    %mul3A_380 = arith.mulf %mul3A_379, %get3A_15 : vector<16xf32>
    %add3A_381 = arith.addf %broadcast_in_dim3A_376, %mul3A_380 : vector<16xf32>
    %gather3A_382 = tpu.vector_load_idx %arg11[%broadcast_in_dim3A_368, %broadcast_in_dim3A_372, %broadcast_in_dim3A_370, %add3A_8, %broadcast_in_dim3A_361] : memref<3x2x2x64x128xf32, #tpu.memory_space<vmem>>[vector<16xi32>, vector<16xi32>, vector<16xi32>, vector<16xi32>, vector<16xi32>], vector<16xf32>,
    %gather3A_383 = tpu.vector_load_idx %arg11[%broadcast_in_dim3A_368, %broadcast_in_dim3A_374, %broadcast_in_dim3A_370, %add3A_8, %broadcast_in_dim3A_366] : memref<3x2x2x64x128xf32, #tpu.memory_space<vmem>>[vector<16xi32>, vector<16xi32>, vector<16xi32>, vector<16xi32>, vector<16xi32>], vector<16xf32>,
    %mul3A_384 = arith.mulf %gather3A_382, %gather3A_383 : vector<16xf32>
    %mul3A_385 = arith.mulf %mul3A_384, %get3A_17 : vector<16xf32>
    %add3A_386 = arith.addf %add3A_381, %mul3A_385 : vector<16xf32>
    %gather3A_387 = tpu.vector_load_idx %arg11[%broadcast_in_dim3A_368, %broadcast_in_dim3A_372, %broadcast_in_dim3A_370, %add3A_11, %broadcast_in_dim3A_361] : memref<3x2x2x64x128xf32, #tpu.memory_space<vmem>>[vector<16xi32>, vector<16xi32>, vector<16xi32>, vector<16xi32>, vector<16xi32>], vector<16xf32>,
    %gather3A_388 = tpu.vector_load_idx %arg11[%broadcast_in_dim3A_368, %broadcast_in_dim3A_374, %broadcast_in_dim3A_370, %add3A_11, %broadcast_in_dim3A_366] : memref<3x2x2x64x128xf32, #tpu.memory_space<vmem>>[vector<16xi32>, vector<16xi32>, vector<16xi32>, vector<16xi32>, vector<16xi32>], vector<16xf32>,
    %mul3A_389 = arith.mulf %gather3A_387, %gather3A_388 : vector<16xf32>
    %mul3A_390 = arith.mulf %mul3A_389, %get3A_19 : vector<16xf32>
    %add3A_391 = arith.addf %add3A_386, %mul3A_390 : vector<16xf32>
    %gather3A_392 = tpu.vector_load_idx %arg11[%broadcast_in_dim3A_368, %broadcast_in_dim3A_372, %broadcast_in_dim3A_370, %add3A_14, %broadcast_in_dim3A_361] : memref<3x2x2x64x128xf32, #tpu.memory_space<vmem>>[vector<16xi32>, vector<16xi32>, vector<16xi32>, vector<16xi32>, vector<16xi32>], vector<16xf32>,
    %gather3A_393 = tpu.vector_load_idx %arg11[%broadcast_in_dim3A_368, %broadcast_in_dim3A_374, %broadcast_in_dim3A_370, %add3A_14, %broadcast_in_dim3A_366] : memref<3x2x2x64x128xf32, #tpu.memory_space<vmem>>[vector<16xi32>, vector<16xi32>, vector<16xi32>, vector<16xi32>, vector<16xi32>], vector<16xf32>,
    %mul3A_394 = arith.mulf %gather3A_392, %gather3A_393 : vector<16xf32>
    %mul3A_395 = arith.mulf %mul3A_394, %get3A_21 : vector<16xf32>
    %add3A_396 = arith.addf %add3A_391, %mul3A_395 : vector<16xf32>
    %reduce_sum3A_397 = arith.constant true
    %reduce_sum3A_398 = vector.broadcast %reduce_sum3A_397 : i1 to vector<16xi1>
    %reduce_sum3A_399 = tpu.scan <sum>, %add3A_396 masked %reduce_sum3A_398 : vector<16xf32>, vector<16xi1> -> vector<16xf32>
    %reduce_sum3A_400 = vector.extract %reduce_sum3A_399[15] : f32 from vector<16xf32>
    %broadcast_in_dim3A_401 = arith.constant 511 : i32
    %broadcast_in_dim3A_402 = vector.broadcast %broadcast_in_dim3A_401 : i32 to vector<16xi32>
    %broadcast_in_dim3A_403 = vector.broadcast %reduce_sum3A_400 : f32 to vector<16xf32>
    %eq3A_404 = arith.constant 0 : i32
    %eq3A_405 = vector.broadcast %eq3A_404 : i32 to vector<16xi32>
    %eq3A_406 = arith.cmpi eq, %iota3A, %eq3A_405 : vector<16xi32>
    tpu.vector_store_idx %arg13[%broadcast_in_dim3A_402], %broadcast_in_dim3A_403 masked %eq3A_406 : memref<512xf32, #tpu.memory_space<vmem>>[vector<16xi32>], vector<16xf32>, vector<16xi1>
    %get3A_407 = arith.constant 0 : index
    %get3A_408 = tpu.vector_load %arg13[%get3A_407] {strides = array<i32>} : memref<512xf32, #tpu.memory_space<vmem>>, vector<16xf32>,
    %neg3A = arith.constant 0.000000e+00 : f32
    %neg3A_409 = vector.broadcast %neg3A : f32 to vector<16xf32>
    %neg3A_410 = arith.subf %neg3A_409, %get3A_408 : vector<16xf32>
    %exp3A = math.exp %neg3A_410 : vector<16xf32>
    %add3A_411 = arith.constant 1.000000e+00 : f32
    %add3A_412 = vector.broadcast %add3A_411 : f32 to vector<16xf32>
    %add3A_413 = arith.addf %add3A_412, %exp3A : vector<16xf32>
    %div3A = arith.constant 1.000000e+00 : f32
    %div3A_414 = vector.broadcast %div3A : f32 to vector<16xf32>
    %div3A_415 = arith.divf %div3A_414, %add3A_413 : vector<16xf32>
    %swap3A = arith.constant 0 : index
    %swap3A_416 = tpu.vector_load %arg13[%swap3A] {strides = array<i32>} : memref<512xf32, #tpu.memory_space<vmem>>, vector<16xf32>,
    tpu.vector_store %arg13[%swap3A], %div3A_415 {strides = array<i32>} : memref<512xf32, #tpu.memory_space<vmem>>, vector<16xf32>,
    %get3A_417 = arith.constant 16 : index
    %get3A_418 = tpu.vector_load %arg13[%get3A_417] {strides = array<i32>} : memref<512xf32, #tpu.memory_space<vmem>>, vector<16xf32>,
    %neg3A_419 = arith.constant 0.000000e+00 : f32
    %neg3A_420 = vector.broadcast %neg3A_419 : f32 to vector<16xf32>
    %neg3A_421 = arith.subf %neg3A_420, %get3A_418 : vector<16xf32>
    %exp3A_422 = math.exp %neg3A_421 : vector<16xf32>
    %add3A_423 = arith.constant 1.000000e+00 : f32
    %add3A_424 = vector.broadcast %add3A_423 : f32 to vector<16xf32>
    %add3A_425 = arith.addf %add3A_424, %exp3A_422 : vector<16xf32>
    %div3A_426 = arith.constant 1.000000e+00 : f32
    %div3A_427 = vector.broadcast %div3A_426 : f32 to vector<16xf32>
    %div3A_428 = arith.divf %div3A_427, %add3A_425 : vector<16xf32>
    %swap3A_429 = arith.constant 16 : index
    %swap3A_430 = tpu.vector_load %arg13[%swap3A_429] {strides = array<i32>} : memref<512xf32, #tpu.memory_space<vmem>>, vector<16xf32>,
    tpu.vector_store %arg13[%swap3A_429], %div3A_428 {strides = array<i32>} : memref<512xf32, #tpu.memory_space<vmem>>, vector<16xf32>,
    %get3A_431 = arith.constant 32 : index
    %get3A_432 = tpu.vector_load %arg13[%get3A_431] {strides = array<i32>} : memref<512xf32, #tpu.memory_space<vmem>>, vector<16xf32>,
    %neg3A_433 = arith.constant 0.000000e+00 : f32
    %neg3A_434 = vector.broadcast %neg3A_433 : f32 to vector<16xf32>
    %neg3A_435 = arith.subf %neg3A_434, %get3A_432 : vector<16xf32>
    %exp3A_436 = math.exp %neg3A_435 : vector<16xf32>
    %add3A_437 = arith.constant 1.000000e+00 : f32
    %add3A_438 = vector.broadcast %add3A_437 : f32 to vector<16xf32>
    %add3A_439 = arith.addf %add3A_438, %exp3A_436 : vector<16xf32>
    %div3A_440 = arith.constant 1.000000e+00 : f32
    %div3A_441 = vector.broadcast %div3A_440 : f32 to vector<16xf32>
    %div3A_442 = arith.divf %div3A_441, %add3A_439 : vector<16xf32>
    %swap3A_443 = arith.constant 32 : index
    %swap3A_444 = tpu.vector_load %arg13[%swap3A_443] {strides = array<i32>} : memref<512xf32, #tpu.memory_space<vmem>>, vector<16xf32>,
    tpu.vector_store %arg13[%swap3A_443], %div3A_442 {strides = array<i32>} : memref<512xf32, #tpu.memory_space<vmem>>, vector<16xf32>,
    %get3A_445 = arith.constant 48 : index
    %get3A_446 = tpu.vector_load %arg13[%get3A_445] {strides = array<i32>} : memref<512xf32, #tpu.memory_space<vmem>>, vector<16xf32>,
    %neg3A_447 = arith.constant 0.000000e+00 : f32
    %neg3A_448 = vector.broadcast %neg3A_447 : f32 to vector<16xf32>
    %neg3A_449 = arith.subf %neg3A_448, %get3A_446 : vector<16xf32>
    %exp3A_450 = math.exp %neg3A_449 : vector<16xf32>
    %add3A_451 = arith.constant 1.000000e+00 : f32
    %add3A_452 = vector.broadcast %add3A_451 : f32 to vector<16xf32>
    %add3A_453 = arith.addf %add3A_452, %exp3A_450 : vector<16xf32>
    %div3A_454 = arith.constant 1.000000e+00 : f32
    %div3A_455 = vector.broadcast %div3A_454 : f32 to vector<16xf32>
    %div3A_456 = arith.divf %div3A_455, %add3A_453 : vector<16xf32>
    %swap3A_457 = arith.constant 48 : index
    %swap3A_458 = tpu.vector_load %arg13[%swap3A_457] {strides = array<i32>} : memref<512xf32, #tpu.memory_space<vmem>>, vector<16xf32>,
    tpu.vector_store %arg13[%swap3A_457], %div3A_456 {strides = array<i32>} : memref<512xf32, #tpu.memory_space<vmem>>, vector<16xf32>,
    %get3A_459 = arith.constant 64 : index
    %get3A_460 = tpu.vector_load %arg13[%get3A_459] {strides = array<i32>} : memref<512xf32, #tpu.memory_space<vmem>>, vector<16xf32>,
    %neg3A_461 = arith.constant 0.000000e+00 : f32
    %neg3A_462 = vector.broadcast %neg3A_461 : f32 to vector<16xf32>
    %neg3A_463 = arith.subf %neg3A_462, %get3A_460 : vector<16xf32>
    %exp3A_464 = math.exp %neg3A_463 : vector<16xf32>
    %add3A_465 = arith.constant 1.000000e+00 : f32
    %add3A_466 = vector.broadcast %add3A_465 : f32 to vector<16xf32>
    %add3A_467 = arith.addf %add3A_466, %exp3A_464 : vector<16xf32>
    %div3A_468 = arith.constant 1.000000e+00 : f32
    %div3A_469 = vector.broadcast %div3A_468 : f32 to vector<16xf32>
    %div3A_470 = arith.divf %div3A_469, %add3A_467 : vector<16xf32>
    %swap3A_471 = arith.constant 64 : index
    %swap3A_472 = tpu.vector_load %arg13[%swap3A_471] {strides = array<i32>} : memref<512xf32, #tpu.memory_space<vmem>>, vector<16xf32>,
    tpu.vector_store %arg13[%swap3A_471], %div3A_470 {strides = array<i32>} : memref<512xf32, #tpu.memory_space<vmem>>, vector<16xf32>,
    %get3A_473 = arith.constant 80 : index
    %get3A_474 = tpu.vector_load %arg13[%get3A_473] {strides = array<i32>} : memref<512xf32, #tpu.memory_space<vmem>>, vector<16xf32>,
    %neg3A_475 = arith.constant 0.000000e+00 : f32
    %neg3A_476 = vector.broadcast %neg3A_475 : f32 to vector<16xf32>
    %neg3A_477 = arith.subf %neg3A_476, %get3A_474 : vector<16xf32>
    %exp3A_478 = math.exp %neg3A_477 : vector<16xf32>
    %add3A_479 = arith.constant 1.000000e+00 : f32
    %add3A_480 = vector.broadcast %add3A_479 : f32 to vector<16xf32>
    %add3A_481 = arith.addf %add3A_480, %exp3A_478 : vector<16xf32>
    %div3A_482 = arith.constant 1.000000e+00 : f32
    %div3A_483 = vector.broadcast %div3A_482 : f32 to vector<16xf32>
    %div3A_484 = arith.divf %div3A_483, %add3A_481 : vector<16xf32>
    %swap3A_485 = arith.constant 80 : index
    %swap3A_486 = tpu.vector_load %arg13[%swap3A_485] {strides = array<i32>} : memref<512xf32, #tpu.memory_space<vmem>>, vector<16xf32>,
    tpu.vector_store %arg13[%swap3A_485], %div3A_484 {strides = array<i32>} : memref<512xf32, #tpu.memory_space<vmem>>, vector<16xf32>,
    %get3A_487 = arith.constant 96 : index
    %get3A_488 = tpu.vector_load %arg13[%get3A_487] {strides = array<i32>} : memref<512xf32, #tpu.memory_space<vmem>>, vector<16xf32>,
    %neg3A_489 = arith.constant 0.000000e+00 : f32
    %neg3A_490 = vector.broadcast %neg3A_489 : f32 to vector<16xf32>
    %neg3A_491 = arith.subf %neg3A_490, %get3A_488 : vector<16xf32>
    %exp3A_492 = math.exp %neg3A_491 : vector<16xf32>
    %add3A_493 = arith.constant 1.000000e+00 : f32
    %add3A_494 = vector.broadcast %add3A_493 : f32 to vector<16xf32>
    %add3A_495 = arith.addf %add3A_494, %exp3A_492 : vector<16xf32>
    %div3A_496 = arith.constant 1.000000e+00 : f32
    %div3A_497 = vector.broadcast %div3A_496 : f32 to vector<16xf32>
    %div3A_498 = arith.divf %div3A_497, %add3A_495 : vector<16xf32>
    %swap3A_499 = arith.constant 96 : index
    %swap3A_500 = tpu.vector_load %arg13[%swap3A_499] {strides = array<i32>} : memref<512xf32, #tpu.memory_space<vmem>>, vector<16xf32>,
    tpu.vector_store %arg13[%swap3A_499], %div3A_498 {strides = array<i32>} : memref<512xf32, #tpu.memory_space<vmem>>, vector<16xf32>,
    %get3A_501 = arith.constant 112 : index
    %get3A_502 = tpu.vector_load %arg13[%get3A_501] {strides = array<i32>} : memref<512xf32, #tpu.memory_space<vmem>>, vector<16xf32>,
    %neg3A_503 = arith.constant 0.000000e+00 : f32
    %neg3A_504 = vector.broadcast %neg3A_503 : f32 to vector<16xf32>
    %neg3A_505 = arith.subf %neg3A_504, %get3A_502 : vector<16xf32>
    %exp3A_506 = math.exp %neg3A_505 : vector<16xf32>
    %add3A_507 = arith.constant 1.000000e+00 : f32
    %add3A_508 = vector.broadcast %add3A_507 : f32 to vector<16xf32>
    %add3A_509 = arith.addf %add3A_508, %exp3A_506 : vector<16xf32>
    %div3A_510 = arith.constant 1.000000e+00 : f32
    %div3A_511 = vector.broadcast %div3A_510 : f32 to vector<16xf32>
    %div3A_512 = arith.divf %div3A_511, %add3A_509 : vector<16xf32>
    %swap3A_513 = arith.constant 112 : index
    %swap3A_514 = tpu.vector_load %arg13[%swap3A_513] {strides = array<i32>} : memref<512xf32, #tpu.memory_space<vmem>>, vector<16xf32>,
    tpu.vector_store %arg13[%swap3A_513], %div3A_512 {strides = array<i32>} : memref<512xf32, #tpu.memory_space<vmem>>, vector<16xf32>,
    %get3A_515 = arith.constant 128 : index
    %get3A_516 = tpu.vector_load %arg13[%get3A_515] {strides = array<i32>} : memref<512xf32, #tpu.memory_space<vmem>>, vector<16xf32>,
    %neg3A_517 = arith.constant 0.000000e+00 : f32
    %neg3A_518 = vector.broadcast %neg3A_517 : f32 to vector<16xf32>
    %neg3A_519 = arith.subf %neg3A_518, %get3A_516 : vector<16xf32>
    %exp3A_520 = math.exp %neg3A_519 : vector<16xf32>
    %add3A_521 = arith.constant 1.000000e+00 : f32
    %add3A_522 = vector.broadcast %add3A_521 : f32 to vector<16xf32>
    %add3A_523 = arith.addf %add3A_522, %exp3A_520 : vector<16xf32>
    %div3A_524 = arith.constant 1.000000e+00 : f32
    %div3A_525 = vector.broadcast %div3A_524 : f32 to vector<16xf32>
    %div3A_526 = arith.divf %div3A_525, %add3A_523 : vector<16xf32>
    %swap3A_527 = arith.constant 128 : index
    %swap3A_528 = tpu.vector_load %arg13[%swap3A_527] {strides = array<i32>} : memref<512xf32, #tpu.memory_space<vmem>>, vector<16xf32>,
    tpu.vector_store %arg13[%swap3A_527], %div3A_526 {strides = array<i32>} : memref<512xf32, #tpu.memory_space<vmem>>, vector<16xf32>,
    %get3A_529 = arith.constant 144 : index
    %get3A_530 = tpu.vector_load %arg13[%get3A_529] {strides = array<i32>} : memref<512xf32, #tpu.memory_space<vmem>>, vector<16xf32>,
    %neg3A_531 = arith.constant 0.000000e+00 : f32
    %neg3A_532 = vector.broadcast %neg3A_531 : f32 to vector<16xf32>
    %neg3A_533 = arith.subf %neg3A_532, %get3A_530 : vector<16xf32>
    %exp3A_534 = math.exp %neg3A_533 : vector<16xf32>
    %add3A_535 = arith.constant 1.000000e+00 : f32
    %add3A_536 = vector.broadcast %add3A_535 : f32 to vector<16xf32>
    %add3A_537 = arith.addf %add3A_536, %exp3A_534 : vector<16xf32>
    %div3A_538 = arith.constant 1.000000e+00 : f32
    %div3A_539 = vector.broadcast %div3A_538 : f32 to vector<16xf32>
    %div3A_540 = arith.divf %div3A_539, %add3A_537 : vector<16xf32>
    %swap3A_541 = arith.constant 144 : index
    %swap3A_542 = tpu.vector_load %arg13[%swap3A_541] {strides = array<i32>} : memref<512xf32, #tpu.memory_space<vmem>>, vector<16xf32>,
    tpu.vector_store %arg13[%swap3A_541], %div3A_540 {strides = array<i32>} : memref<512xf32, #tpu.memory_space<vmem>>, vector<16xf32>,
    %get3A_543 = arith.constant 160 : index
    %get3A_544 = tpu.vector_load %arg13[%get3A_543] {strides = array<i32>} : memref<512xf32, #tpu.memory_space<vmem>>, vector<16xf32>,
    %neg3A_545 = arith.constant 0.000000e+00 : f32
    %neg3A_546 = vector.broadcast %neg3A_545 : f32 to vector<16xf32>
    %neg3A_547 = arith.subf %neg3A_546, %get3A_544 : vector<16xf32>
    %exp3A_548 = math.exp %neg3A_547 : vector<16xf32>
    %add3A_549 = arith.constant 1.000000e+00 : f32
    %add3A_550 = vector.broadcast %add3A_549 : f32 to vector<16xf32>
    %add3A_551 = arith.addf %add3A_550, %exp3A_548 : vector<16xf32>
    %div3A_552 = arith.constant 1.000000e+00 : f32
    %div3A_553 = vector.broadcast %div3A_552 : f32 to vector<16xf32>
    %div3A_554 = arith.divf %div3A_553, %add3A_551 : vector<16xf32>
    %swap3A_555 = arith.constant 160 : index
    %swap3A_556 = tpu.vector_load %arg13[%swap3A_555] {strides = array<i32>} : memref<512xf32, #tpu.memory_space<vmem>>, vector<16xf32>,
    tpu.vector_store %arg13[%swap3A_555], %div3A_554 {strides = array<i32>} : memref<512xf32, #tpu.memory_space<vmem>>, vector<16xf32>,
    %get3A_557 = arith.constant 176 : index
    %get3A_558 = tpu.vector_load %arg13[%get3A_557] {strides = array<i32>} : memref<512xf32, #tpu.memory_space<vmem>>, vector<16xf32>,
    %neg3A_559 = arith.constant 0.000000e+00 : f32
    %neg3A_560 = vector.broadcast %neg3A_559 : f32 to vector<16xf32>
    %neg3A_561 = arith.subf %neg3A_560, %get3A_558 : vector<16xf32>
    %exp3A_562 = math.exp %neg3A_561 : vector<16xf32>
    %add3A_563 = arith.constant 1.000000e+00 : f32
    %add3A_564 = vector.broadcast %add3A_563 : f32 to vector<16xf32>
    %add3A_565 = arith.addf %add3A_564, %exp3A_562 : vector<16xf32>
    %div3A_566 = arith.constant 1.000000e+00 : f32
    %div3A_567 = vector.broadcast %div3A_566 : f32 to vector<16xf32>
    %div3A_568 = arith.divf %div3A_567, %add3A_565 : vector<16xf32>
    %swap3A_569 = arith.constant 176 : index
    %swap3A_570 = tpu.vector_load %arg13[%swap3A_569] {strides = array<i32>} : memref<512xf32, #tpu.memory_space<vmem>>, vector<16xf32>,
    tpu.vector_store %arg13[%swap3A_569], %div3A_568 {strides = array<i32>} : memref<512xf32, #tpu.memory_space<vmem>>, vector<16xf32>,
    %get3A_571 = arith.constant 192 : index
    %get3A_572 = tpu.vector_load %arg13[%get3A_571] {strides = array<i32>} : memref<512xf32, #tpu.memory_space<vmem>>, vector<16xf32>,
    %neg3A_573 = arith.constant 0.000000e+00 : f32
    %neg3A_574 = vector.broadcast %neg3A_573 : f32 to vector<16xf32>
    %neg3A_575 = arith.subf %neg3A_574, %get3A_572 : vector<16xf32>
    %exp3A_576 = math.exp %neg3A_575 : vector<16xf32>
    %add3A_577 = arith.constant 1.000000e+00 : f32
    %add3A_578 = vector.broadcast %add3A_577 : f32 to vector<16xf32>
    %add3A_579 = arith.addf %add3A_578, %exp3A_576 : vector<16xf32>
    %div3A_580 = arith.constant 1.000000e+00 : f32
    %div3A_581 = vector.broadcast %div3A_580 : f32 to vector<16xf32>
    %div3A_582 = arith.divf %div3A_581, %add3A_579 : vector<16xf32>
    %swap3A_583 = arith.constant 192 : index
    %swap3A_584 = tpu.vector_load %arg13[%swap3A_583] {strides = array<i32>} : memref<512xf32, #tpu.memory_space<vmem>>, vector<16xf32>,
    tpu.vector_store %arg13[%swap3A_583], %div3A_582 {strides = array<i32>} : memref<512xf32, #tpu.memory_space<vmem>>, vector<16xf32>,
    %get3A_585 = arith.constant 208 : index
    %get3A_586 = tpu.vector_load %arg13[%get3A_585] {strides = array<i32>} : memref<512xf32, #tpu.memory_space<vmem>>, vector<16xf32>,
    %neg3A_587 = arith.constant 0.000000e+00 : f32
    %neg3A_588 = vector.broadcast %neg3A_587 : f32 to vector<16xf32>
    %neg3A_589 = arith.subf %neg3A_588, %get3A_586 : vector<16xf32>
    %exp3A_590 = math.exp %neg3A_589 : vector<16xf32>
    %add3A_591 = arith.constant 1.000000e+00 : f32
    %add3A_592 = vector.broadcast %add3A_591 : f32 to vector<16xf32>
    %add3A_593 = arith.addf %add3A_592, %exp3A_590 : vector<16xf32>
    %div3A_594 = arith.constant 1.000000e+00 : f32
    %div3A_595 = vector.broadcast %div3A_594 : f32 to vector<16xf32>
    %div3A_596 = arith.divf %div3A_595, %add3A_593 : vector<16xf32>
    %swap3A_597 = arith.constant 208 : index
    %swap3A_598 = tpu.vector_load %arg13[%swap3A_597] {strides = array<i32>} : memref<512xf32, #tpu.memory_space<vmem>>, vector<16xf32>,
    tpu.vector_store %arg13[%swap3A_597], %div3A_596 {strides = array<i32>} : memref<512xf32, #tpu.memory_space<vmem>>, vector<16xf32>,
    %get3A_599 = arith.constant 224 : index
    %get3A_600 = tpu.vector_load %arg13[%get3A_599] {strides = array<i32>} : memref<512xf32, #tpu.memory_space<vmem>>, vector<16xf32>,
    %neg3A_601 = arith.constant 0.000000e+00 : f32
    %neg3A_602 = vector.broadcast %neg3A_601 : f32 to vector<16xf32>
    %neg3A_603 = arith.subf %neg3A_602, %get3A_600 : vector<16xf32>
    %exp3A_604 = math.exp %neg3A_603 : vector<16xf32>
    %add3A_605 = arith.constant 1.000000e+00 : f32
    %add3A_606 = vector.broadcast %add3A_605 : f32 to vector<16xf32>
    %add3A_607 = arith.addf %add3A_606, %exp3A_604 : vector<16xf32>
    %div3A_608 = arith.constant 1.000000e+00 : f32
    %div3A_609 = vector.broadcast %div3A_608 : f32 to vector<16xf32>
    %div3A_610 = arith.divf %div3A_609, %add3A_607 : vector<16xf32>
    %swap3A_611 = arith.constant 224 : index
    %swap3A_612 = tpu.vector_load %arg13[%swap3A_611] {strides = array<i32>} : memref<512xf32, #tpu.memory_space<vmem>>, vector<16xf32>,
    tpu.vector_store %arg13[%swap3A_611], %div3A_610 {strides = array<i32>} : memref<512xf32, #tpu.memory_space<vmem>>, vector<16xf32>,
    %get3A_613 = arith.constant 240 : index
    %get3A_614 = tpu.vector_load %arg13[%get3A_613] {strides = array<i32>} : memref<512xf32, #tpu.memory_space<vmem>>, vector<16xf32>,
    %neg3A_615 = arith.constant 0.000000e+00 : f32
    %neg3A_616 = vector.broadcast %neg3A_615 : f32 to vector<16xf32>
    %neg3A_617 = arith.subf %neg3A_616, %get3A_614 : vector<16xf32>
    %exp3A_618 = math.exp %neg3A_617 : vector<16xf32>
    %add3A_619 = arith.constant 1.000000e+00 : f32
    %add3A_620 = vector.broadcast %add3A_619 : f32 to vector<16xf32>
    %add3A_621 = arith.addf %add3A_620, %exp3A_618 : vector<16xf32>
    %div3A_622 = arith.constant 1.000000e+00 : f32
    %div3A_623 = vector.broadcast %div3A_622 : f32 to vector<16xf32>
    %div3A_624 = arith.divf %div3A_623, %add3A_621 : vector<16xf32>
    %swap3A_625 = arith.constant 240 : index
    %swap3A_626 = tpu.vector_load %arg13[%swap3A_625] {strides = array<i32>} : memref<512xf32, #tpu.memory_space<vmem>>, vector<16xf32>,
    tpu.vector_store %arg13[%swap3A_625], %div3A_624 {strides = array<i32>} : memref<512xf32, #tpu.memory_space<vmem>>, vector<16xf32>,
    %get3A_627 = arith.constant 256 : index
    %get3A_628 = tpu.vector_load %arg13[%get3A_627] {strides = array<i32>} : memref<512xf32, #tpu.memory_space<vmem>>, vector<16xf32>,
    %neg3A_629 = arith.constant 0.000000e+00 : f32
    %neg3A_630 = vector.broadcast %neg3A_629 : f32 to vector<16xf32>
    %neg3A_631 = arith.subf %neg3A_630, %get3A_628 : vector<16xf32>
    %exp3A_632 = math.exp %neg3A_631 : vector<16xf32>
    %add3A_633 = arith.constant 1.000000e+00 : f32
    %add3A_634 = vector.broadcast %add3A_633 : f32 to vector<16xf32>
    %add3A_635 = arith.addf %add3A_634, %exp3A_632 : vector<16xf32>
    %div3A_636 = arith.constant 1.000000e+00 : f32
    %div3A_637 = vector.broadcast %div3A_636 : f32 to vector<16xf32>
    %div3A_638 = arith.divf %div3A_637, %add3A_635 : vector<16xf32>
    %swap3A_639 = arith.constant 256 : index
    %swap3A_640 = tpu.vector_load %arg13[%swap3A_639] {strides = array<i32>} : memref<512xf32, #tpu.memory_space<vmem>>, vector<16xf32>,
    tpu.vector_store %arg13[%swap3A_639], %div3A_638 {strides = array<i32>} : memref<512xf32, #tpu.memory_space<vmem>>, vector<16xf32>,
    %get3A_641 = arith.constant 272 : index
    %get3A_642 = tpu.vector_load %arg13[%get3A_641] {strides = array<i32>} : memref<512xf32, #tpu.memory_space<vmem>>, vector<16xf32>,
    %neg3A_643 = arith.constant 0.000000e+00 : f32
    %neg3A_644 = vector.broadcast %neg3A_643 : f32 to vector<16xf32>
    %neg3A_645 = arith.subf %neg3A_644, %get3A_642 : vector<16xf32>
    %exp3A_646 = math.exp %neg3A_645 : vector<16xf32>
    %add3A_647 = arith.constant 1.000000e+00 : f32
    %add3A_648 = vector.broadcast %add3A_647 : f32 to vector<16xf32>
    %add3A_649 = arith.addf %add3A_648, %exp3A_646 : vector<16xf32>
    %div3A_650 = arith.constant 1.000000e+00 : f32
    %div3A_651 = vector.broadcast %div3A_650 : f32 to vector<16xf32>
    %div3A_652 = arith.divf %div3A_651, %add3A_649 : vector<16xf32>
    %swap3A_653 = arith.constant 272 : index
    %swap3A_654 = tpu.vector_load %arg13[%swap3A_653] {strides = array<i32>} : memref<512xf32, #tpu.memory_space<vmem>>, vector<16xf32>,
    tpu.vector_store %arg13[%swap3A_653], %div3A_652 {strides = array<i32>} : memref<512xf32, #tpu.memory_space<vmem>>, vector<16xf32>,
    %get3A_655 = arith.constant 288 : index
    %get3A_656 = tpu.vector_load %arg13[%get3A_655] {strides = array<i32>} : memref<512xf32, #tpu.memory_space<vmem>>, vector<16xf32>,
    %neg3A_657 = arith.constant 0.000000e+00 : f32
    %neg3A_658 = vector.broadcast %neg3A_657 : f32 to vector<16xf32>
    %neg3A_659 = arith.subf %neg3A_658, %get3A_656 : vector<16xf32>
    %exp3A_660 = math.exp %neg3A_659 : vector<16xf32>
    %add3A_661 = arith.constant 1.000000e+00 : f32
    %add3A_662 = vector.broadcast %add3A_661 : f32 to vector<16xf32>
    %add3A_663 = arith.addf %add3A_662, %exp3A_660 : vector<16xf32>
    %div3A_664 = arith.constant 1.000000e+00 : f32
    %div3A_665 = vector.broadcast %div3A_664 : f32 to vector<16xf32>
    %div3A_666 = arith.divf %div3A_665, %add3A_663 : vector<16xf32>
    %swap3A_667 = arith.constant 288 : index
    %swap3A_668 = tpu.vector_load %arg13[%swap3A_667] {strides = array<i32>} : memref<512xf32, #tpu.memory_space<vmem>>, vector<16xf32>,
    tpu.vector_store %arg13[%swap3A_667], %div3A_666 {strides = array<i32>} : memref<512xf32, #tpu.memory_space<vmem>>, vector<16xf32>,
    %get3A_669 = arith.constant 304 : index
    %get3A_670 = tpu.vector_load %arg13[%get3A_669] {strides = array<i32>} : memref<512xf32, #tpu.memory_space<vmem>>, vector<16xf32>,
    %neg3A_671 = arith.constant 0.000000e+00 : f32
    %neg3A_672 = vector.broadcast %neg3A_671 : f32 to vector<16xf32>
    %neg3A_673 = arith.subf %neg3A_672, %get3A_670 : vector<16xf32>
    %exp3A_674 = math.exp %neg3A_673 : vector<16xf32>
    %add3A_675 = arith.constant 1.000000e+00 : f32
    %add3A_676 = vector.broadcast %add3A_675 : f32 to vector<16xf32>
    %add3A_677 = arith.addf %add3A_676, %exp3A_674 : vector<16xf32>
    %div3A_678 = arith.constant 1.000000e+00 : f32
    %div3A_679 = vector.broadcast %div3A_678 : f32 to vector<16xf32>
    %div3A_680 = arith.divf %div3A_679, %add3A_677 : vector<16xf32>
    %swap3A_681 = arith.constant 304 : index
    %swap3A_682 = tpu.vector_load %arg13[%swap3A_681] {strides = array<i32>} : memref<512xf32, #tpu.memory_space<vmem>>, vector<16xf32>,
    tpu.vector_store %arg13[%swap3A_681], %div3A_680 {strides = array<i32>} : memref<512xf32, #tpu.memory_space<vmem>>, vector<16xf32>,
    %get3A_683 = arith.constant 320 : index
    %get3A_684 = tpu.vector_load %arg13[%get3A_683] {strides = array<i32>} : memref<512xf32, #tpu.memory_space<vmem>>, vector<16xf32>,
    %neg3A_685 = arith.constant 0.000000e+00 : f32
    %neg3A_686 = vector.broadcast %neg3A_685 : f32 to vector<16xf32>
    %neg3A_687 = arith.subf %neg3A_686, %get3A_684 : vector<16xf32>
    %exp3A_688 = math.exp %neg3A_687 : vector<16xf32>
    %add3A_689 = arith.constant 1.000000e+00 : f32
    %add3A_690 = vector.broadcast %add3A_689 : f32 to vector<16xf32>
    %add3A_691 = arith.addf %add3A_690, %exp3A_688 : vector<16xf32>
    %div3A_692 = arith.constant 1.000000e+00 : f32
    %div3A_693 = vector.broadcast %div3A_692 : f32 to vector<16xf32>
    %div3A_694 = arith.divf %div3A_693, %add3A_691 : vector<16xf32>
    %swap3A_695 = arith.constant 320 : index
    %swap3A_696 = tpu.vector_load %arg13[%swap3A_695] {strides = array<i32>} : memref<512xf32, #tpu.memory_space<vmem>>, vector<16xf32>,
    tpu.vector_store %arg13[%swap3A_695], %div3A_694 {strides = array<i32>} : memref<512xf32, #tpu.memory_space<vmem>>, vector<16xf32>,
    %get3A_697 = arith.constant 336 : index
    %get3A_698 = tpu.vector_load %arg13[%get3A_697] {strides = array<i32>} : memref<512xf32, #tpu.memory_space<vmem>>, vector<16xf32>,
    %neg3A_699 = arith.constant 0.000000e+00 : f32
    %neg3A_700 = vector.broadcast %neg3A_699 : f32 to vector<16xf32>
    %neg3A_701 = arith.subf %neg3A_700, %get3A_698 : vector<16xf32>
    %exp3A_702 = math.exp %neg3A_701 : vector<16xf32>
    %add3A_703 = arith.constant 1.000000e+00 : f32
    %add3A_704 = vector.broadcast %add3A_703 : f32 to vector<16xf32>
    %add3A_705 = arith.addf %add3A_704, %exp3A_702 : vector<16xf32>
    %div3A_706 = arith.constant 1.000000e+00 : f32
    %div3A_707 = vector.broadcast %div3A_706 : f32 to vector<16xf32>
    %div3A_708 = arith.divf %div3A_707, %add3A_705 : vector<16xf32>
    %swap3A_709 = arith.constant 336 : index
    %swap3A_710 = tpu.vector_load %arg13[%swap3A_709] {strides = array<i32>} : memref<512xf32, #tpu.memory_space<vmem>>, vector<16xf32>,
    tpu.vector_store %arg13[%swap3A_709], %div3A_708 {strides = array<i32>} : memref<512xf32, #tpu.memory_space<vmem>>, vector<16xf32>,
    %get3A_711 = arith.constant 352 : index
    %get3A_712 = tpu.vector_load %arg13[%get3A_711] {strides = array<i32>} : memref<512xf32, #tpu.memory_space<vmem>>, vector<16xf32>,
    %neg3A_713 = arith.constant 0.000000e+00 : f32
    %neg3A_714 = vector.broadcast %neg3A_713 : f32 to vector<16xf32>
    %neg3A_715 = arith.subf %neg3A_714, %get3A_712 : vector<16xf32>
    %exp3A_716 = math.exp %neg3A_715 : vector<16xf32>
    %add3A_717 = arith.constant 1.000000e+00 : f32
    %add3A_718 = vector.broadcast %add3A_717 : f32 to vector<16xf32>
    %add3A_719 = arith.addf %add3A_718, %exp3A_716 : vector<16xf32>
    %div3A_720 = arith.constant 1.000000e+00 : f32
    %div3A_721 = vector.broadcast %div3A_720 : f32 to vector<16xf32>
    %div3A_722 = arith.divf %div3A_721, %add3A_719 : vector<16xf32>
    %swap3A_723 = arith.constant 352 : index
    %swap3A_724 = tpu.vector_load %arg13[%swap3A_723] {strides = array<i32>} : memref<512xf32, #tpu.memory_space<vmem>>, vector<16xf32>,
    tpu.vector_store %arg13[%swap3A_723], %div3A_722 {strides = array<i32>} : memref<512xf32, #tpu.memory_space<vmem>>, vector<16xf32>,
    %get3A_725 = arith.constant 368 : index
    %get3A_726 = tpu.vector_load %arg13[%get3A_725] {strides = array<i32>} : memref<512xf32, #tpu.memory_space<vmem>>, vector<16xf32>,
    %neg3A_727 = arith.constant 0.000000e+00 : f32
    %neg3A_728 = vector.broadcast %neg3A_727 : f32 to vector<16xf32>
    %neg3A_729 = arith.subf %neg3A_728, %get3A_726 : vector<16xf32>
    %exp3A_730 = math.exp %neg3A_729 : vector<16xf32>
    %add3A_731 = arith.constant 1.000000e+00 : f32
    %add3A_732 = vector.broadcast %add3A_731 : f32 to vector<16xf32>
    %add3A_733 = arith.addf %add3A_732, %exp3A_730 : vector<16xf32>
    %div3A_734 = arith.constant 1.000000e+00 : f32
    %div3A_735 = vector.broadcast %div3A_734 : f32 to vector<16xf32>
    %div3A_736 = arith.divf %div3A_735, %add3A_733 : vector<16xf32>
    %swap3A_737 = arith.constant 368 : index
    %swap3A_738 = tpu.vector_load %arg13[%swap3A_737] {strides = array<i32>} : memref<512xf32, #tpu.memory_space<vmem>>, vector<16xf32>,
    tpu.vector_store %arg13[%swap3A_737], %div3A_736 {strides = array<i32>} : memref<512xf32, #tpu.memory_space<vmem>>, vector<16xf32>,
    %get3A_739 = arith.constant 384 : index
    %get3A_740 = tpu.vector_load %arg13[%get3A_739] {strides = array<i32>} : memref<512xf32, #tpu.memory_space<vmem>>, vector<16xf32>,
    %neg3A_741 = arith.constant 0.000000e+00 : f32
    %neg3A_742 = vector.broadcast %neg3A_741 : f32 to vector<16xf32>
    %neg3A_743 = arith.subf %neg3A_742, %get3A_740 : vector<16xf32>
    %exp3A_744 = math.exp %neg3A_743 : vector<16xf32>
    %add3A_745 = arith.constant 1.000000e+00 : f32
    %add3A_746 = vector.broadcast %add3A_745 : f32 to vector<16xf32>
    %add3A_747 = arith.addf %add3A_746, %exp3A_744 : vector<16xf32>
    %div3A_748 = arith.constant 1.000000e+00 : f32
    %div3A_749 = vector.broadcast %div3A_748 : f32 to vector<16xf32>
    %div3A_750 = arith.divf %div3A_749, %add3A_747 : vector<16xf32>
    %swap3A_751 = arith.constant 384 : index
    %swap3A_752 = tpu.vector_load %arg13[%swap3A_751] {strides = array<i32>} : memref<512xf32, #tpu.memory_space<vmem>>, vector<16xf32>,
    tpu.vector_store %arg13[%swap3A_751], %div3A_750 {strides = array<i32>} : memref<512xf32, #tpu.memory_space<vmem>>, vector<16xf32>,
    %get3A_753 = arith.constant 400 : index
    %get3A_754 = tpu.vector_load %arg13[%get3A_753] {strides = array<i32>} : memref<512xf32, #tpu.memory_space<vmem>>, vector<16xf32>,
    %neg3A_755 = arith.constant 0.000000e+00 : f32
    %neg3A_756 = vector.broadcast %neg3A_755 : f32 to vector<16xf32>
    %neg3A_757 = arith.subf %neg3A_756, %get3A_754 : vector<16xf32>
    %exp3A_758 = math.exp %neg3A_757 : vector<16xf32>
    %add3A_759 = arith.constant 1.000000e+00 : f32
    %add3A_760 = vector.broadcast %add3A_759 : f32 to vector<16xf32>
    %add3A_761 = arith.addf %add3A_760, %exp3A_758 : vector<16xf32>
    %div3A_762 = arith.constant 1.000000e+00 : f32
    %div3A_763 = vector.broadcast %div3A_762 : f32 to vector<16xf32>
    %div3A_764 = arith.divf %div3A_763, %add3A_761 : vector<16xf32>
    %swap3A_765 = arith.constant 400 : index
    %swap3A_766 = tpu.vector_load %arg13[%swap3A_765] {strides = array<i32>} : memref<512xf32, #tpu.memory_space<vmem>>, vector<16xf32>,
    tpu.vector_store %arg13[%swap3A_765], %div3A_764 {strides = array<i32>} : memref<512xf32, #tpu.memory_space<vmem>>, vector<16xf32>,
    %get3A_767 = arith.constant 416 : index
    %get3A_768 = tpu.vector_load %arg13[%get3A_767] {strides = array<i32>} : memref<512xf32, #tpu.memory_space<vmem>>, vector<16xf32>,
    %neg3A_769 = arith.constant 0.000000e+00 : f32
    %neg3A_770 = vector.broadcast %neg3A_769 : f32 to vector<16xf32>
    %neg3A_771 = arith.subf %neg3A_770, %get3A_768 : vector<16xf32>
    %exp3A_772 = math.exp %neg3A_771 : vector<16xf32>
    %add3A_773 = arith.constant 1.000000e+00 : f32
    %add3A_774 = vector.broadcast %add3A_773 : f32 to vector<16xf32>
    %add3A_775 = arith.addf %add3A_774, %exp3A_772 : vector<16xf32>
    %div3A_776 = arith.constant 1.000000e+00 : f32
    %div3A_777 = vector.broadcast %div3A_776 : f32 to vector<16xf32>
    %div3A_778 = arith.divf %div3A_777, %add3A_775 : vector<16xf32>
    %swap3A_779 = arith.constant 416 : index
    %swap3A_780 = tpu.vector_load %arg13[%swap3A_779] {strides = array<i32>} : memref<512xf32, #tpu.memory_space<vmem>>, vector<16xf32>,
    tpu.vector_store %arg13[%swap3A_779], %div3A_778 {strides = array<i32>} : memref<512xf32, #tpu.memory_space<vmem>>, vector<16xf32>,
    %get3A_781 = arith.constant 432 : index
    %get3A_782 = tpu.vector_load %arg13[%get3A_781] {strides = array<i32>} : memref<512xf32, #tpu.memory_space<vmem>>, vector<16xf32>,
    %neg3A_783 = arith.constant 0.000000e+00 : f32
    %neg3A_784 = vector.broadcast %neg3A_783 : f32 to vector<16xf32>
    %neg3A_785 = arith.subf %neg3A_784, %get3A_782 : vector<16xf32>
    %exp3A_786 = math.exp %neg3A_785 : vector<16xf32>
    %add3A_787 = arith.constant 1.000000e+00 : f32
    %add3A_788 = vector.broadcast %add3A_787 : f32 to vector<16xf32>
    %add3A_789 = arith.addf %add3A_788, %exp3A_786 : vector<16xf32>
    %div3A_790 = arith.constant 1.000000e+00 : f32
    %div3A_791 = vector.broadcast %div3A_790 : f32 to vector<16xf32>
    %div3A_792 = arith.divf %div3A_791, %add3A_789 : vector<16xf32>
    %swap3A_793 = arith.constant 432 : index
    %swap3A_794 = tpu.vector_load %arg13[%swap3A_793] {strides = array<i32>} : memref<512xf32, #tpu.memory_space<vmem>>, vector<16xf32>,
    tpu.vector_store %arg13[%swap3A_793], %div3A_792 {strides = array<i32>} : memref<512xf32, #tpu.memory_space<vmem>>, vector<16xf32>,
    %get3A_795 = arith.constant 448 : index
    %get3A_796 = tpu.vector_load %arg13[%get3A_795] {strides = array<i32>} : memref<512xf32, #tpu.memory_space<vmem>>, vector<16xf32>,
    %neg3A_797 = arith.constant 0.000000e+00 : f32
    %neg3A_798 = vector.broadcast %neg3A_797 : f32 to vector<16xf32>
    %neg3A_799 = arith.subf %neg3A_798, %get3A_796 : vector<16xf32>
    %exp3A_800 = math.exp %neg3A_799 : vector<16xf32>
    %add3A_801 = arith.constant 1.000000e+00 : f32
    %add3A_802 = vector.broadcast %add3A_801 : f32 to vector<16xf32>
    %add3A_803 = arith.addf %add3A_802, %exp3A_800 : vector<16xf32>
    %div3A_804 = arith.constant 1.000000e+00 : f32
    %div3A_805 = vector.broadcast %div3A_804 : f32 to vector<16xf32>
    %div3A_806 = arith.divf %div3A_805, %add3A_803 : vector<16xf32>
    %swap3A_807 = arith.constant 448 : index
    %swap3A_808 = tpu.vector_load %arg13[%swap3A_807] {strides = array<i32>} : memref<512xf32, #tpu.memory_space<vmem>>, vector<16xf32>,
    tpu.vector_store %arg13[%swap3A_807], %div3A_806 {strides = array<i32>} : memref<512xf32, #tpu.memory_space<vmem>>, vector<16xf32>,
    %get3A_809 = arith.constant 464 : index
    %get3A_810 = tpu.vector_load %arg13[%get3A_809] {strides = array<i32>} : memref<512xf32, #tpu.memory_space<vmem>>, vector<16xf32>,
    %neg3A_811 = arith.constant 0.000000e+00 : f32
    %neg3A_812 = vector.broadcast %neg3A_811 : f32 to vector<16xf32>
    %neg3A_813 = arith.subf %neg3A_812, %get3A_810 : vector<16xf32>
    %exp3A_814 = math.exp %neg3A_813 : vector<16xf32>
    %add3A_815 = arith.constant 1.000000e+00 : f32
    %add3A_816 = vector.broadcast %add3A_815 : f32 to vector<16xf32>
    %add3A_817 = arith.addf %add3A_816, %exp3A_814 : vector<16xf32>
    %div3A_818 = arith.constant 1.000000e+00 : f32
    %div3A_819 = vector.broadcast %div3A_818 : f32 to vector<16xf32>
    %div3A_820 = arith.divf %div3A_819, %add3A_817 : vector<16xf32>
    %swap3A_821 = arith.constant 464 : index
    %swap3A_822 = tpu.vector_load %arg13[%swap3A_821] {strides = array<i32>} : memref<512xf32, #tpu.memory_space<vmem>>, vector<16xf32>,
    tpu.vector_store %arg13[%swap3A_821], %div3A_820 {strides = array<i32>} : memref<512xf32, #tpu.memory_space<vmem>>, vector<16xf32>,
    %get3A_823 = arith.constant 480 : index
    %get3A_824 = tpu.vector_load %arg13[%get3A_823] {strides = array<i32>} : memref<512xf32, #tpu.memory_space<vmem>>, vector<16xf32>,
    %neg3A_825 = arith.constant 0.000000e+00 : f32
    %neg3A_826 = vector.broadcast %neg3A_825 : f32 to vector<16xf32>
    %neg3A_827 = arith.subf %neg3A_826, %get3A_824 : vector<16xf32>
    %exp3A_828 = math.exp %neg3A_827 : vector<16xf32>
    %add3A_829 = arith.constant 1.000000e+00 : f32
    %add3A_830 = vector.broadcast %add3A_829 : f32 to vector<16xf32>
    %add3A_831 = arith.addf %add3A_830, %exp3A_828 : vector<16xf32>
    %div3A_832 = arith.constant 1.000000e+00 : f32
    %div3A_833 = vector.broadcast %div3A_832 : f32 to vector<16xf32>
    %div3A_834 = arith.divf %div3A_833, %add3A_831 : vector<16xf32>
    %swap3A_835 = arith.constant 480 : index
    %swap3A_836 = tpu.vector_load %arg13[%swap3A_835] {strides = array<i32>} : memref<512xf32, #tpu.memory_space<vmem>>, vector<16xf32>,
    tpu.vector_store %arg13[%swap3A_835], %div3A_834 {strides = array<i32>} : memref<512xf32, #tpu.memory_space<vmem>>, vector<16xf32>,
    %get3A_837 = arith.constant 496 : index
    %get3A_838 = tpu.vector_load %arg13[%get3A_837] {strides = array<i32>} : memref<512xf32, #tpu.memory_space<vmem>>, vector<16xf32>,
    %neg3A_839 = arith.constant 0.000000e+00 : f32
    %neg3A_840 = vector.broadcast %neg3A_839 : f32 to vector<16xf32>
    %neg3A_841 = arith.subf %neg3A_840, %get3A_838 : vector<16xf32>
    %exp3A_842 = math.exp %neg3A_841 : vector<16xf32>
    %add3A_843 = arith.constant 1.000000e+00 : f32
    %add3A_844 = vector.broadcast %add3A_843 : f32 to vector<16xf32>
    %add3A_845 = arith.addf %add3A_844, %exp3A_842 : vector<16xf32>
    %div3A_846 = arith.constant 1.000000e+00 : f32
    %div3A_847 = vector.broadcast %div3A_846 : f32 to vector<16xf32>
    %div3A_848 = arith.divf %div3A_847, %add3A_845 : vector<16xf32>
    %swap3A_849 = arith.constant 496 : index
    %swap3A_850 = tpu.vector_load %arg13[%swap3A_849] {strides = array<i32>} : memref<512xf32, #tpu.memory_space<vmem>>, vector<16xf32>,
    tpu.vector_store %arg13[%swap3A_849], %div3A_848 {strides = array<i32>} : memref<512xf32, #tpu.memory_space<vmem>>, vector<16xf32>,
    "tpu.region"() ({
      %run_scoped3A = tpu.sem_alloc : memref<!tpu.dma_semaphore, #tpu.memory_space<semaphore_mem>>
      %dma_start3A_851 = tpu.memref_slice %arg8[%mul3A_2] : memref<16384xf32, #tpu.memory_space<hbm>> -> memref<512xf32, #tpu.memory_space<hbm>>
      %dma_start3A_852 = tpu.memref_slice %arg8[%mul3A_2] : memref<16384xf32, #tpu.memory_space<hbm>> -> memref<512xf32, #tpu.memory_space<hbm>>
      tpu.enqueue_dma source(%arg13 : memref<512xf32, #tpu.memory_space<vmem>>) target(%dma_start3A_852 : memref<512xf32, #tpu.memory_space<hbm>>) target_semaphore(%run_scoped3A : memref<!tpu.dma_semaphore, #tpu.memory_space<semaphore_mem>>)
      %dma_wait3A_853 = tpu.memref_slice %arg8[%mul3A_2] : memref<16384xf32, #tpu.memory_space<hbm>> -> memref<512xf32, #tpu.memory_space<hbm>>
      %dma_wait3A_854 = tpu.memref_slice %arg8[%mul3A_2] : memref<16384xf32, #tpu.memory_space<hbm>> -> memref<512xf32, #tpu.memory_space<hbm>>
      tpu.wait_dma2 semaphore(%run_scoped3A : memref<!tpu.dma_semaphore, #tpu.memory_space<semaphore_mem>>) src(%arg13 : memref<512xf32, #tpu.memory_space<vmem>>) dst(%dma_wait3A_854 : memref<512xf32, #tpu.memory_space<hbm>>)
      tpu.yield
    }) : () -> ()
    return
  }
}

</mosaic_0001>

<sc_bundles>
// kernel: kernel.3.cloned.1.call-start
scs
__scs_entry_jumppad:
0x0: {  	(pc) =	sbr.rel $0x88, $3  }
0x1: {  	(tag) =	ssettag $0x0;
	lr =	simm.s32 $0x1  }
0x2: {  	[smem:$0x3F9C] =	sst lr;
	_ =	strace $0xD0000000  }
0x3: {  	_ = 	snop  }
0x4: {  	_ = 	snop  }
0x5: {  	_ = 	snop  }
0x6: {  	_ = 	snop  }
0x7: {  	_ = 	snop  }
__scs_overlays_trampoline_lowered:
0x8: {  	[smem:$0x3FAB] =	sst s0  }
0x9: {  	[smem:$0x3FAC] =	sst s1  }
0xa: {  	[smem:$0x3FAD] =	sst s2  }
0xb: {  	[smem:$0x3FAE] =	sst s3  }
0xc: {  	[smem:$0x3FAF] =	sst s4  }
0xd: {  	[smem:$0x3FB0] =	sst s5  }
0xe: {  	[smem:$0x3FB1] =	sst s6  }
0xf: {  	[smem:$0x3FB2] =	sst s7  }
0x10: {  	[smem:$0x3FB3] =	sst s8  }
0x11: {  	[smem:$0x3FB4] =	sst s9;
	s0 =	simm.s32 @!p0 $0x0  }
0x12: {  	s1 =	sld [smem:$0x3F9A];
	s0 =	simm.s32 @p0 $0x1  }
0x13: {  	[smem:$0x3FB5] =	sst s0;
	s0 =	simm.s32 @!p1 $0x0  }
0x14: {  	s2 =	sld [smem:$0x3F99];
	s0 =	simm.s32 @p1 $0x1  }
0x15: {  	[smem:$0x3FB6] =	sst s0;
	s0 =	simm.s32 @!p2 $0x0  }
0x16: {  	s3 =	sld [smem:$0x3FDB];
	s0 =	simm.s32 @p2 $0x1  }
0x17: {  	s4 =	simm.s32 $0x1BF5;
	[smem:$0x3FB8] =	sst s0  }
0x18: {  	s0 =	sld [smem:$0x3F9B];
	_ =	swait.ge [sflag:s4], $0x0  }
0x19: {  	s7 =	sld [smem:$0x3F9C]  }
0x1a: {  	s8 =	sadd.s32 $0xFFFFE003, lr  }
0x1b: {  	s9 =	sadd.s32 $0xFFFFFEF7, lr;
	s5 =	simm.s32 $0xFFFFFFFF;
	p2 =	slt.u32 s8, $0xFFFFF086  }
0x1c: {  	p1 =	slt.u32 s9, $0xF7A;
	s5 =	simm.s32 @!p2 $0x0  }
0x1d: {  	s5 =	simm.s32 @p1 $0x1;
	p0 =	seq.s32 s7, s2  }
0x1e: {  	s7 =	smul.u32 @!p0 $0xF7A, s2;
	p2 =	seq.s32 @!p0 s5, $0x0  }
0x1f: {  	s9 =	smul.u32 $0xF7A, s1;
	s8 =	simm.s32 @!p0 $0x1BF5;
	p2 =	por !p2, p0  }
0x20: {  	[sflag:s8] =	ssyncset.s32 @!p0 $0xFFFFF086;
	s6 =	sadd.s32 @!p0 s3, s7;
	s7 =	simm.s32 @!p0 $0x108  }
0x21: {  	s3 =	sadd.s32 s3, s9;
	s6 =	sadd.s32 @!p0 $0x88, s6;
	s7 =	simm.s32 @p2 $0x1082  }
0x22: {  	[simem:s7], [sflag:s8] =	dma.local @!p0 [hbm:s6], $0xF7A  }
0x23: {  	s9 =	sor.u32 $0xD0000000, s2;
	s6 =	simm.s32 $0x108;
	_ =	swait.ge @!p0 [sflag:s8], $0x0  }
0x24: {  	s3 =	sadd.s32 $0x88, s3;
	s6 =	simm.s32 @!p1 $0x1082;
	[sflag:s4] =	ssyncset.s32 $0xFFFFF086  }
0x25: {  	[simem:s6], [sflag:s4] =	dma.local [hbm:s3], $0xF7A  }
0x26: {  	[smem:$0x3F9C] =	sst s1;
	(tag) =	ssettag s2;
	_ =	strace s9  }
0x27: {  	s1 =	sld [smem:$0x3FAC]  }
0x28: {  	s2 =	sld [smem:$0x3FAD]  }
0x29: {  	s4 =	sld [smem:$0x3FAF]  }
0x2a: {  	p0 =	seq.s32 s5, $0x0;
	s5 =	sld [smem:$0x3FB0]  }
0x2b: {  	s6 =	sld [smem:$0x3FB1]  }
0x2c: {  	s7 =	sld [smem:$0x3FB2]  }
0x2d: {  	s3 =	simm.s32 $0x108;
	s8 =	sld [smem:$0x3FB3]  }
0x2e: {  	s3 =	simm.s32 @!p0 $0x1082;
	s9 =	sld [smem:$0x3FB4]  }
0x2f: {  	lr =	sadd.s32 s0, s3;
	s0 =	sld [smem:$0x3FAB]  }
0x30: {  	s3 =	sld [smem:$0x3FAE]  }
0x31: {  	[smem:$0x3FB7] =	sst s10  }
0x32: {  	s10 =	sld [smem:$0x3FB5];
	_ =	sdelay $0x3  }
0x33: {  	p0 =	seq.s32 s10, $0x1;
	s10 =	sld [smem:$0x3FB7];
	_ =	sdelay $0x3  }
0x34: {  	[smem:$0x3FB7] =	sst s10  }
0x35: {  	s10 =	sld [smem:$0x3FB6];
	_ =	sdelay $0x3  }
0x36: {  	p1 =	seq.s32 s10, $0x1;
	s10 =	sld [smem:$0x3FB7];
	_ =	sdelay $0x3  }
0x37: {  	[smem:$0x3FB7] =	sst s10  }
0x38: {  	s10 =	sld [smem:$0x3FB8]  }
0x39: {  	_ = 	snop;
	(pc) =	sbr.ind lr, $3  }
0x3a: {  	_ = 	snop  }
0x3b: {  	_ = 	snop  }
0x3c: {  	p2 =	seq.s32 s10, $0x1;
	s10 =	sld [smem:$0x3FB7]  }
0x3d: {  	_ =	shalt  }
0x3e: {  	_ =	shalt  }
0x3f: {  	_ =	shalt  }
0x40: {  	_ =	shalt  }
0x41: {  	_ =	shalt  }
0x42: {  	_ =	shalt  }
0x43: {  	_ =	shalt  }
0x44: {  	_ =	shalt  }
0x45: {  	_ =	shalt  }
0x46: {  	_ =	shalt  }
0x47: {  	_ =	shalt  }
0x48: {  	_ =	shalt  }
0x49: {  	_ =	shalt  }
0x4a: {  	_ =	shalt  }
0x4b: {  	_ =	shalt  }
0x4c: {  	_ =	shalt  }
0x4d: {  	_ =	shalt  }
0x4e: {  	_ =	shalt  }
0x4f: {  	_ =	shalt  }
0x50: {  	_ =	shalt  }
0x51: {  	_ =	shalt  }
0x52: {  	_ =	shalt  }
0x53: {  	_ =	shalt  }
0x54: {  	_ =	shalt  }
0x55: {  	_ =	shalt  }
0x56: {  	_ =	shalt  }
0x57: {  	_ =	shalt  }
0x58: {  	_ =	shalt  }
0x59: {  	_ =	shalt  }
0x5a: {  	_ =	shalt  }
0x5b: {  	_ =	shalt  }
0x5c: {  	_ =	shalt  }
0x5d: {  	_ =	shalt  }
0x5e: {  	_ =	shalt  }
0x5f: {  	_ =	shalt  }
0x60: {  	_ =	shalt  }
0x61: {  	_ =	shalt  }
0x62: {  	_ =	shalt  }
0x63: {  	_ =	shalt  }
0x64: {  	_ =	shalt  }
0x65: {  	_ =	shalt  }
0x66: {  	_ =	shalt  }
0x67: {  	_ =	shalt  }
0x68: {  	_ =	shalt  }
0x69: {  	_ =	shalt  }
0x6a: {  	_ =	shalt  }
0x6b: {  	_ =	shalt  }
0x6c: {  	_ =	shalt  }
0x6d: {  	_ =	shalt  }
0x6e: {  	_ =	shalt  }
0x6f: {  	_ =	shalt  }
0x70: {  	_ =	shalt  }
0x71: {  	_ =	shalt  }
0x72: {  	_ =	shalt  }
0x73: {  	_ =	shalt  }
0x74: {  	_ =	shalt  }
0x75: {  	_ =	shalt  }
0x76: {  	_ =	shalt  }
0x77: {  	_ =	shalt  }
0x78: {  	_ =	shalt  }
0x79: {  	_ =	shalt  }
0x7a: {  	_ =	shalt  }
0x7b: {  	_ =	shalt  }
0x7c: {  	_ =	shalt  }
0x7d: {  	_ =	shalt  }
0x7e: {  	_ =	shalt  }
0x7f: {  	_ =	shalt  }
0x80: {  	_ =	shalt  }
0x81: {  	_ =	shalt  }
0x82: {  	_ =	shalt  }
0x83: {  	_ =	shalt  }
0x84: {  	_ =	shalt  }
0x85: {  	_ =	shalt  }
0x86: {  	_ =	shalt  }
0x87: {  	_ =	shalt  }
.Lfunc_end0:
.L_simem_size_0:
called_computation_lowered:
.L_overlay_start_0:
0x88: {  	s2 =	sld [smem:$0x3FD9]  }
0x89: {  	s3 =	sld [smem:$0x3FFE];
	_ =	sdelay $0x1  }
0x8a: {  	s1 =	srdreg.scid  }
0x8b: {  	s0 =	sand.u32 $0x1, s1  }
0x8c: {  	s18 =	sshll.u32 s0, $0xA;
	s2 =	sadd.s32 s3, s2  }
0x8d: {  	s2 =	sadd.s32 s2, s18  }
0x8e: {  	[smem:$0x3FC3] =	sst s2  }
0x8f: {  	_ = 	snop  }
0x90: {  	s2 =	sld [smem:$0x3FC9]  }
0x91: {  	s19 =	sld [smem:$0x3FC8]  }
0x92: {  	s4 =	sld [smem:$0x3FC7]  }
0x93: {  	s5 =	sld [smem:$0x3FC6]  }
0x94: {  	s6 =	sld [smem:$0x3FC5]  }
0x95: {  	s7 =	sld [smem:$0x3FD0];
	(tm) =	ssettm $0x1  }
0x96: {  	s8 =	sld [smem:$0x3FFB];
	_ =	sdelay $0x3  }
0x97: {  	_ =	strace s8  }
0x98: {  	s8 =	sld [smem:$0x3FFC];
	_ =	sdelay $0x3  }
0x99: {  	_ =	strace s8  }
0x9a: {  	s8 =	sld [smem:$0x3FFD];
	_ =	sdelay $0x3  }
0x9b: {  	_ =	strace s8  }
0x9c: {  	_ =	strace $0x8FFFFFFF  }
0x9d: {  	s20 =	sld [smem:$0x3FDB];
	_ =	sdelay $0x1  }
0x9e: {  	s9 =	simm.s32 $_scs_section_size  }
0x9f: {  	s10 =	simm.s32 $_size__tile_overlayer_lowered;
	s11 =	simm.s32 $_tile_overlayer_lowered  }
0xa0: {  	s23 =	simm.s32 $0x1BFF;
	s22 =	sshll.u32 s11, $0x1;
	s8 =	sadd.s32 s9, s20  }
0xa1: {  	s12 =	simm.s32 $0x0;
	s21 =	sshll.u32 s10, $0x1;
	s10 =	sadd.s32 s22, s8  }
0xa2: {  	[timem:s12], [sflag:s23] =	dma.local [hbm:s10], s21  }
0xa3: {  	_ =	swait.ge [sflag:s23], s21  }
0xa4: {  	s9 =	ssub.s32 $0x0, s21;
	[sflag:s23] =	ssyncset.done $0x0  }
0xa5: {  	[sflag:s23] =	ssyncadd.s32 s9;
	_ =	sdelay $0x1  }
0xa6: {  	s24 =	simm.s32 $0x1B8B  }
0xa7: {  	_ =	swait.ge [sflag:s24], $0x1  }
0xa8: {  	[sflag:s24] =	ssyncset.done $0x0  }
0xa9: {  	s25 =	simm.s32 $0x1B8E;
	[sflag:s24] =	ssyncadd.s32 $0xFFFFFFFF  }
0xaa: {  	s26 =	simm.s32 $execute0_lowered;
	[smem:$0x3FD2] =	sst s25  }
0xab: {  	s9 =	sshll.u32 s26, $0x1;
	_ =	strace $0x80000046;
	[dreg:$0x1] =	wrdreg $0xFFFFFFFF  }
0xac: {  	s28 =	simm.s32 $_size_execute0_lowered;
	s8 =	sadd.s32 s8, s9;
	[dreg:$0x0] =	wrdreg $0x0  }
0xad: {  	s9 =	sshll.u32 s28, $0x1;
	[dreg:$0x2] =	wrdreg s8  }
0xae: {  	[dreg:$0x3] =	wrdreg s9  }
0xaf: {  	[dreg:$0x4] =	wrdreg $0xC0  }
0xb0: {  	_ =	task [dreg:s12], $0x5FFFF  }
0xb1: {  	[dreg:$0x1] =	wrdreg $0xFFFFFFFF  }
0xb2: {  	[dreg:$0x0] =	wrdreg $0x60  }
0xb3: {  	[dreg:$0x2] =	wrdreg s2  }
0xb4: {  	[dreg:$0x3] =	wrdreg s19  }
0xb5: {  	[dreg:$0x4] =	wrdreg s4  }
0xb6: {  	[dreg:$0x5] =	wrdreg s5  }
0xb7: {  	[dreg:$0x6] =	wrdreg s6  }
0xb8: {  	[dreg:$0x7] =	wrdreg s7  }
0xb9: {  	[dreg:$0x8] =	wrdreg $0x9  }
0xba: {  	_ =	task.clear_ibuf [dreg:s12], $0x9FFFF;
	_ =	strace $0x90000046  }
0xbb: {  	s29 =	simm.s32 $0x9;
	_ =	strace $0x80000048  }
0xbc: {  	_ =	swait.ge [sflag:s29], $0x1  }
0xbd: {  	[sflag:s29] =	ssyncadd.s32 $0xFFFFFFFF  }
0xbe: {  	_ =	strace $0x90000048  }
0xbf: {  	_ =	sfence  }
0xc0: {  	s30 =	sld [smem:$0x0];
	_ =	sdelay $0x2  }
0xc1: {  	s31 =	sshll.u32 s1, $0xD;
	s1 =	sshrl.u32 s1, $0x2  }
0xc2: {  	s3 =	sand.u32 $0x4000, s31;
	s1 =	sadd.s32 s1, s30  }
0xc3: {  	s0 =	sor.u32 s3, s0;
	s1 =	sshll.u32 s1, $0x11  }
0xc4: {  	s0 =	sor.u32 s1, s0  }
0xc5: {  	s0 =	sadd.s32 $0x8F2B, s0  }
0xc6: {  	[sflag:s0] =	ssyncadd.remote.s32 $0x1  }
0xc7: {  	_ =	sfence.sel $0xFFFF  }
0xc8: {  	[dreg:$0x0] =	wrdreg $0xFFFFFFFF;
	(pc) =	sbr.abs _section_cstart, $3  }
0xc9: {  	[dreg:$0x1] =	wrdreg $0xFFFFFFFF  }
0xca: {  	_ =	task.clear_ibuf [dreg:s12], $0x2FFFF;
	_ =	strace $0x9FFFFFFF  }
0xcb: {  	(tm) =	ssettm $0x7FFFFFFF  }
tec
execute0_lowered:
.L_overlay_start_1:
0x0: {  	(tag) =	ssettag $0x1  }
0x1: {  	v0 =	vlaneseq.u32  }
0x2: {  	v0 =	vmul.u32 $0x80, v0;
	_ =	sdelay $0x1  }
0x3: {  	s2 =	rddreg [dreg:$0x0];
	v1 =	vor.u32 $0x4000, v0;
	v2 =	vor.u32 $0x800, v0  }
0x4: {  	s3 =	rddreg [dreg:$0x1];
	v3 =	vor.u32 $0x4800, v0;
	v4 =	vor.u32 $0x1000, v0;
	v5 =	vor.u32 $0x5000, v0  }
0x5: {  	s0 =	rddreg [dreg:$0x2];
	v6 =	vor.u32 $0x1800, v0;
	v7 =	vor.u32 $0x5800, v0;
	v8 =	vor.u32 $0x2000, v0  }
0x6: {  	s1 =	rddreg [dreg:$0x3];
	v9 =	vor.u32 $0x6000, v0;
	v10 =	vor.u32 $0x2800, v0;
	v11 =	vor.u32 $0x6800, v0  }
0x7: {  	s5 =	rddreg [dreg:$0x5];
	s4 =	simm.s32 $0x0;
	v12 =	vor.u32 $0x3000, v0;
	v13 =	vor.u32 $0x7000, v0;
	v14 =	vor.u32 $0x3800, v0  }
0x8: {  	s6 =	srdreg.scid;
	s8 =	stileid.u32;
	s13 =	simm.s32 $0x7A1400;
	v15 =	vor.u32 $0x7800, v0;
	v16 =	vor.u32 $0x8000, v0;
	v17 =	vor.u32 $0xC000, v0  }
0x9: {  	s11 =	simm.s32 $0x4;
	s14 =	simm.s32 $0x400;
	s15 =	simm.s32 $0x500;
	v18 =	vor.u32 $0x8800, v0;
	v19 =	vor.u32 $0xC800, v0;
	v20 =	vor.u32 $0x9000, v0  }
0xa: {  	s16 =	simm.s32 $0x4500;
	s17 =	simm.s32 $0x2500;
	s18 =	simm.s32 $0x6500;
	v21 =	vor.u32 $0xD000, v0;
	v22 =	vor.u32 $0x9800, v0;
	v23 =	vor.u32 $0xD800, v0  }
0xb: {  	s22 =	simm.s32 $0xE500;
	s23 =	simm.s32 $0x10500;
	s24 =	simm.s32 $0x14500;
	v24 =	vor.u32 $0xA000, v0;
	v25 =	vor.u32 $0xE000, v0;
	v26 =	vor.u32 $0xA800, v0  }
0xc: {  	s25 =	simm.s32 $0x12500;
	s26 =	simm.s32 $0x16500;
	s28 =	simm.s32 $0x1;
	v27 =	vor.u32 $0xE800, v0;
	v28 =	vor.u32 $0xB000, v0;
	v29 =	vor.u32 $0xF000, v0  }
0xd: {  	s29 =	simm.s32 $0x18580;
	s30 =	simm.s32 $0x2;
	s31 =	simm.s32 $0x3;
	v30 =	vor.u32 $0xB800, v0;
	v31 =	vor.u32 $0xF800, v0;
	v32 =	vor.u32 $0x10000, v0  }
.Ltmp0:
0xe: {  	[smem:$0x7FF] =	sst s4;
	s6 =	sand.u32 $0x1, s6;
	v33 =	vor.u32 $0x14000, v0;
	v34 =	vor.u32 $0x10800, v0;
	v35 =	vor.u32 $0x14800, v0;
	(pc) =	sbr.rel .LBB2_1-.Ltmp0, $4  }
0xf: {  	s8 =	sshll.u32 s8, $0x7;
	s7 =	ssub.s32 $0x2, s6;
	s6 =	sshll.u32 s6, $0x6;
	v36 =	vor.u32 $0x11000, v0;
	v37 =	vor.u32 $0x15000, v0;
	v38 =	vor.u32 $0x11800, v0  }
0x10: {  	_ =	strace $0x80000047;
	s9 =	sshrl.u32 s7, $0x1;
	s8 =	sor.u32 s6, s8;
	v39 =	vor.u32 $0x15800, v0;
	v40 =	vor.u32 $0x12000, v0;
	v41 =	vor.u32 $0x16000, v0  }
0x11: {  	v42 =	vor.u32 $0x12800, v0;
	v43 =	vor.u32 $0x16800, v0;
	v44 =	vor.u32 $0x13000, v0;
	s9 =	ssub.s32 s7, s9;
	s6 =	sadd.s32 s2, s8;
	s7 =	sadd.s32 s3, s8;
	[tilespmem:$0x1FFE0] =	vst v16  }
0x12: {  	v45 =	vor.u32 $0x17000, v0;
	v46 =	vor.u32 $0x13800, v0;
	v47 =	vor.u32 $0x17800, v0;
	s8 =	sadd.s32 s5, s8;
	s3 =	simm.s32 $0x0;
	[tilespmem:$0x1FFF0] =	vst v1;
	s9 =	smax.u32 s9, $0x1  }
.LBB2_4:
0x13: {  	_ =	swait.ge [sflag:s28], $0x8000  }
0x14: {  	[sflag:s28] =	ssyncset.done $0x0  }
0x15: {  	[sflag:s28] =	ssyncadd.s32 $0xFFFF8000  }
0x16: {  	v48 =	vld [tilespmem:$0x1FE]  }
0x17: {  	v49 =	vld [tilespmem:$0x47E];
	_ =	sdelay $0x3  }
0x18: {  	(v2sf) =	vpush v48, $0x0  }
0x19: {  	(v2sf) =	vpush v49, $0x0;
	_ =	sdelay $0xd  }
0x1a: {  	s2 =	spop (v2sf)  }
0x1b: {  	s2 =	sand.u32 $0x7F, s2;
	s5 =	spop (v2sf)  }
0x1c: {  	s5 =	sand.u32 $0x7F, s5;
	v54 =	vor.u32 s2, v0  }
0x1d: {  	v55 =	vor.u32 s5, v1;
	_ =	sdelay $0x1  }
0x1e: {  	v56 =	vor.u32 s2, v2  }
0x1f: {  	v57 =	vor.u32 s5, v3  }
0x20: {  	v58 =	vor.u32 s2, v4;
	v54 =	vld.idx.msk [tilespmem:v54+s15+$0x0], $0xffff  }
0x21: {  	v59 =	vor.u32 s5, v5;
	v55 =	vld.idx.msk [tilespmem:v55+s15+$0x0], $0xffff  }
0x22: {  	v60 =	vor.u32 s2, v6  }
0x23: {  	v61 =	vor.u32 s5, v7;
	v56 =	vld.idx.msk [tilespmem:v56+s15+$0x0], $0xffff  }
0x24: {  	v57 =	vld.idx.msk [tilespmem:v57+s15+$0x0], $0xffff  }
0x25: {  	v58 =	vld.idx.msk [tilespmem:v58+s15+$0x0], $0xffff  }
0x26: {  	v54 =	vmul.f32 v55, v54;
	v55 =	vld.idx.msk [tilespmem:v59+s15+$0x0], $0xffff  }
0x27: {  	v59 =	vld.idx.msk [tilespmem:v60+s15+$0x0], $0xffff  }
0x28: {  	v60 =	vld.idx.msk [tilespmem:v61+s15+$0x0], $0xffff  }
0x29: {  	v56 =	vmul.f32 v57, v56;
	v54 =	vmul.f32 v54, v53  }
0x2a: {  	(v2sf) =	vpush v48, $0x1  }
0x2b: {  	v56 =	vmul.f32 v56, v52;
	v54 =	vadd.f32 $0.0e+00, v54;
	v55 =	vmul.f32 v55, v58  }
0x2c: {  	(v2sf) =	vpush v49, $0x1  }
0x2d: {  	v61 =	vmul.f32 v60, v59;
	v57 =	vadd.f32 v56, v54;
	v58 =	vmul.f32 v55, v51;
	_ =	sdelay $0x1  }
0x2e: {  	v62 =	vmul.f32 v61, v50;
	v48 =	vadd.f32 v58, v57;
	_ =	sdelay $0x1  }
0x2f: {  	v48 =	vadd.f32 v62, v48;
	_ =	sdelay $0x1  }
0x30: {  	(xrf2) =	vadd.scan.msk.f32 $0xffff, v48;
	_ =	sdelay $0x6  }
0x31: {  	s20 =	spop (v2sf)  }
0x32: {  	s2 =	sand.u32 $0x7F, s20;
	s21 =	spop (v2sf);
	v61 =	vimm.s32 $0x1FE  }
0x33: {  	s5 =	sand.u32 $0x7F, s21;
	v63 =	vor.u32 s2, v8  }
0x34: {  	v60 =	vor.u32 s5, v9;
	v59, _, _ =	vpop (xrf2)  }
0x35: {  	v55 =	vor.u32 s2, v10;
	v49 =	vbroadcast v59, $0xF  }
0x36: {  	v56 =	vor.u32 s5, v11  }
0x37: {  	v62 =	vor.u32 s2, v12;
	[tilespmem:v61+s29+$0x0] =	vst.idx.msk $0x1, v49  }
0x38: {  	v48 =	vld.idx.msk [tilespmem:v63+s15+$0x0], $0xffff;
	v63 =	vor.u32 s5, v13  }
0x39: {  	v54 =	vld.idx.msk [tilespmem:v60+s15+$0x0], $0xffff;
	v60 =	vor.u32 s2, v14  }
0x3a: {  	v61 =	vor.u32 s5, v15;
	v55 =	vld.idx.msk [tilespmem:v55+s15+$0x0], $0xffff  }
0x3b: {  	v56 =	vld.idx.msk [tilespmem:v56+s15+$0x0], $0xffff  }
0x3c: {  	v49 =	vld.idx.msk [tilespmem:v62+s15+$0x0], $0xffff  }
0x3d: {  	v57 =	vld.idx.msk [tilespmem:v63+s15+$0x0], $0xffff  }
0x3e: {  	v48 =	vmul.f32 v54, v48;
	v62 =	vld.idx.msk [tilespmem:v60+s15+$0x0], $0xffff  }
0x3f: {  	v63 =	vld.idx.msk [tilespmem:v61+s15+$0x0], $0xffff  }
0x40: {  	v56 =	vmul.f32 v56, v55;
	v48 =	vmul.f32 v48, v53;
	_ =	sdelay $0x1  }
0x41: {  	v59 =	vmul.f32 v56, v52;
	v48 =	vadd.f32 $0.0e+00, v48;
	v49 =	vmul.f32 v57, v49;
	_ =	sdelay $0x1  }
0x42: {  	v60 =	vmul.f32 v63, v62;
	v48 =	vadd.f32 v59, v48;
	v49 =	vmul.f32 v49, v51;
	_ =	sdelay $0x1  }
0x43: {  	v61 =	vmul.f32 v60, v50;
	v48 =	vadd.f32 v49, v48;
	_ =	sdelay $0x1  }
0x44: {  	v48 =	vadd.f32 v61, v48;
	_ =	sdelay $0x1  }
0x45: {  	(xrf2) =	vadd.scan.msk.f32 $0xffff, v48;
	_ =	sdelay $0x7  }
0x46: {  	v62 =	vimm.s32 $0x1FF;
	_ =	sdelay $0x1  }
0x47: {  	v48, _, _ =	vpop (xrf2)  }
0x48: {  	v48 =	vbroadcast v48, $0xF;
	_ =	sdelay $0x1  }
0x49: {  	[tilespmem:v62+s29+$0x0] =	vst.idx.msk $0x1, v48  }
0x4a: {  	v48 =	vld [tilespmem:$0x18580];
	_ =	sdelay $0x4  }
0x4b: {  	v48 =	vsub.f32 $0.0e+00, v48;
	_ =	sdelay $0x1  }
0x4c: {  	v48 =	vmul.f32 $1.442695020e+00, v48;
	_ =	sdelay $0x1  }
0x4d: {  	(erf) = vpow2.f32 v48;
	_ =	sdelay $0x3  }
0x4e: {  	v63 =	vld [tilespmem:$0x18590];
	_ =	sdelay $0x4  }
0x4f: {  	v48 =	vsub.f32 $0.0e+00, v63;
	v52 =	vpop (erf)  }
0x50: {  	v49 =	vadd.f32 $1.000000000e+00, v52  }
0x51: {  	v48 =	vmul.f32 $1.442695020e+00, v48  }
0x52: {  	(erf) = vrcp.f32 v49  }
0x53: {  	(erf) = vpow2.f32 v48;
	_ =	sdelay $0x3  }
0x54: {  	v53 =	vld [tilespmem:$0x185A0];
	_ =	sdelay $0x3  }
0x55: {  	v49 =	vpop (erf)  }
0x56: {  	v48 =	vsub.f32 $0.0e+00, v53;
	v54 =	vpop (erf)  }
0x57: {  	[tilespmem:$0x1FF00] =	vst v49;
	v49 =	vadd.f32 $1.000000000e+00, v54  }
0x58: {  	v48 =	vmul.f32 $1.442695020e+00, v48  }
0x59: {  	(erf) = vrcp.f32 v49  }
0x5a: {  	(erf) = vpow2.f32 v48;
	_ =	sdelay $0x3  }
0x5b: {  	v55 =	vld [tilespmem:$0x185B0];
	_ =	sdelay $0x3  }
0x5c: {  	v49 =	vpop (erf)  }
0x5d: {  	v48 =	vsub.f32 $0.0e+00, v55;
	v56 =	vpop (erf)  }
0x5e: {  	[tilespmem:$0x1FF10] =	vst v49;
	v49 =	vadd.f32 $1.000000000e+00, v56  }
0x5f: {  	v48 =	vmul.f32 $1.442695020e+00, v48  }
0x60: {  	(erf) = vrcp.f32 v49  }
0x61: {  	(erf) = vpow2.f32 v48;
	_ =	sdelay $0x3  }
0x62: {  	v57 =	vld [tilespmem:$0x185C0];
	_ =	sdelay $0x3  }
0x63: {  	v49 =	vpop (erf)  }
0x64: {  	v48 =	vsub.f32 $0.0e+00, v57;
	v58 =	vpop (erf)  }
0x65: {  	[tilespmem:$0x1FF20] =	vst v49;
	v49 =	vadd.f32 $1.000000000e+00, v58  }
0x66: {  	v48 =	vmul.f32 $1.442695020e+00, v48  }
0x67: {  	(erf) = vrcp.f32 v49  }
0x68: {  	(erf) = vpow2.f32 v48;
	_ =	sdelay $0x3  }
0x69: {  	v59 =	vld [tilespmem:$0x185D0];
	_ =	sdelay $0x3  }
0x6a: {  	v49 =	vpop (erf)  }
0x6b: {  	v48 =	vsub.f32 $0.0e+00, v59;
	v60 =	vpop (erf)  }
0x6c: {  	[tilespmem:$0x1FF30] =	vst v49;
	v49 =	vadd.f32 $1.000000000e+00, v60  }
0x6d: {  	v48 =	vmul.f32 $1.442695020e+00, v48  }
0x6e: {  	(erf) = vrcp.f32 v49  }
0x6f: {  	(erf) = vpow2.f32 v48;
	_ =	sdelay $0x3  }
0x70: {  	v61 =	vld [tilespmem:$0x185E0];
	_ =	sdelay $0x3  }
0x71: {  	v49 =	vpop (erf)  }
0x72: {  	v48 =	vsub.f32 $0.0e+00, v61;
	v62 =	vpop (erf)  }
0x73: {  	[tilespmem:$0x1FF40] =	vst v49;
	v49 =	vadd.f32 $1.000000000e+00, v62  }
0x74: {  	v48 =	vmul.f32 $1.442695020e+00, v48  }
0x75: {  	(erf) = vrcp.f32 v49  }
0x76: {  	(erf) = vpow2.f32 v48;
	_ =	sdelay $0x3  }
0x77: {  	v63 =	vld [tilespmem:$0x185F0];
	_ =	sdelay $0x3  }
0x78: {  	v52 =	vpop (erf)  }
0x79: {  	v48 =	vsub.f32 $0.0e+00, v63;
	v53 =	vpop (erf)  }
0x7a: {  	v49 =	vadd.f32 $1.000000000e+00, v53  }
0x7b: {  	v48 =	vmul.f32 $1.442695020e+00, v48  }
0x7c: {  	(erf) = vrcp.f32 v49  }
0x7d: {  	(erf) = vpow2.f32 v48;
	_ =	sdelay $0x3  }
0x7e: {  	v54 =	vld [tilespmem:$0x18600];
	_ =	sdelay $0x3  }
0x7f: {  	v49 =	vpop (erf)  }
0x80: {  	v48 =	vsub.f32 $0.0e+00, v54;
	v55 =	vpop (erf)  }
0x81: {  	[tilespmem:$0x1FF50] =	vst v49;
	v49 =	vadd.f32 $1.000000000e+00, v55  }
0x82: {  	v48 =	vmul.f32 $1.442695020e+00, v48  }
0x83: {  	(erf) = vrcp.f32 v49  }
0x84: {  	(erf) = vpow2.f32 v48;
	_ =	sdelay $0x3  }
0x85: {  	v56 =	vld [tilespmem:$0x18610];
	_ =	sdelay $0x3  }
0x86: {  	v49 =	vpop (erf)  }
0x87: {  	v48 =	vsub.f32 $0.0e+00, v56;
	v57 =	vpop (erf)  }
0x88: {  	[tilespmem:$0x1FF60] =	vst v49;
	v49 =	vadd.f32 $1.000000000e+00, v57  }
0x89: {  	v48 =	vmul.f32 $1.442695020e+00, v48  }
0x8a: {  	(erf) = vrcp.f32 v49  }
0x8b: {  	(erf) = vpow2.f32 v48;
	_ =	sdelay $0x3  }
0x8c: {  	v58 =	vld [tilespmem:$0x18620];
	_ =	sdelay $0x3  }
0x8d: {  	v49 =	vpop (erf)  }
0x8e: {  	v48 =	vsub.f32 $0.0e+00, v58;
	v59 =	vpop (erf)  }
0x8f: {  	[tilespmem:$0x1FF70] =	vst v49;
	v49 =	vadd.f32 $1.000000000e+00, v59  }
0x90: {  	v48 =	vmul.f32 $1.442695020e+00, v48  }
0x91: {  	(erf) = vrcp.f32 v49  }
0x92: {  	(erf) = vpow2.f32 v48;
	_ =	sdelay $0x3  }
0x93: {  	v60 =	vld [tilespmem:$0x18630];
	_ =	sdelay $0x3  }
0x94: {  	v49 =	vpop (erf)  }
0x95: {  	v48 =	vsub.f32 $0.0e+00, v60;
	v61 =	vpop (erf)  }
0x96: {  	[tilespmem:$0x1FF80] =	vst v49;
	v49 =	vadd.f32 $1.000000000e+00, v61  }
0x97: {  	v48 =	vmul.f32 $1.442695020e+00, v48  }
0x98: {  	(erf) = vrcp.f32 v49  }
0x99: {  	(erf) = vpow2.f32 v48;
	_ =	sdelay $0x3  }
0x9a: {  	v62 =	vld [tilespmem:$0x18640];
	_ =	sdelay $0x3  }
0x9b: {  	v49 =	vpop (erf)  }
0x9c: {  	v48 =	vsub.f32 $0.0e+00, v62;
	v63 =	vpop (erf)  }
0x9d: {  	[tilespmem:$0x1FF90] =	vst v49;
	v49 =	vadd.f32 $1.000000000e+00, v63  }
0x9e: {  	v48 =	vmul.f32 $1.442695020e+00, v48  }
0x9f: {  	(erf) = vrcp.f32 v49  }
0xa0: {  	(erf) = vpow2.f32 v48;
	_ =	sdelay $0x3  }
0xa1: {  	v53 =	vld [tilespmem:$0x18650];
	_ =	sdelay $0x3  }
0xa2: {  	v49 =	vpop (erf)  }
0xa3: {  	v48 =	vsub.f32 $0.0e+00, v53;
	v54 =	vpop (erf)  }
0xa4: {  	[tilespmem:$0x1FFA0] =	vst v49;
	v49 =	vadd.f32 $1.000000000e+00, v54  }
0xa5: {  	v48 =	vmul.f32 $1.442695020e+00, v48  }
0xa6: {  	(erf) = vrcp.f32 v49  }
0xa7: {  	(erf) = vpow2.f32 v48;
	_ =	sdelay $0x3  }
0xa8: {  	v55 =	vld [tilespmem:$0x18660];
	_ =	sdelay $0x3  }
0xa9: {  	v49 =	vpop (erf)  }
0xaa: {  	v48 =	vsub.f32 $0.0e+00, v55;
	v56 =	vpop (erf)  }
0xab: {  	[tilespmem:$0x1FFB0] =	vst v49;
	v49 =	vadd.f32 $1.000000000e+00, v56  }
0xac: {  	v48 =	vmul.f32 $1.442695020e+00, v48  }
0xad: {  	(erf) = vrcp.f32 v49  }
0xae: {  	(erf) = vpow2.f32 v48;
	_ =	sdelay $0x3  }
0xaf: {  	v57 =	vld [tilespmem:$0x18670];
	_ =	sdelay $0x3  }
0xb0: {  	v49 =	vpop (erf)  }
0xb1: {  	v48 =	vsub.f32 $0.0e+00, v57;
	v58 =	vpop (erf)  }
0xb2: {  	[tilespmem:$0x1FFC0] =	vst v49;
	v49 =	vadd.f32 $1.000000000e+00, v58  }
0xb3: {  	v48 =	vmul.f32 $1.442695020e+00, v48  }
0xb4: {  	(erf) = vrcp.f32 v49  }
0xb5: {  	(erf) = vpow2.f32 v48;
	_ =	sdelay $0x3  }
0xb6: {  	v59 =	vld [tilespmem:$0x18680];
	_ =	sdelay $0x3  }
0xb7: {  	v60 =	vpop (erf)  }
0xb8: {  	v49 =	vsub.f32 $0.0e+00, v59;
	v16 =	vpop (erf)  }
0xb9: {  	v16 =	vadd.f32 $1.000000000e+00, v16  }
0xba: {  	v49 =	vmul.f32 $1.442695020e+00, v49  }
0xbb: {  	(erf) = vrcp.f32 v16  }
0xbc: {  	(erf) = vpow2.f32 v49;
	_ =	sdelay $0x3  }
0xbd: {  	v16 =	vld [tilespmem:$0x18690];
	_ =	sdelay $0x3  }
0xbe: {  	[tilespmem:$0x1FFD0] =	vst v60;
	v60 =	vpop (erf)  }
0xbf: {  	v16 =	vsub.f32 $0.0e+00, v16;
	v62 =	vpop (erf)  }
0xc0: {  	v62 =	vadd.f32 $1.000000000e+00, v62  }
0xc1: {  	v16 =	vmul.f32 $1.442695020e+00, v16  }
0xc2: {  	(erf) = vrcp.f32 v62  }
0xc3: {  	(erf) = vpow2.f32 v16;
	_ =	sdelay $0x3  }
0xc4: {  	v16 =	vld [tilespmem:$0x186A0];
	_ =	sdelay $0x3  }
0xc5: {  	v62 =	vpop (erf)  }
0xc6: {  	v16 =	vsub.f32 $0.0e+00, v16;
	v63 =	vpop (erf)  }
0xc7: {  	v63 =	vadd.f32 $1.000000000e+00, v63  }
0xc8: {  	v16 =	vmul.f32 $1.442695020e+00, v16  }
0xc9: {  	(erf) = vrcp.f32 v63  }
0xca: {  	(erf) = vpow2.f32 v16;
	_ =	sdelay $0x3  }
0xcb: {  	v16 =	vld [tilespmem:$0x186B0];
	_ =	sdelay $0x3  }
0xcc: {  	v63 =	vpop (erf)  }
0xcd: {  	v16 =	vsub.f32 $0.0e+00, v16;
	v1 =	vpop (erf)  }
0xce: {  	v1 =	vadd.f32 $1.000000000e+00, v1  }
0xcf: {  	v16 =	vmul.f32 $1.442695020e+00, v16  }
0xd0: {  	(erf) = vrcp.f32 v1  }
0xd1: {  	(erf) = vpow2.f32 v16;
	_ =	sdelay $0x3  }
0xd2: {  	v1 =	vld [tilespmem:$0x186C0];
	_ =	sdelay $0x3  }
0xd3: {  	v16 =	vpop (erf)  }
0xd4: {  	v59 =	vmov v17;
	v1 =	vsub.f32 $0.0e+00, v1;
	v17 =	vpop (erf)  }
0xd5: {  	v17 =	vadd.f32 $1.000000000e+00, v17  }
0xd6: {  	v1 =	vmul.f32 $1.442695020e+00, v1  }
0xd7: {  	(erf) = vrcp.f32 v17  }
0xd8: {  	(erf) = vpow2.f32 v1;
	_ =	sdelay $0x3  }
0xd9: {  	v1 =	vld [tilespmem:$0x186D0];
	_ =	sdelay $0x3  }
0xda: {  	v57 =	vpop (erf)  }
0xdb: {  	v58 =	vmov v18;
	v1 =	vsub.f32 $0.0e+00, v1;
	v18 =	vpop (erf)  }
0xdc: {  	v18 =	vadd.f32 $1.000000000e+00, v18  }
0xdd: {  	v1 =	vmul.f32 $1.442695020e+00, v1  }
0xde: {  	(erf) = vrcp.f32 v18  }
0xdf: {  	(erf) = vpow2.f32 v1;
	_ =	sdelay $0x3  }
0xe0: {  	v1 =	vld [tilespmem:$0x186E0];
	_ =	sdelay $0x3  }
0xe1: {  	v56 =	vpop (erf)  }
0xe2: {  	v55 =	vmov v2;
	v1 =	vsub.f32 $0.0e+00, v1;
	v2 =	vpop (erf)  }
0xe3: {  	v2 =	vadd.f32 $1.000000000e+00, v2  }
0xe4: {  	v1 =	vmul.f32 $1.442695020e+00, v1  }
0xe5: {  	(erf) = vrcp.f32 v2  }
0xe6: {  	(erf) = vpow2.f32 v1;
	_ =	sdelay $0x3  }
0xe7: {  	v1 =	vld [tilespmem:$0x186F0];
	_ =	sdelay $0x3  }
0xe8: {  	v2 =	vpop (erf)  }
0xe9: {  	v54 =	vmov v19;
	v1 =	vsub.f32 $0.0e+00, v1;
	v19 =	vpop (erf)  }
0xea: {  	v19 =	vadd.f32 $1.000000000e+00, v19  }
0xeb: {  	v1 =	vmul.f32 $1.442695020e+00, v1  }
0xec: {  	(erf) = vrcp.f32 v19  }
0xed: {  	(erf) = vpow2.f32 v1;
	_ =	sdelay $0x3  }
0xee: {  	v1 =	vld [tilespmem:$0x18700];
	_ =	sdelay $0x3  }
0xef: {  	v53 =	vpop (erf)  }
0xf0: {  	v51 =	vmov v3;
	v1 =	vsub.f32 $0.0e+00, v1;
	v3 =	vpop (erf)  }
0xf1: {  	v3 =	vadd.f32 $1.000000000e+00, v3  }
0xf2: {  	v1 =	vmul.f32 $1.442695020e+00, v1  }
0xf3: {  	(erf) = vrcp.f32 v3  }
0xf4: {  	(erf) = vpow2.f32 v1;
	_ =	sdelay $0x3  }
0xf5: {  	v1 =	vld [tilespmem:$0x18710];
	_ =	sdelay $0x3  }
0xf6: {  	v3 =	vpop (erf)  }
0xf7: {  	v50 =	vmov v4;
	v1 =	vsub.f32 $0.0e+00, v1;
	v4 =	vpop (erf)  }
0xf8: {  	v4 =	vadd.f32 $1.000000000e+00, v4  }
0xf9: {  	v1 =	vmul.f32 $1.442695020e+00, v1  }
0xfa: {  	(erf) = vrcp.f32 v4  }
0xfb: {  	(erf) = vpow2.f32 v1;
	_ =	sdelay $0x3  }
0xfc: {  	v1 =	vld [tilespmem:$0x18720];
	_ =	sdelay $0x3  }
0xfd: {  	v4 =	vpop (erf)  }
0xfe: {  	v19 =	vmov v5;
	v1 =	vsub.f32 $0.0e+00, v1;
	v5 =	vpop (erf)  }
0xff: {  	v5 =	vadd.f32 $1.000000000e+00, v5  }
0x100: {  	v1 =	vmul.f32 $1.442695020e+00, v1  }
0x101: {  	(erf) = vrcp.f32 v5  }
0x102: {  	(erf) = vpow2.f32 v1;
	_ =	sdelay $0x3  }
0x103: {  	v1 =	vld [tilespmem:$0x18730];
	_ =	sdelay $0x3  }
0x104: {  	v5 =	vpop (erf)  }
0x105: {  	v49 =	vmov v20;
	v1 =	vsub.f32 $0.0e+00, v1;
	v20 =	vpop (erf)  }
0x106: {  	v20 =	vadd.f32 $1.000000000e+00, v20  }
0x107: {  	v1 =	vmul.f32 $1.442695020e+00, v1  }
0x108: {  	(erf) = vrcp.f32 v20  }
0x109: {  	(erf) = vpow2.f32 v1;
	_ =	sdelay $0x3  }
0x10a: {  	v1 =	vld [tilespmem:$0x18740];
	_ =	sdelay $0x3  }
0x10b: {  	v20 =	vpop (erf)  }
0x10c: {  	v18 =	vmov v6;
	v1 =	vsub.f32 $0.0e+00, v1;
	v6 =	vpop (erf)  }
0x10d: {  	v6 =	vadd.f32 $1.000000000e+00, v6  }
0x10e: {  	v1 =	vmul.f32 $1.442695020e+00, v1  }
0x10f: {  	(erf) = vrcp.f32 v6  }
0x110: {  	(erf) = vpow2.f32 v1;
	_ =	sdelay $0x3  }
0x111: {  	v1 =	vld [tilespmem:$0x18750];
	_ =	sdelay $0x3  }
0x112: {  	v6 =	vpop (erf)  }
0x113: {  	v48 =	vmov v21;
	v1 =	vsub.f32 $0.0e+00, v1;
	v21 =	vpop (erf)  }
0x114: {  	v21 =	vadd.f32 $1.000000000e+00, v21  }
0x115: {  	v1 =	vmul.f32 $1.442695020e+00, v1  }
0x116: {  	(erf) = vrcp.f32 v21  }
0x117: {  	(erf) = vpow2.f32 v1;
	_ =	sdelay $0x7  }
0x118: {  	v21 =	vpop (erf)  }
0x119: {  	v17 =	vmov v7;
	v7 =	vpop (erf)  }
0x11a: {  	v7 =	vadd.f32 $1.000000000e+00, v7;
	_ =	sdelay $0x1  }
0x11b: {  	(erf) = vrcp.f32 v7;
	v7 =	vld [tilespmem:$0x1FF10];
	_ =	sdelay $0x1  }
0x11c: {  	v1 =	vld [tilespmem:$0x18760];
	_ =	sdelay $0x2  }
0x11d: {  	[tilespmem:$0x18590] =	vst v7;
	v7 =	vld [tilespmem:$0x1FF20];
	_ =	sdelay $0x1  }
0x11e: {  	v1 =	vsub.f32 $0.0e+00, v1;
	_ =	sdelay $0x1  }
0x11f: {  	v1 =	vmul.f32 $1.442695020e+00, v1  }
0x120: {  	[tilespmem:$0x185A0] =	vst v7;
	v7 =	vld [tilespmem:$0x1FF30]  }
0x121: {  	(erf) = vpow2.f32 v1;
	v1 =	vld [tilespmem:$0x1FF00];
	_ =	sdelay $0x3  }
0x122: {  	[tilespmem:$0x185B0] =	vst v7;
	v7 =	vld [tilespmem:$0x1FF40]  }
0x123: {  	[tilespmem:$0x18580] =	vst v1;
	v1 =	vld [tilespmem:$0x18770];
	_ =	sdelay $0x3  }
0x124: {  	[tilespmem:$0x185C0] =	vst v7;
	v7 =	vpop (erf)  }
0x125: {  	[tilespmem:$0x185D0] =	vst v52;
	v1 =	vsub.f32 $0.0e+00, v1;
	v52 =	vpop (erf)  }
0x126: {  	v52 =	vadd.f32 $1.000000000e+00, v52  }
0x127: {  	v1 =	vmul.f32 $1.442695020e+00, v1  }
0x128: {  	(erf) = vrcp.f32 v52  }
0x129: {  	(erf) = vpow2.f32 v1;
	v1 =	vld [tilespmem:$0x1FF90]  }
0x12a: {  	v61 =	vld [tilespmem:$0x1FF50];
	_ =	sdelay $0x3  }
0x12b: {  	[tilespmem:$0x18620] =	vst v1;
	v1 =	vld [tilespmem:$0x1FFA0]  }
0x12c: {  	[tilespmem:$0x185E0] =	vst v61;
	v61 =	vld [tilespmem:$0x1FF60];
	_ =	sdelay $0x3  }
0x12d: {  	[tilespmem:$0x18630] =	vst v1;
	v1 =	vld [tilespmem:$0x1FFB0]  }
0x12e: {  	[tilespmem:$0x185F0] =	vst v61;
	v61 =	vld [tilespmem:$0x1FF70];
	_ =	sdelay $0x3  }
0x12f: {  	[tilespmem:$0x18640] =	vst v1;
	v1 =	vld [tilespmem:$0x1FFC0]  }
0x130: {  	[tilespmem:$0x18600] =	vst v61;
	v61 =	vld [tilespmem:$0x1FF80];
	_ =	sdelay $0x3  }
0x131: {  	[tilespmem:$0x18650] =	vst v1;
	v1 =	vld [tilespmem:$0x1FFD0]  }
0x132: {  	[tilespmem:$0x18610] =	vst v61  }
0x133: {  	[tilespmem:$0x18670] =	vst v60  }
0x134: {  	[tilespmem:$0x18680] =	vst v62  }
0x135: {  	[tilespmem:$0x18690] =	vst v63  }
0x136: {  	[tilespmem:$0x18660] =	vst v1;
	v1 =	vpop (erf)  }
0x137: {  	[tilespmem:$0x186A0] =	vst v16;
	v16 =	vpop (erf)  }
0x138: {  	[tilespmem:$0x186B0] =	vst v57;
	v16 =	vadd.f32 $1.000000000e+00, v16  }
0x139: {  	[tilespmem:$0x186C0] =	vst v56  }
0x13a: {  	[tilespmem:$0x186D0] =	vst v2;
	(erf) = vrcp.f32 v16  }
0x13b: {  	[tilespmem:$0x186E0] =	vst v53  }
0x13c: {  	[tilespmem:$0x186F0] =	vst v3  }
0x13d: {  	[tilespmem:$0x18700] =	vst v4  }
0x13e: {  	[tilespmem:$0x18710] =	vst v5  }
0x13f: {  	[tilespmem:$0x18720] =	vst v20  }
0x140: {  	[tilespmem:$0x18730] =	vst v6  }
0x141: {  	[tilespmem:$0x18740] =	vst v21  }
0x142: {  	s3 =	sadd.s32 $0x1, s3;
	[tilespmem:$0x18750] =	vst v7  }
0x143: {  	p0 =	sne.s32 s3, s9;
	[tilespmem:$0x18760] =	vst v1;
	v1 =	vpop (erf)  }
.Ltmp1:
0x144: {  	[tilespmem:$0x18770] =	vst v1;
	(pc) =	sbr.rel @!p0 .LBB2_5-.Ltmp1, $4  }
0x145: {  	v16 =	vld [tilespmem:$0x1FFE0];
	[hbm4b:s8+s4] =	stream.linear.scatter [tilespmem:s29], [sflag:$0x4], $0x200, $0x38  }
0x146: {  	v2 =	vmov v55;
	v1 =	vld [tilespmem:$0x1FFF0];
	_ =	swait.ge [sflag:s11], $0x200  }
0x147: {  	v3 =	vmovc v51;
	v4 =	vmovc v50;
	v5 =	vmov v19;
	v19 =	vmov v54;
	v20 =	vmov v49;
	[sflag:s11] =	ssyncset.done $0x0  }
0x148: {  	v6 =	vmovc v18;
	v18 =	vmovc v58;
	v21 =	vmov v48;
	v7 =	vmov v17;
	v17 =	vmov v59;
	[sflag:s11] =	ssyncadd.s32 $0xFFFFFE00  }
.LBB2_1:
0x149: {  	[tilespmem:s4], [sflag:$0x4] =	stream.linear.gather [hbm4b:s6+s4], $0x200, $0x38;
	[tilespmem:$0x18780] =	vst v63  }
0x14a: {  	_ =	swait.ge [sflag:s11], $0x200  }
0x14b: {  	[sflag:s11] =	ssyncset.done $0x0  }
0x14c: {  	s2 =	simm.s32 $0x280;
	[sflag:s11] =	ssyncadd.s32 $0xFFFFFE00  }
0x14d: {  	[tilespmem:s2], [sflag:$0x4] =	stream.linear.gather [hbm4b:s7+s4], $0x200, $0x38;
	[tilespmem:$0x18780] =	vst v63  }
0x14e: {  	_ =	swait.ge [sflag:s11], $0x200  }
0x14f: {  	[sflag:s11] =	ssyncset.done $0x0  }
0x150: {  	[sflag:s11] =	ssyncadd.s32 $0xFFFFFE00  }
0x151: {  	s5 =	simm.s32 $0x18500;
	s21 =	rddreg [dreg:$0x4]  }
0x152: {  	[tilespmem:s5], [sflag:$0x4] =	stream.linear.gather [hbm4b:s21+s4], $0x80, $0x38;
	[tilespmem:$0x18780] =	vst v63  }
0x153: {  	_ =	swait.ge [sflag:s11], $0x80  }
0x154: {  	[sflag:s11] =	ssyncset.done $0x0  }
0x155: {  	[sflag:s11] =	ssyncadd.s32 $0xFFFFFF80  }
0x156: {  	v48 =	vld [tilespmem:$0x0];
	_ =	sdelay $0x1  }
0x157: {  	v49 =	vld [tilespmem:$0x280];
	_ =	sdelay $0x2  }
0x158: {  	(v2sf) =	vpush v48, $0x0;
	_ =	sdelay $0x1  }
0x159: {  	(v2sf) =	vpush v49, $0x0;
	_ =	sdelay $0x2  }
0x15a: {  	(v2sf) =	vpush v48, $0x1;
	_ =	sdelay $0x2  }
0x15b: {  	(v2sf) =	vpush v49, $0x1;
	_ =	sdelay $0x6  }
0x15c: {  	v53 =	vld [tilespmem:$0x18500];
	s5 =	spop (v2sf)  }
0x15d: {  	v52 =	vld [tilespmem:$0x18510];
	s2 =	sand.u32 $0xFFFFF80, s5  }
0x15e: {  	v51 =	vld [tilespmem:$0x18520];
	s10 =	spop (v2sf);
	s2 =	sadd.s32 s0, s2  }
0x15f: {  	v50 =	vld [tilespmem:$0x18530];
	[tilespmem:s15], [sflag:$0x1] =	stream.strided.gather [hbm4b:s2+s14], $0x2000, s13, s14, $0x38  }
0x160: {  	s2 =	sand.u32 $0xFFFFF80, s10  }
0x161: {  	s12 =	spop (v2sf);
	s2 =	sadd.s32 s1, s2  }
0x162: {  	[tilespmem:s16], [sflag:$0x1] =	stream.strided.gather [hbm4b:s2+s14], $0x2000, s13, s14, $0x38;
	[tilespmem:$0x18780] =	vst v63  }
0x163: {  	s2 =	sand.u32 $0xFFFFF80, s12  }
0x164: {  	s19 =	spop (v2sf);
	s2 =	sadd.s32 s0, s2  }
0x165: {  	[tilespmem:s17], [sflag:$0x1] =	stream.strided.gather [hbm4b:s2+s14], $0x2000, s13, s14, $0x38;
	[tilespmem:$0x18780] =	vst v63  }
0x166: {  	s2 =	sand.u32 $0xFFFFF80, s19  }
0x167: {  	s2 =	sadd.s32 s1, s2  }
0x168: {  	[tilespmem:s18], [sflag:$0x1] =	stream.strided.gather [hbm4b:s2+s14], $0x2000, s13, s14, $0x38;
	[tilespmem:$0x18780] =	vst v63  }
0x169: {  	v60 =	vld [tilespmem:$0x2];
	_ =	sdelay $0x1  }
0x16a: {  	v61 =	vld [tilespmem:$0x282];
	_ =	sdelay $0x2  }
0x16b: {  	(v2sf) =	vpush v60, $0x0;
	_ =	sdelay $0x1  }
0x16c: {  	(v2sf) =	vpush v61, $0x0;
	_ =	sdelay $0x2  }
0x16d: {  	(v2sf) =	vpush v60, $0x1;
	_ =	sdelay $0x2  }
0x16e: {  	(v2sf) =	vpush v61, $0x1;
	_ =	sdelay $0x6  }
0x16f: {  	s20 =	spop (v2sf)  }
0x170: {  	s2 =	sand.u32 $0xFFFFF80, s20  }
0x171: {  	s21 =	simm.s32 $0x8500;
	s10 =	spop (v2sf);
	s2 =	sadd.s32 s0, s2  }
0x172: {  	[tilespmem:s21], [sflag:$0x2] =	stream.strided.gather [hbm4b:s2+s14], $0x2000, s13, s14, $0x38;
	[tilespmem:$0x18780] =	vst v63  }
0x173: {  	s2 =	sand.u32 $0xFFFFF80, s10  }
0x174: {  	s12 =	simm.s32 $0xC500;
	s19 =	spop (v2sf);
	s2 =	sadd.s32 s1, s2  }
0x175: {  	[tilespmem:s12], [sflag:$0x2] =	stream.strided.gather [hbm4b:s2+s14], $0x2000, s13, s14, $0x38;
	[tilespmem:$0x18780] =	vst v63  }
0x176: {  	s2 =	sand.u32 $0xFFFFF80, s19  }
0x177: {  	s20 =	simm.s32 $0xA500;
	s21 =	spop (v2sf);
	s2 =	sadd.s32 s0, s2  }
0x178: {  	[tilespmem:s20], [sflag:$0x2] =	stream.strided.gather [hbm4b:s2+s14], $0x2000, s13, s14, $0x38;
	[tilespmem:$0x18780] =	vst v63  }
0x179: {  	s2 =	sand.u32 $0xFFFFF80, s21  }
0x17a: {  	s2 =	sadd.s32 s1, s2  }
0x17b: {  	[tilespmem:s22], [sflag:$0x2] =	stream.strided.gather [hbm4b:s2+s14], $0x2000, s13, s14, $0x38;
	[tilespmem:$0x18780] =	vst v63  }
0x17c: {  	v62 =	vld [tilespmem:$0x4]  }
0x17d: {  	v63 =	vld [tilespmem:$0x284];
	_ =	sdelay $0x3  }
0x17e: {  	(v2sf) =	vpush v62, $0x0  }
0x17f: {  	(v2sf) =	vpush v63, $0x0  }
0x180: {  	(v2sf) =	vpush v62, $0x1;
	_ =	sdelay $0x3  }
0x181: {  	(v2sf) =	vpush v63, $0x1;
	_ =	sdelay $0x8  }
0x182: {  	s5 =	spop (v2sf)  }
0x183: {  	s2 =	sand.u32 $0xFFFFF80, s5;
	s10 =	spop (v2sf)  }
0x184: {  	s2 =	sadd.s32 s0, s2;
	s12 =	sand.u32 $0xFFFFF80, s10;
	s19 =	spop (v2sf)  }
0x185: {  	[tilespmem:s23], [sflag:$0x3] =	stream.strided.gather [hbm4b:s2+s14], $0x2000, s13, s14, $0x38;
	[tilespmem:$0x18780] =	vst v63  }
0x186: {  	s2 =	sadd.s32 s1, s12;
	s20 =	sand.u32 $0xFFFFF80, s19  }
0x187: {  	[tilespmem:s24], [sflag:$0x3] =	stream.strided.gather [hbm4b:s2+s14], $0x2000, s13, s14, $0x38;
	[tilespmem:$0x18780] =	vst v63  }
0x188: {  	s21 =	spop (v2sf);
	s2 =	sadd.s32 s0, s20  }
0x189: {  	[tilespmem:s25], [sflag:$0x3] =	stream.strided.gather [hbm4b:s2+s14], $0x2000, s13, s14, $0x38;
	[tilespmem:$0x18780] =	vst v63  }
0x18a: {  	s2 =	sand.u32 $0xFFFFF80, s21  }
0x18b: {  	s2 =	sadd.s32 s1, s2  }
0x18c: {  	[tilespmem:s26], [sflag:$0x3] =	stream.strided.gather [hbm4b:s2+s14], $0x2000, s13, s14, $0x38;
	[tilespmem:$0x18780] =	vst v63  }
0x18d: {  	s5 =	simm.s32 $0x5;
	s10 =	simm.s32 $0x286;
	s2 =	simm.s32 $0x6  }
.LBB2_2:
0x18e: {  	_ =	swait.ge [sflag:s28], $0x8000  }
0x18f: {  	[sflag:s28] =	ssyncset.done $0x0  }
0x190: {  	[sflag:s28] =	ssyncadd.s32 $0xFFFF8000  }
0x191: {  	v48 =	vld [tilespmem:s2+$0xFFFFFFFA]  }
0x192: {  	v49 =	vld [tilespmem:s10+$0xFFFFFFFA];
	_ =	sdelay $0x3  }
0x193: {  	(v2sf) =	vpush v48, $0x0  }
0x194: {  	(v2sf) =	vpush v49, $0x0;
	_ =	sdelay $0xd  }
0x195: {  	s12 =	spop (v2sf)  }
0x196: {  	s12 =	sand.u32 $0x7F, s12;
	s19 =	spop (v2sf)  }
0x197: {  	s19 =	sand.u32 $0x7F, s19;
	v54 =	vor.u32 s12, v0  }
0x198: {  	v55 =	vor.u32 s19, v1;
	_ =	sdelay $0x1  }
0x199: {  	v56 =	vor.u32 s12, v2  }
0x19a: {  	v57 =	vor.u32 s19, v3  }
0x19b: {  	v58 =	vor.u32 s12, v4;
	v54 =	vld.idx.msk [tilespmem:v54+s15+$0x0], $0xffff  }
0x19c: {  	v59 =	vor.u32 s19, v5;
	v55 =	vld.idx.msk [tilespmem:v55+s15+$0x0], $0xffff  }
0x19d: {  	v60 =	vor.u32 s12, v6  }
0x19e: {  	v61 =	vor.u32 s19, v7;
	v56 =	vld.idx.msk [tilespmem:v56+s15+$0x0], $0xffff  }
0x19f: {  	v57 =	vld.idx.msk [tilespmem:v57+s15+$0x0], $0xffff  }
0x1a0: {  	v58 =	vld.idx.msk [tilespmem:v58+s15+$0x0], $0xffff  }
0x1a1: {  	v54 =	vmul.f32 v55, v54;
	v55 =	vld.idx.msk [tilespmem:v59+s15+$0x0], $0xffff  }
0x1a2: {  	v59 =	vld.idx.msk [tilespmem:v60+s15+$0x0], $0xffff  }
0x1a3: {  	v60 =	vld.idx.msk [tilespmem:v61+s15+$0x0], $0xffff  }
0x1a4: {  	v56 =	vmul.f32 v57, v56;
	v54 =	vmul.f32 v54, v53  }
0x1a5: {  	(v2sf) =	vpush v48, $0x1  }
0x1a6: {  	v56 =	vmul.f32 v56, v52;
	v54 =	vadd.f32 $0.0e+00, v54;
	v55 =	vmul.f32 v55, v58  }
0x1a7: {  	(v2sf) =	vpush v49, $0x1  }
0x1a8: {  	v60 =	vmul.f32 v60, v59;
	v57 =	vadd.f32 v56, v54;
	v58 =	vmul.f32 v55, v51;
	_ =	sdelay $0x1  }
0x1a9: {  	v61 =	vmul.f32 v60, v50;
	v48 =	vadd.f32 v58, v57;
	_ =	sdelay $0x1  }
0x1aa: {  	v48 =	vadd.f32 v61, v48;
	_ =	sdelay $0x1  }
0x1ab: {  	(xrf2) =	vadd.scan.msk.f32 $0xffff, v48;
	_ =	sdelay $0x3  }
0x1ac: {  	s21 =	sadd.s32 $0xFFFFFFFB, s5  }
0x1ad: {  	v62 =	vmov s21  }
0x1ae: {  	v48 =	vand.u32 $0xFFFFFFFE, v62  }
0x1af: {  	s19 =	spop (v2sf);
	v48 =	vbroadcast v48, $0x0  }
0x1b0: {  	s12 =	sand.u32 $0x7F, s19;
	s20 =	spop (v2sf)  }
0x1b1: {  	s19 =	sand.u32 $0x7F, s20;
	v63 =	vor.u32 s12, v8  }
0x1b2: {  	v60 =	vor.u32 s19, v9;
	v59, _, _ =	vpop (xrf2)  }
0x1b3: {  	v61 =	vor.u32 s12, v10;
	v54 =	vbroadcast v59, $0xF  }
0x1b4: {  	v57 =	vor.u32 s19, v11  }
0x1b5: {  	v62 =	vor.u32 s12, v12;
	[tilespmem:v48+s29+$0x0] =	vst.idx.msk $0x1, v54  }
0x1b6: {  	v49 =	vld.idx.msk [tilespmem:v63+s15+$0x0], $0xffff;
	v63 =	vor.u32 s19, v13  }
0x1b7: {  	v55 =	vld.idx.msk [tilespmem:v60+s15+$0x0], $0xffff;
	v60 =	vor.u32 s12, v14  }
0x1b8: {  	v56 =	vld.idx.msk [tilespmem:v61+s15+$0x0], $0xffff;
	v61 =	vor.u32 s19, v15  }
0x1b9: {  	v57 =	vld.idx.msk [tilespmem:v57+s15+$0x0], $0xffff  }
0x1ba: {  	v48 =	vld.idx.msk [tilespmem:v62+s15+$0x0], $0xffff  }
0x1bb: {  	v54 =	vld.idx.msk [tilespmem:v63+s15+$0x0], $0xffff  }
0x1bc: {  	v49 =	vmul.f32 v55, v49;
	v62 =	vld.idx.msk [tilespmem:v60+s15+$0x0], $0xffff  }
0x1bd: {  	v63 =	vld.idx.msk [tilespmem:v61+s15+$0x0], $0xffff  }
0x1be: {  	v56 =	vmul.f32 v57, v56;
	v49 =	vmul.f32 v49, v53;
	_ =	sdelay $0x1  }
0x1bf: {  	v56 =	vmul.f32 v56, v52;
	v49 =	vadd.f32 $0.0e+00, v49;
	v48 =	vmul.f32 v54, v48;
	_ =	sdelay $0x1  }
0x1c0: {  	v58 =	vmul.f32 v63, v62;
	v49 =	vadd.f32 v56, v49;
	v48 =	vmul.f32 v48, v51;
	_ =	sdelay $0x1  }
0x1c1: {  	v59 =	vmul.f32 v58, v50;
	v48 =	vadd.f32 v48, v49;
	_ =	sdelay $0x1  }
0x1c2: {  	v48 =	vadd.f32 v59, v48;
	_ =	sdelay $0x1  }
0x1c3: {  	(xrf2) =	vadd.scan.msk.f32 $0xffff, v48;
	_ =	sdelay $0x6  }
0x1c4: {  	s21 =	sadd.s32 $0xFFFFFFFC, s5  }
0x1c5: {  	v60 =	vmov s21;
	_ =	sdelay $0x1  }
0x1c6: {  	v61, _, _ =	vpop (xrf2)  }
0x1c7: {  	v49 =	vbroadcast v61, $0xF;
	_ =	sdelay $0x1  }
0x1c8: {  	[tilespmem:v60+s29+$0x0] =	vst.idx.msk $0x1, v49  }
0x1c9: {  	v48 =	vld [tilespmem:s2+$0x0];
	_ =	sdelay $0x1  }
0x1ca: {  	v49 =	vld [tilespmem:s10+$0x0];
	_ =	sdelay $0x2  }
0x1cb: {  	(v2sf) =	vpush v48, $0x0;
	_ =	sdelay $0x1  }
0x1cc: {  	(v2sf) =	vpush v49, $0x0;
	_ =	sdelay $0x2  }
0x1cd: {  	(v2sf) =	vpush v48, $0x1;
	_ =	sdelay $0x2  }
0x1ce: {  	(v2sf) =	vpush v49, $0x1;
	_ =	sdelay $0x6  }
0x1cf: {  	s19 =	spop (v2sf)  }
0x1d0: {  	s12 =	sand.u32 $0xFFFFF80, s19  }
0x1d1: {  	s20 =	spop (v2sf);
	s12 =	sadd.s32 s0, s12  }
0x1d2: {  	[tilespmem:s15], [sflag:$0x1] =	stream.strided.gather [hbm4b:s12+s14], $0x2000, s13, s14, $0x38;
	[tilespmem:$0x18780] =	vst v63  }
0x1d3: {  	s12 =	sand.u32 $0xFFFFF80, s20  }
0x1d4: {  	s21 =	spop (v2sf);
	s12 =	sadd.s32 s1, s12  }
0x1d5: {  	[tilespmem:s16], [sflag:$0x1] =	stream.strided.gather [hbm4b:s12+s14], $0x2000, s13, s14, $0x38;
	[tilespmem:$0x18780] =	vst v63  }
0x1d6: {  	s12 =	sand.u32 $0xFFFFF80, s21  }
0x1d7: {  	s19 =	spop (v2sf);
	s12 =	sadd.s32 s0, s12  }
0x1d8: {  	[tilespmem:s17], [sflag:$0x1] =	stream.strided.gather [hbm4b:s12+s14], $0x2000, s13, s14, $0x38;
	[tilespmem:$0x18780] =	vst v63  }
0x1d9: {  	s12 =	sand.u32 $0xFFFFF80, s19  }
0x1da: {  	s12 =	sadd.s32 s1, s12  }
0x1db: {  	[tilespmem:s18], [sflag:$0x1] =	stream.strided.gather [hbm4b:s12+s14], $0x2000, s13, s14, $0x38;
	[tilespmem:$0x18780] =	vst v63  }
0x1dc: {  	_ =	swait.ge [sflag:s30], $0x8000  }
0x1dd: {  	[sflag:s30] =	ssyncset.done $0x0  }
0x1de: {  	[sflag:s30] =	ssyncadd.s32 $0xFFFF8000  }
0x1df: {  	v48 =	vld [tilespmem:s2+$0xFFFFFFFC]  }
0x1e0: {  	v49 =	vld [tilespmem:s10+$0xFFFFFFFC];
	_ =	sdelay $0x3  }
0x1e1: {  	(v2sf) =	vpush v48, $0x0  }
0x1e2: {  	(v2sf) =	vpush v49, $0x0;
	_ =	sdelay $0xd  }
0x1e3: {  	s20 =	spop (v2sf)  }
0x1e4: {  	s12 =	sand.u32 $0x7F, s20;
	s21 =	spop (v2sf)  }
0x1e5: {  	s19 =	sand.u32 $0x7F, s21;
	v62 =	vor.u32 s12, v16  }
0x1e6: {  	v63 =	vor.u32 s19, v17;
	_ =	sdelay $0x1  }
0x1e7: {  	v56 =	vor.u32 s12, v18  }
0x1e8: {  	v57 =	vor.u32 s19, v19  }
0x1e9: {  	v58 =	vor.u32 s12, v20;
	v54 =	vld.idx.msk [tilespmem:v62+s15+$0x0], $0xffff  }
0x1ea: {  	v59 =	vor.u32 s19, v21;
	v55 =	vld.idx.msk [tilespmem:v63+s15+$0x0], $0xffff  }
0x1eb: {  	v60 =	vor.u32 s12, v22  }
0x1ec: {  	v61 =	vor.u32 s19, v23;
	v56 =	vld.idx.msk [tilespmem:v56+s15+$0x0], $0xffff  }
0x1ed: {  	v57 =	vld.idx.msk [tilespmem:v57+s15+$0x0], $0xffff  }
0x1ee: {  	v58 =	vld.idx.msk [tilespmem:v58+s15+$0x0], $0xffff  }
0x1ef: {  	v54 =	vmul.f32 v55, v54;
	v55 =	vld.idx.msk [tilespmem:v59+s15+$0x0], $0xffff  }
0x1f0: {  	v59 =	vld.idx.msk [tilespmem:v60+s15+$0x0], $0xffff  }
0x1f1: {  	v60 =	vld.idx.msk [tilespmem:v61+s15+$0x0], $0xffff  }
0x1f2: {  	v56 =	vmul.f32 v57, v56;
	v54 =	vmul.f32 v54, v53  }
0x1f3: {  	(v2sf) =	vpush v48, $0x1  }
0x1f4: {  	v56 =	vmul.f32 v56, v52;
	v54 =	vadd.f32 $0.0e+00, v54;
	v55 =	vmul.f32 v55, v58  }
0x1f5: {  	(v2sf) =	vpush v49, $0x1  }
0x1f6: {  	v60 =	vmul.f32 v60, v59;
	v57 =	vadd.f32 v56, v54;
	v58 =	vmul.f32 v55, v51;
	_ =	sdelay $0x1  }
0x1f7: {  	v61 =	vmul.f32 v60, v50;
	v48 =	vadd.f32 v58, v57;
	_ =	sdelay $0x1  }
0x1f8: {  	v48 =	vadd.f32 v61, v48;
	_ =	sdelay $0x1  }
0x1f9: {  	(xrf2) =	vadd.scan.msk.f32 $0xffff, v48;
	_ =	sdelay $0x3  }
0x1fa: {  	s19 =	sadd.s32 $0xFFFFFFFD, s5  }
0x1fb: {  	v62 =	vmov s19  }
0x1fc: {  	v48 =	vand.u32 $0xFFFFFFFE, v62  }
0x1fd: {  	s20 =	spop (v2sf);
	v48 =	vbroadcast v48, $0x0  }
0x1fe: {  	s12 =	sand.u32 $0x7F, s20;
	s21 =	spop (v2sf)  }
0x1ff: {  	s19 =	sand.u32 $0x7F, s21;
	v63 =	vor.u32 s12, v24  }
0x200: {  	v60 =	vor.u32 s19, v25;
	v59, _, _ =	vpop (xrf2)  }
0x201: {  	v61 =	vor.u32 s12, v26;
	v54 =	vbroadcast v59, $0xF  }
0x202: {  	v57 =	vor.u32 s19, v27  }
0x203: {  	v62 =	vor.u32 s12, v28;
	[tilespmem:v48+s29+$0x0] =	vst.idx.msk $0x1, v54  }
0x204: {  	v49 =	vld.idx.msk [tilespmem:v63+s15+$0x0], $0xffff;
	v63 =	vor.u32 s19, v29  }
0x205: {  	v55 =	vld.idx.msk [tilespmem:v60+s15+$0x0], $0xffff;
	v60 =	vor.u32 s12, v30  }
0x206: {  	v56 =	vld.idx.msk [tilespmem:v61+s15+$0x0], $0xffff;
	v61 =	vor.u32 s19, v31  }
0x207: {  	v57 =	vld.idx.msk [tilespmem:v57+s15+$0x0], $0xffff  }
0x208: {  	v48 =	vld.idx.msk [tilespmem:v62+s15+$0x0], $0xffff  }
0x209: {  	v54 =	vld.idx.msk [tilespmem:v63+s15+$0x0], $0xffff  }
0x20a: {  	v49 =	vmul.f32 v55, v49;
	v62 =	vld.idx.msk [tilespmem:v60+s15+$0x0], $0xffff  }
0x20b: {  	v63 =	vld.idx.msk [tilespmem:v61+s15+$0x0], $0xffff  }
0x20c: {  	v56 =	vmul.f32 v57, v56;
	v49 =	vmul.f32 v49, v53;
	_ =	sdelay $0x1  }
0x20d: {  	v56 =	vmul.f32 v56, v52;
	v49 =	vadd.f32 $0.0e+00, v49;
	v48 =	vmul.f32 v54, v48;
	_ =	sdelay $0x1  }
0x20e: {  	v58 =	vmul.f32 v63, v62;
	v49 =	vadd.f32 v56, v49;
	v48 =	vmul.f32 v48, v51;
	_ =	sdelay $0x1  }
0x20f: {  	v59 =	vmul.f32 v58, v50;
	v48 =	vadd.f32 v48, v49;
	_ =	sdelay $0x1  }
0x210: {  	v48 =	vadd.f32 v59, v48;
	_ =	sdelay $0x1  }
0x211: {  	(xrf2) =	vadd.scan.msk.f32 $0xffff, v48;
	_ =	sdelay $0x6  }
0x212: {  	s19 =	sadd.s32 $0xFFFFFFFE, s5  }
0x213: {  	v60 =	vmov s19;
	_ =	sdelay $0x1  }
0x214: {  	v61, _, _ =	vpop (xrf2)  }
0x215: {  	v49 =	vbroadcast v61, $0xF;
	_ =	sdelay $0x1  }
0x216: {  	p0 =	seq.s32 s5, $0x1FD;
	[tilespmem:v60+s29+$0x0] =	vst.idx.msk $0x1, v49  }
0x217: {  	v48 =	vld @!p0 [tilespmem:s2+$0x2];
	_ =	sdelay $0x3  }
0x218: {  	v49 =	vld @!p0 [tilespmem:s10+$0x2]  }
0x219: {  	(v2sf) =	vpush @!p0 v48, $0x0;
	_ =	sdelay $0x3  }
0x21a: {  	(v2sf) =	vpush @!p0 v49, $0x0;
	_ =	sdelay $0x3  }
0x21b: {  	(v2sf) =	vpush @!p0 v48, $0x1;
	_ =	sdelay $0x3  }
0x21c: {  	(v2sf) =	vpush @!p0 v49, $0x1;
	_ =	sdelay $0x2  }
0x21d: {  	s12 =	spop @!p0 (v2sf)  }
0x21e: {  	s20 =	simm.s32 @!p0 $0x7A1400;
	s12 =	sand.u32 @!p0 $0xFFFFF80, s12  }
0x21f: {  	s21 =	simm.s32 @!p0 $0x8500;
	s19 =	simm.s32 @!p0 $0x400;
	s12 =	sadd.s32 @!p0 s0, s12  }
0x220: {  	[tilespmem:s21], [sflag:$0x2] =	stream.strided.gather @!p0 [hbm4b:s12+s19], $0x2000, s20, s19, $0x38;
	[tilespmem:$0x18780] =	vst v63  }
0x221: {  	s12 =	spop @!p0 (v2sf)  }
0x222: {  	s12 =	sand.u32 @!p0 $0xFFFFF80, s12  }
0x223: {  	s21 =	simm.s32 @!p0 $0xC500;
	s12 =	sadd.s32 @!p0 s1, s12  }
0x224: {  	[tilespmem:s21], [sflag:$0x2] =	stream.strided.gather @!p0 [hbm4b:s12+s19], $0x2000, s20, s19, $0x38;
	[tilespmem:$0x18780] =	vst v63  }
0x225: {  	s12 =	spop @!p0 (v2sf)  }
0x226: {  	s12 =	sand.u32 @!p0 $0xFFFFF80, s12  }
0x227: {  	s21 =	simm.s32 @!p0 $0xA500;
	s12 =	sadd.s32 @!p0 s0, s12  }
0x228: {  	[tilespmem:s21], [sflag:$0x2] =	stream.strided.gather @!p0 [hbm4b:s12+s19], $0x2000, s20, s19, $0x38;
	[tilespmem:$0x18780] =	vst v63  }
0x229: {  	s12 =	spop @!p0 (v2sf)  }
0x22a: {  	s12 =	sand.u32 @!p0 $0xFFFFF80, s12  }
0x22b: {  	s21 =	simm.s32 @!p0 $0xE500;
	s12 =	sadd.s32 @!p0 s1, s12  }
0x22c: {  	[tilespmem:s21], [sflag:$0x2] =	stream.strided.gather @!p0 [hbm4b:s12+s19], $0x2000, s20, s19, $0x38;
	[tilespmem:$0x18780] =	vst v63  }
0x22d: {  	_ =	swait.ge [sflag:s31], $0x8000  }
0x22e: {  	[sflag:s31] =	ssyncset.done $0x0  }
0x22f: {  	[sflag:s31] =	ssyncadd.s32 $0xFFFF8000  }
0x230: {  	v48 =	vld [tilespmem:s2+$0xFFFFFFFE]  }
0x231: {  	v49 =	vld [tilespmem:s10+$0xFFFFFFFE];
	_ =	sdelay $0x3  }
0x232: {  	(v2sf) =	vpush v48, $0x0  }
0x233: {  	(v2sf) =	vpush v49, $0x0;
	_ =	sdelay $0xd  }
0x234: {  	s20 =	spop (v2sf)  }
0x235: {  	s12 =	sand.u32 $0x7F, s20;
	s21 =	spop (v2sf)  }
0x236: {  	s19 =	sand.u32 $0x7F, s21;
	v62 =	vor.u32 s12, v32  }
0x237: {  	v63 =	vor.u32 s19, v33;
	_ =	sdelay $0x1  }
0x238: {  	v56 =	vor.u32 s12, v34  }
0x239: {  	v57 =	vor.u32 s19, v35  }
0x23a: {  	v58 =	vor.u32 s12, v36;
	v54 =	vld.idx.msk [tilespmem:v62+s15+$0x0], $0xffff  }
0x23b: {  	v59 =	vor.u32 s19, v37;
	v55 =	vld.idx.msk [tilespmem:v63+s15+$0x0], $0xffff  }
0x23c: {  	v60 =	vor.u32 s12, v38  }
0x23d: {  	v61 =	vor.u32 s19, v39;
	v56 =	vld.idx.msk [tilespmem:v56+s15+$0x0], $0xffff  }
0x23e: {  	v57 =	vld.idx.msk [tilespmem:v57+s15+$0x0], $0xffff  }
0x23f: {  	v58 =	vld.idx.msk [tilespmem:v58+s15+$0x0], $0xffff  }
0x240: {  	v54 =	vmul.f32 v55, v54;
	v55 =	vld.idx.msk [tilespmem:v59+s15+$0x0], $0xffff  }
0x241: {  	v59 =	vld.idx.msk [tilespmem:v60+s15+$0x0], $0xffff  }
0x242: {  	v60 =	vld.idx.msk [tilespmem:v61+s15+$0x0], $0xffff  }
0x243: {  	v56 =	vmul.f32 v57, v56;
	v54 =	vmul.f32 v54, v53  }
0x244: {  	(v2sf) =	vpush v48, $0x1  }
0x245: {  	v56 =	vmul.f32 v56, v52;
	v54 =	vadd.f32 $0.0e+00, v54;
	v55 =	vmul.f32 v55, v58  }
0x246: {  	(v2sf) =	vpush v49, $0x1  }
0x247: {  	v60 =	vmul.f32 v60, v59;
	v57 =	vadd.f32 v56, v54;
	v58 =	vmul.f32 v55, v51;
	_ =	sdelay $0x1  }
0x248: {  	v61 =	vmul.f32 v60, v50;
	v48 =	vadd.f32 v58, v57;
	_ =	sdelay $0x1  }
0x249: {  	v48 =	vadd.f32 v61, v48;
	_ =	sdelay $0x1  }
0x24a: {  	(xrf2) =	vadd.scan.msk.f32 $0xffff, v48;
	_ =	sdelay $0x3  }
0x24b: {  	s19 =	sadd.s32 $0xFFFFFFFF, s5  }
0x24c: {  	v62 =	vmov s19  }
0x24d: {  	v48 =	vand.u32 $0xFFFFFFFE, v62  }
0x24e: {  	s20 =	spop (v2sf);
	v48 =	vbroadcast v48, $0x0  }
0x24f: {  	s12 =	sand.u32 $0x7F, s20;
	s21 =	spop (v2sf)  }
0x250: {  	s19 =	sand.u32 $0x7F, s21;
	v63 =	vor.u32 s12, v40  }
0x251: {  	v60 =	vor.u32 s19, v41;
	v59, _, _ =	vpop (xrf2)  }
0x252: {  	v61 =	vor.u32 s12, v42;
	v54 =	vbroadcast v59, $0xF  }
0x253: {  	v57 =	vor.u32 s19, v43  }
0x254: {  	v62 =	vor.u32 s12, v44;
	[tilespmem:v48+s29+$0x0] =	vst.idx.msk $0x1, v54  }
0x255: {  	v49 =	vld.idx.msk [tilespmem:v63+s15+$0x0], $0xffff;
	v63 =	vor.u32 s19, v45  }
0x256: {  	v55 =	vld.idx.msk [tilespmem:v60+s15+$0x0], $0xffff;
	v60 =	vor.u32 s12, v46  }
0x257: {  	v56 =	vld.idx.msk [tilespmem:v61+s15+$0x0], $0xffff;
	v61 =	vor.u32 s19, v47  }
0x258: {  	v57 =	vld.idx.msk [tilespmem:v57+s15+$0x0], $0xffff  }
0x259: {  	v48 =	vld.idx.msk [tilespmem:v62+s15+$0x0], $0xffff  }
0x25a: {  	v54 =	vld.idx.msk [tilespmem:v63+s15+$0x0], $0xffff  }
0x25b: {  	v49 =	vmul.f32 v55, v49;
	v62 =	vld.idx.msk [tilespmem:v60+s15+$0x0], $0xffff  }
0x25c: {  	v63 =	vld.idx.msk [tilespmem:v61+s15+$0x0], $0xffff  }
0x25d: {  	v56 =	vmul.f32 v57, v56;
	v49 =	vmul.f32 v49, v53;
	_ =	sdelay $0x1  }
0x25e: {  	v59 =	vmul.f32 v56, v52;
	v49 =	vadd.f32 $0.0e+00, v49;
	v48 =	vmul.f32 v54, v48;
	_ =	sdelay $0x1  }
0x25f: {  	v60 =	vmul.f32 v63, v62;
	v49 =	vadd.f32 v59, v49;
	v48 =	vmul.f32 v48, v51;
	_ =	sdelay $0x1  }
0x260: {  	v61 =	vmul.f32 v60, v50;
	v48 =	vadd.f32 v48, v49;
	_ =	sdelay $0x1  }
0x261: {  	v48 =	vadd.f32 v61, v48;
	_ =	sdelay $0x1  }
0x262: {  	(xrf2) =	vadd.scan.msk.f32 $0xffff, v48;
	_ =	sdelay $0x7  }
0x263: {  	v62 =	vmov s5  }
.Ltmp2:
0x264: {  	_ = 	snop;
	(pc) =	sbr.rel @p0 .LBB2_4-.Ltmp2, $3  }
0x265: {  	v63, _, _ =	vpop (xrf2)  }
0x266: {  	v49 =	vbroadcast v63, $0xF;
	_ =	sdelay $0x1  }
0x267: {  	[tilespmem:v62+s29+$0x0] =	vst.idx.msk $0x1, v49  }
0x268: {  	v48 =	vld [tilespmem:s2+$0x4];
	_ =	sdelay $0x1  }
0x269: {  	v49 =	vld [tilespmem:s10+$0x4];
	_ =	sdelay $0x2  }
0x26a: {  	(v2sf) =	vpush v48, $0x0;
	_ =	sdelay $0x1  }
0x26b: {  	(v2sf) =	vpush v49, $0x0;
	_ =	sdelay $0x2  }
0x26c: {  	(v2sf) =	vpush v48, $0x1;
	_ =	sdelay $0x2  }
0x26d: {  	(v2sf) =	vpush v49, $0x1;
	_ =	sdelay $0x6  }
0x26e: {  	s12 =	spop (v2sf)  }
0x26f: {  	s12 =	sand.u32 $0xFFFFF80, s12  }
0x270: {  	s19 =	spop (v2sf);
	s12 =	sadd.s32 s0, s12  }
0x271: {  	[tilespmem:s23], [sflag:$0x3] =	stream.strided.gather [hbm4b:s12+s14], $0x2000, s13, s14, $0x38;
	[tilespmem:$0x18780] =	vst v63  }
0x272: {  	s12 =	sand.u32 $0xFFFFF80, s19  }
0x273: {  	s20 =	spop (v2sf);
	s12 =	sadd.s32 s1, s12  }
0x274: {  	[tilespmem:s24], [sflag:$0x3] =	stream.strided.gather [hbm4b:s12+s14], $0x2000, s13, s14, $0x38;
	[tilespmem:$0x18780] =	vst v63  }
0x275: {  	s12 =	sand.u32 $0xFFFFF80, s20  }
.Ltmp3:
0x276: {  	s21 =	spop (v2sf);
	s12 =	sadd.s32 s0, s12;
	(pc) =	sbr.rel .LBB2_2-.Ltmp3, $4  }
0x277: {  	[tilespmem:s25], [sflag:$0x3] =	stream.strided.gather [hbm4b:s12+s14], $0x2000, s13, s14, $0x38;
	[tilespmem:$0x18780] =	vst v63  }
0x278: {  	s5 =	sadd.s32 $0x6, s5;
	s12 =	sand.u32 $0xFFFFF80, s21  }
0x279: {  	s2 =	sadd.s32 $0x6, s2;
	s10 =	sadd.s32 $0x6, s10;
	s12 =	sadd.s32 s1, s12  }
0x27a: {  	[tilespmem:s26], [sflag:$0x3] =	stream.strided.gather [hbm4b:s12+s14], $0x2000, s13, s14, $0x38;
	[tilespmem:$0x18780] =	vst v63  }
.LBB2_5:
0x27b: {  	_ =	sfence.sel $0x180000  }
0x27c: {  	[bflag:$0x0] =	sbarrier.arrive $0xFFFF  }
0x27d: {  	_ =	strace $0x90000047  }
0x27e: {  	s0 =	stileid.u32;
	[bflag:$0x2] =	sbarrier.arrive $0xFFFF  }
0x27f: {  	p0 =	sne.s32 s0, $0x0;
	s0 =	rddreg [dreg:$0x6]  }
0x280: {  	s0 =	sadd.s32 @!p0 $0x100000, s0  }
0x281: {  	[sflag:s0] =	ssyncadd.tile.s32 @!p0 $0x1;
	_ =	shalt  }
.Lfunc_end2:
_tile_overlayer_lowered:
.L_overlay_start_2:
0x282: {  	(tag) =	ssettag $0x2  }
0x283: {  	s0 =	rddreg [dreg:$0x0];
	s2 =	stileid.u32  }
0x284: {  	s1 =	rddreg [dreg:$0x1];
	p0 =	sne.s32 s2, $0x0  }
0x285: {  	s3 =	rddreg [dreg:$0x2];
	[bflag:$0x3] =	sbarrier.arrive $0xFFFF;
	s2 =	simm.s32 @!p0 $0x1C04  }
0x286: {  	[timem:s3], [sflag:s2] =	dma.local @!p0 [hbm:s0], s1  }
0x287: {  	s0 =	simm.s32 @!p0 $0x4  }
0x288: {  	_ =	swait.ge @!p0 [sflag:s0], s1  }
0x289: {  	s1 =	ssub.s32 @!p0 $0x0, s1;
	[sflag:s0] =	ssyncset.done @!p0 $0x0  }
0x28a: {  	[sflag:s0] =	ssyncadd.s32 @!p0 s1  }
0x28b: {  	[bflag:$0x3] =	sbarrier.arrive $0xFFFF  }
0x28c: {  	_ =	shalt  }

</sc_bundles>
